<compile_context>
chip_gen: v7x
topology: tpu7x:2x2x1
jax: 0.10.2.dev20260603
libtpu: 0.0.44.dev20260713+nightly
codegen_flags: <defaults>
</compile_context>

<pallas_src>
import functools

import jax
import jax.numpy as jnp
from jax import lax
from jax.experimental import pallas as pl
from jax.experimental.pallas import tpu as pltpu
from jax.experimental.pallas import tpu_sc as plsc

L = 2
D = 768
H = 12
DH = 64
DFF = 1024
G = 4
EPG = 4
E = 16
TOPK = 2
CAP = 320
NCLS = 10
S1 = 2049
SP = 2304
NB = SP // 128
SA = 2176
NBA = SA // 128
NBUF = E * CAP + 8
TRASH = E * CAP
NW = 32
CHUNK = SP // NW

_F32 = jnp.float32


def _dot(a, b):
    return jnp.dot(a, b, preferred_element_type=_F32)


def _dot32(a, b):
    return jnp.dot(a, b, preferred_element_type=_F32)


def _dotbf(a, b):
    return jnp.dot(a.astype(jnp.bfloat16), b, preferred_element_type=_F32)


def _embed_qkv_kernel(xp_ref, w_ref, tab_ref, g_ref, b_ref, wq_ref, bias_ref,
                      h_ref, qkv_ref):
    hh = _dot(xp_ref[...], w_ref[...]) + tab_ref[...]
    h_ref[...] = hh
    t = _ln_rows(hh, g_ref[...], b_ref[...])
    qkv_ref[...] = (_dotbf(t, wq_ref[...]) + bias_ref[...]).astype(jnp.bfloat16)


def _embed_qkv(xp, w_in, table, ln_g, ln_b, wqkv, bqkv):
    return pl.pallas_call(
        _embed_qkv_kernel,
        grid=(4,),
        in_specs=[
            pl.BlockSpec((576, D), lambda i: (i, 0)),
            pl.BlockSpec((D, D), lambda i: (0, 0)),
            pl.BlockSpec((576, D), lambda i: (i, 0)),
            pl.BlockSpec((1, D), lambda i: (0, 0)),
            pl.BlockSpec((1, D), lambda i: (0, 0)),
            pl.BlockSpec((D, 3 * D), lambda i: (0, 0)),
            pl.BlockSpec((1, 3 * D), lambda i: (0, 0)),
        ],
        out_specs=[
            pl.BlockSpec((576, D), lambda i: (i, 0)),
            pl.BlockSpec((576, 3 * D), lambda i: (i, 0)),
        ],
        out_shape=[
            jax.ShapeDtypeStruct((SP, D), _F32),
            jax.ShapeDtypeStruct((SP, 3 * D), jnp.bfloat16),
        ],
    )(xp.astype(jnp.bfloat16), w_in.astype(jnp.bfloat16), table,
      ln_g.reshape(1, D), ln_b.reshape(1, D),
      wqkv.astype(jnp.bfloat16), bqkv.reshape(1, 3 * D))


def _ln_rows(x, g, b):
    m = jnp.mean(x, axis=1, keepdims=True)
    c = x - m
    v = jnp.mean(c * c, axis=1, keepdims=True)
    return c * lax.rsqrt(v + 1e-5) * g + b


def _attn_kernel(qb, q_ref, k_ref, v_ref, out_ref):
    col = lax.broadcasted_iota(jnp.int32, (qb, SA), 1)
    for off in (0, DH):
        q = q_ref[:, off:off + DH]
        k = k_ref[:, off:off + DH]
        s = lax.dot_general(q, k, (((1,), (1,)), ((), ())),
                            preferred_element_type=_F32) * (1.0 / (DH ** 0.5))
        s = jnp.where(col < S1, s, -1e30)
        m = jnp.max(s, axis=1, keepdims=True)
        p = jnp.exp(s - m).astype(jnp.bfloat16)
        ones = jnp.ones((SA, 1), jnp.bfloat16)
        r = _dot(p, ones)
        pv = _dot(p, v_ref[:, off:off + DH])
        out_ref[:, off:off + DH] = (pv / r).astype(jnp.bfloat16)


def _attention(qkv, nqb=2, qb=1152, out_rows=SP):
    return pl.pallas_call(
        functools.partial(_attn_kernel, qb),
        grid=(H // 2, nqb),
        in_specs=[
            pl.BlockSpec((qb, 2 * DH), lambda h, i: (i, h)),
            pl.BlockSpec((SA, 2 * DH), lambda h, i: (0, H // 2 + h)),
            pl.BlockSpec((SA, 2 * DH), lambda h, i: (0, H + h)),
        ],
        out_specs=pl.BlockSpec((qb, 2 * DH), lambda h, i: (i, h)),
        out_shape=jax.ShapeDtypeStruct((out_rows, D), jnp.bfloat16),
    )(qkv, qkv, qkv)


def _router_kernel(rb, o_ref, h_ref, wo_ref, bo_ref, g_ref, b_ref, wcat_ref,
                   hn_ref, xf_ref, d1_ref, d2_ref, s1_ref, s2_ref, cnt_ref):
    blk = pl.program_id(0)

    @pl.when(blk == 0)
    def _init():
        cnt_ref[...] = jnp.zeros_like(cnt_ref)

    hn = h_ref[...] + _dotbf(o_ref[...], wo_ref[...]) + bo_ref[...]
    hn_ref[...] = hn
    xf = _ln_rows(hn, g_ref[...], b_ref[...])
    xf_ref[...] = xf

    z = _dot32(xf, wcat_ref[...])
    zg = z[:, 0:G]
    ze = z[:, G:G + E]

    zg = zg - jnp.max(zg, axis=1, keepdims=True)
    eg = jnp.exp(zg)
    gp = eg / jnp.sum(eg, axis=1, keepdims=True)

    grow = lax.broadcasted_iota(jnp.int32, (G, E), 0)
    gcol = lax.broadcasted_iota(jnp.int32, (G, E), 1)
    expand = (gcol // EPG == grow).astype(_F32)
    gpf = _dot32(gp, expand)

    ze = ze - jnp.max(ze, axis=1, keepdims=True)
    ee = jnp.exp(ze)
    mr = lax.broadcasted_iota(jnp.int32, (E, E), 0)
    mc = lax.broadcasted_iota(jnp.int32, (E, E), 1)
    gmask = (mr // EPG == mc // EPG).astype(_F32)
    seg = _dot32(ee, gmask)
    probs = gpf * ee / seg

    lane = lax.broadcasted_iota(jnp.int32, (rb, E), 1)
    m1 = jnp.max(probs, axis=1, keepdims=True)
    idx1 = jnp.min(jnp.where(probs == m1, lane, E), axis=1, keepdims=True)
    p2 = jnp.where(lane == idx1, -1.0, probs)
    m2 = jnp.max(p2, axis=1, keepdims=True)
    idx2 = jnp.min(jnp.where(p2 == m2, lane, E), axis=1, keepdims=True)
    denom = m1 + m2 + 1e-9
    g1 = m1 / denom
    g2 = m2 / denom

    row = lax.broadcasted_iota(jnp.int32, (rb, 1), 0)
    valid = (blk * rb + row) < S1
    bf = jnp.bfloat16
    oh1 = ((lane == idx1) & valid).astype(bf)
    oh2 = ((lane == idx2) & valid).astype(bf)
    oh = oh1 + oh2

    tr = lax.broadcasted_iota(jnp.int32, (rb, rb), 0)
    tc = lax.broadcasted_iota(jnp.int32, (rb, rb), 1)
    ltri = (tc < tr).astype(bf)
    carry = cnt_ref[0:1, 0:E]
    excl = _dot(ltri, oh) + carry
    cnt_ref[0:1, 0:E] = carry + jnp.sum(oh.astype(_F32), axis=0, keepdims=True)

    oh1f = oh1.astype(_F32)
    oh2f = oh2.astype(_F32)
    r1 = jnp.sum(oh1f * excl, axis=1, keepdims=True)
    r2 = jnp.sum(oh2f * excl, axis=1, keepdims=True)
    kept1 = valid & (r1 < CAP)
    kept2 = valid & (r2 < CAP)
    d1_ref[...] = jnp.where(kept1, idx1 * CAP + r1.astype(jnp.int32), TRASH)
    d2_ref[...] = jnp.where(kept2, idx2 * CAP + r2.astype(jnp.int32), TRASH)
    s1_ref[...] = jnp.where(kept1, g1, 0.0)
    s2_ref[...] = jnp.where(kept2, g2, 0.0)


def _router(o, h, wo, bo, ln_g, ln_b, wcat, nb=3, rb=768):
    return pl.pallas_call(
        functools.partial(_router_kernel, rb),
        grid=(nb,),
        in_specs=[
            pl.BlockSpec((rb, D), lambda i: (i, 0)),
            pl.BlockSpec((rb, D), lambda i: (i, 0)),
            pl.BlockSpec((D, D), lambda i: (0, 0)),
            pl.BlockSpec((1, D), lambda i: (0, 0)),
            pl.BlockSpec((1, D), lambda i: (0, 0)),
            pl.BlockSpec((1, D), lambda i: (0, 0)),
            pl.BlockSpec((D, G + E), lambda i: (0, 0)),
        ],
        out_specs=[
            pl.BlockSpec((rb, D), lambda i: (i, 0)),
            pl.BlockSpec((rb, D), lambda i: (i, 0)),
            pl.BlockSpec((rb, 1), lambda i: (i, 0)),
            pl.BlockSpec((rb, 1), lambda i: (i, 0)),
            pl.BlockSpec((rb, 1), lambda i: (i, 0)),
            pl.BlockSpec((rb, 1), lambda i: (i, 0)),
        ],
        out_shape=[
            jax.ShapeDtypeStruct((nb * rb, D), _F32),
            jax.ShapeDtypeStruct((nb * rb, D), _F32),
            jax.ShapeDtypeStruct((nb * rb, 1), jnp.int32),
            jax.ShapeDtypeStruct((nb * rb, 1), jnp.int32),
            jax.ShapeDtypeStruct((nb * rb, 1), _F32),
            jax.ShapeDtypeStruct((nb * rb, 1), _F32),
        ],
        scratch_shapes=[pltpu.VMEM((8, 128), _F32)],
    )(o, h, wo.astype(jnp.bfloat16), bo.reshape(1, D),
      ln_g.reshape(1, D), ln_b.reshape(1, D), wcat)


def _sc_dispatch(xf, d1, d2):
    mesh = plsc.VectorSubcoreMesh(core_axis_name="c", subcore_axis_name="s",
                                  num_cores=2, num_subcores=16)

    @functools.partial(
        pl.kernel,
        out_type=jax.ShapeDtypeStruct((NBUF, D), _F32),
        mesh=mesh,
        scratch_types=[
            pltpu.VMEM((CHUNK,), jnp.int32),
            pltpu.VMEM((CHUNK,), jnp.int32),
            pltpu.VMEM((CHUNK, D), _F32),
            pltpu.SemaphoreType.DMA,
            pltpu.SemaphoreType.DMA,
            pltpu.SemaphoreType.DMA,
        ],
    )
    def k(xf_hbm, d1_hbm, d2_hbm, buf_hbm, idx1_v, idx2_v, rows_v,
          semr, sem1, sem2):
        wid = lax.axis_index("s") * 2 + lax.axis_index("c")
        base = wid * CHUNK
        cr = pltpu.async_copy(xf_hbm.at[pl.ds(base, CHUNK)], rows_v, semr)
        pltpu.sync_copy(d1_hbm.at[pl.ds(base, CHUNK)], idx1_v)
        pltpu.sync_copy(d2_hbm.at[pl.ds(base, CHUNK)], idx2_v)
        cr.wait()
        c1 = pltpu.async_copy(rows_v, buf_hbm.at[idx1_v], sem1)
        c2 = pltpu.async_copy(rows_v, buf_hbm.at[idx2_v], sem2)
        c1.wait()
        c2.wait()

    return k(xf, d1, d2)


def _sc_gather(y, d1, d2):
    mesh = plsc.VectorSubcoreMesh(core_axis_name="c", subcore_axis_name="s",
                                  num_cores=2, num_subcores=16)

    @functools.partial(
        pl.kernel,
        out_type=(jax.ShapeDtypeStruct((SP, D), _F32),
                  jax.ShapeDtypeStruct((SP, D), _F32)),
        mesh=mesh,
        scratch_types=[
            pltpu.VMEM((CHUNK,), jnp.int32),
            pltpu.VMEM((CHUNK,), jnp.int32),
            pltpu.VMEM((CHUNK, D), _F32),
            pltpu.VMEM((CHUNK, D), _F32),
            pltpu.SemaphoreType.DMA,
            pltpu.SemaphoreType.DMA,
            pltpu.SemaphoreType.DMA,
            pltpu.SemaphoreType.DMA,
        ],
    )
    def k(y_hbm, d1_hbm, d2_hbm, g1_hbm, g2_hbm, idx1_v, idx2_v,
          rows1_v, rows2_v, sem1, sem2, semw1, semw2):
        wid = lax.axis_index("s") * 2 + lax.axis_index("c")
        base = wid * CHUNK
        pltpu.sync_copy(d1_hbm.at[pl.ds(base, CHUNK)], idx1_v)
        pltpu.sync_copy(d2_hbm.at[pl.ds(base, CHUNK)], idx2_v)
        c1 = pltpu.async_copy(y_hbm.at[idx1_v], rows1_v, sem1)
        c2 = pltpu.async_copy(y_hbm.at[idx2_v], rows2_v, sem2)
        c1.wait()
        w1 = pltpu.async_copy(rows1_v, g1_hbm.at[pl.ds(base, CHUNK)], semw1)
        c2.wait()
        w2 = pltpu.async_copy(rows2_v, g2_hbm.at[pl.ds(base, CHUNK)], semw2)
        w1.wait()
        w2.wait()

    return k(y, d1, d2)


def _ffn_kernel(buf_ref, w1_ref, b1_ref, w2_ref, b2_ref, y_ref):
    a = _dotbf(buf_ref[...], w1_ref[0]) + b1_ref[0]
    hgelu = jax.nn.gelu(a)
    y_ref[...] = _dotbf(hgelu, w2_ref[0]) + b2_ref[0]


def _ffn(buf, w1, b1, w2, b2):
    return pl.pallas_call(
        _ffn_kernel,
        grid=(E,),
        in_specs=[
            pl.BlockSpec((CAP, D), lambda e: (e, 0)),
            pl.BlockSpec((1, D, DFF), lambda e: (e, 0, 0)),
            pl.BlockSpec((1, 1, DFF), lambda e: (e, 0, 0)),
            pl.BlockSpec((1, DFF, D), lambda e: (e, 0, 0)),
            pl.BlockSpec((1, 1, D), lambda e: (e, 0, 0)),
        ],
        out_specs=pl.BlockSpec((CAP, D), lambda e: (e, 0)),
        out_shape=jax.ShapeDtypeStruct((NBUF, D), _F32),
    )(buf, w1.astype(jnp.bfloat16), b1.reshape(E, 1, DFF),
      w2.astype(jnp.bfloat16), b2.reshape(E, 1, D))


def _combine_qkv_kernel(h_ref, g1_ref, g2_ref, s1_ref, s2_ref,
                        lg_ref, lb_ref, wq_ref, bias_ref, hc_ref, qkv_ref):
    s1 = s1_ref[...]
    s2 = s2_ref[...]
    t1 = jnp.where(s1 > 0.0, s1 * g1_ref[...], 0.0)
    t2 = jnp.where(s2 > 0.0, s2 * g2_ref[...], 0.0)
    hc = h_ref[...] + t1 + t2
    hc_ref[...] = hc
    t = _ln_rows(hc, lg_ref[...], lb_ref[...])
    qkv_ref[...] = (_dotbf(t, wq_ref[...]) + bias_ref[...]).astype(jnp.bfloat16)


def _combine_qkv(h, gg1, gg2, s1, s2, ln_g, ln_b, wqkv, bqkv):
    return pl.pallas_call(
        _combine_qkv_kernel,
        grid=(4,),
        in_specs=[
            pl.BlockSpec((576, D), lambda i: (i, 0)),
            pl.BlockSpec((576, D), lambda i: (i, 0)),
            pl.BlockSpec((576, D), lambda i: (i, 0)),
            pl.BlockSpec((576, 1), lambda i: (i, 0)),
            pl.BlockSpec((576, 1), lambda i: (i, 0)),
            pl.BlockSpec((1, D), lambda i: (0, 0)),
            pl.BlockSpec((1, D), lambda i: (0, 0)),
            pl.BlockSpec((D, 3 * D), lambda i: (0, 0)),
            pl.BlockSpec((1, 3 * D), lambda i: (0, 0)),
        ],
        out_specs=[
            pl.BlockSpec((576, D), lambda i: (i, 0)),
            pl.BlockSpec((576, 3 * D), lambda i: (i, 0)),
        ],
        out_shape=[
            jax.ShapeDtypeStruct((SP, D), _F32),
            jax.ShapeDtypeStruct((SP, 3 * D), jnp.bfloat16),
        ],
    )(h, gg1, gg2, s1, s2, ln_g.reshape(1, D), ln_b.reshape(1, D),
      wqkv.astype(jnp.bfloat16), bqkv.reshape(1, 3 * D))


def _head_moe_kernel(eids_ref, h0_ref, xf_ref, s_ref, w1_ref, b1_ref,
                     w2_ref, b2_ref, lg_ref, lb_ref, hw_ref, hb_ref,
                     out_ref, acc_ref):
    i = pl.program_id(0)

    @pl.when(i == 0)
    def _init():
        acc_ref[...] = h0_ref[...]

    a = jax.nn.gelu(_dotbf(xf_ref[0:1, :], w1_ref[0]) + b1_ref[0])
    y0 = _dotbf(a, w2_ref[0]) + b2_ref[0]
    sv = s_ref[pl.ds(i, 1), :]
    acc_ref[0:1, :] = acc_ref[0:1, :] + sv * y0

    @pl.when(i == TOPK - 1)
    def _fin():
        rep = _ln_rows(acc_ref[0:1, :], lg_ref[...], lb_ref[...])
        out_ref[...] = _dot32(rep, hw_ref[...]) + hb_ref[...]


def _head_moe(eids, h0, xf0, svec, w1, b1, w2, b2, lnf_g, lnf_b,
              head_w, head_b):
    spec = pltpu.PrefetchScalarGridSpec(
        num_scalar_prefetch=1,
        grid=(TOPK,),
        in_specs=[
            pl.BlockSpec((8, D), lambda i, e: (0, 0)),
            pl.BlockSpec((8, D), lambda i, e: (0, 0)),
            pl.BlockSpec((TOPK, 1), lambda i, e: (0, 0)),
            pl.BlockSpec((1, D, DFF), lambda i, e: (e[i], 0, 0)),
            pl.BlockSpec((1, 1, DFF), lambda i, e: (e[i], 0, 0)),
            pl.BlockSpec((1, DFF, D), lambda i, e: (e[i], 0, 0)),
            pl.BlockSpec((1, 1, D), lambda i, e: (e[i], 0, 0)),
            pl.BlockSpec((1, D), lambda i, e: (0, 0)),
            pl.BlockSpec((1, D), lambda i, e: (0, 0)),
            pl.BlockSpec((D, NCLS), lambda i, e: (0, 0)),
            pl.BlockSpec((1, NCLS), lambda i, e: (0, 0)),
        ],
        out_specs=pl.BlockSpec((1, NCLS), lambda i, e: (0, 0)),
        scratch_shapes=[pltpu.VMEM((8, D), _F32)],
    )
    return pl.pallas_call(
        _head_moe_kernel,
        grid_spec=spec,
        out_shape=jax.ShapeDtypeStruct((1, NCLS), _F32),
    )(eids, h0, xf0, svec, w1.astype(jnp.bfloat16), b1.reshape(E, 1, DFF),
      w2.astype(jnp.bfloat16), b2.reshape(E, 1, D), lnf_g.reshape(1, D),
      lnf_b.reshape(1, D), head_w, head_b.reshape(1, NCLS))


def kernel(x, W_in, b_in, cls_token, pos_emb, ln1_g, ln1_b, Wqkv, bqkv, Wo, bo,
           ln2_g, ln2_b, Wg, We, W1, b1, W2, b2, lnf_g, lnf_b, head_W, head_b):
    xp = jnp.pad(x[0], ((1, SP - 1 - x.shape[1]), (0, 0)))
    table = jnp.concatenate([
        cls_token[0] + pos_emb[0:1],
        pos_emb[1:S1] + b_in[None, :],
        jnp.zeros((SP - S1, D), _F32),
    ], axis=0)

    h, qkv = _embed_qkv(xp, W_in, table, ln1_g[0], ln1_b[0], Wqkv[0], bqkv[0])
    o = _attention(qkv)
    wcat = jnp.concatenate(
        [Wg[0], We[0].transpose(1, 0, 2).reshape(D, E)], axis=1)
    h, xf, d1, d2, s1, s2 = _router(o, h, Wo[0], bo[0],
                                    ln2_g[0], ln2_b[0], wcat)
    d1f = d1.reshape(SP)
    d2f = d2.reshape(SP)
    buf = _sc_dispatch(xf, d1f, d2f)
    y = _ffn(buf, W1[0], b1[0], W2[0], b2[0])
    gg1, gg2 = _sc_gather(y, d1f, d2f)

    h, qkv = _combine_qkv(h, gg1, gg2, s1, s2,
                          ln1_g[1], ln1_b[1], Wqkv[1], bqkv[1])
    o0 = _attention(qkv, nqb=1, qb=128, out_rows=128)
    wcat = jnp.concatenate(
        [Wg[1], We[1].transpose(1, 0, 2).reshape(D, E)], axis=1)
    h0, xf0, d1, d2, s1, s2 = _router(o0, h, Wo[1], bo[1],
                                      ln2_g[1], ln2_b[1], wcat, nb=1, rb=128)
    eids = jnp.stack([d1[0, 0], d2[0, 0]]).astype(jnp.int32) // CAP
    svec = jnp.stack([s1[0, 0], s2[0, 0]]).reshape(TOPK, 1)
    return _head_moe(eids, h0, xf0, svec, W1[1], b1[1], W2[1], b2[1],
                     lnf_g, lnf_b, head_W, head_b)

# --- scband reference (transcript-rebuilt; emitter-appended) ---
"""Pipeline reference for scband-classification-mo-e-78314433675819 (READ-ONLY COPY).

The authoritative reference and input builder live on the scoring server;
editing this copy changes nothing except your own understanding.
"""

import jax, jax.numpy as jnp
import numpy as np

L = 2          # num_layers
D = 768        # d_model
H = 12         # num_heads
DFF = 1024     # d_ff
G = 4          # num_groups
EPG = 4        # experts_per_group
E = G * EPG    # total experts
TOPK = 2
CAP = 320      # expert capacity (~1.25x of T*top_k/E)
MAXSEQ = 2048
NCLS = 10
FEAT = 768


def _p(key, i, shape, std=0.02):
    return jax.random.normal(jax.random.fold_in(key, i), shape, dtype=jnp.float32) * std


def setup_inputs(seed: int = 0) -> dict:
    key = jax.random.key(seed)
    d = {}
    d["x"] = jax.random.normal(jax.random.fold_in(key, 0), (1, 2048, FEAT), dtype=jnp.float32)
    d["W_in"] = _p(key, 1, (FEAT, D))
    d["b_in"] = jnp.zeros((D,), jnp.float32)
    d["cls_token"] = _p(key, 2, (1, 1, D))
    d["pos_emb"] = _p(key, 3, (MAXSEQ + 1, D))
    d["ln1_g"] = jnp.ones((L, D), jnp.float32)
    d["ln1_b"] = jnp.zeros((L, D), jnp.float32)
    d["Wqkv"] = _p(key, 4, (L, D, 3 * D))
    d["bqkv"] = jnp.zeros((L, 3 * D), jnp.float32)
    d["Wo"] = _p(key, 5, (L, D, D))
    d["bo"] = jnp.zeros((L, D), jnp.float32)
    d["ln2_g"] = jnp.ones((L, D), jnp.float32)
    d["ln2_b"] = jnp.zeros((L, D), jnp.float32)
    d["Wg"] = _p(key, 6, (L, D, G))
    d["We"] = _p(key, 7, (L, G, D, EPG))
    d["W1"] = _p(key, 8, (L, E, D, DFF))
    d["b1"] = jnp.zeros((L, E, DFF), jnp.float32)
    d["W2"] = _p(key, 9, (L, E, DFF, D))
    d["b2"] = jnp.zeros((L, E, D), jnp.float32)
    d["lnf_g"] = jnp.ones((D,), jnp.float32)
    d["lnf_b"] = jnp.zeros((D,), jnp.float32)
    d["head_W"] = _p(key, 10, (D, NCLS))
    d["head_b"] = jnp.zeros((NCLS,), jnp.float32)
    return d


def _ln(x, g, b):
    m = x.mean(-1, keepdims=True)
    v = x.var(-1, keepdims=True)
    return (x - m) / jnp.sqrt(v + 1e-5) * g + b


def _mha(x, Wqkv, bqkv, Wo, bo):
    B, S, _ = x.shape
    dh = D // H
    qkv = x @ Wqkv + bqkv
    q, k, v = jnp.split(qkv, 3, axis=-1)
    def rs(t):
        return t.reshape(B, S, H, dh).transpose(0, 2, 1, 3)
    q, k, v = rs(q), rs(k), rs(v)
    scores = (q @ k.transpose(0, 1, 3, 2)) / jnp.sqrt(jnp.float32(dh))
    a = jax.nn.softmax(scores, axis=-1)  # bidirectional (causal_mask=None)
    o = (a @ v).transpose(0, 2, 1, 3).reshape(B, S, D)
    return o @ Wo + bo


def _moe(xf, Wg, We, W1, b1, W2, b2):
    # Hierarchical router: softmax over groups x softmax over experts within group
    T, d = xf.shape
    gp = jax.nn.softmax(xf @ Wg, axis=-1)                       # (T, G)
    ep = jax.nn.softmax(jnp.einsum('td,gde->tge', xf, We), -1)  # (T, G, EPG)
    probs = (gp[:, :, None] * ep).reshape(T, E)
    gates, idx = jax.lax.top_k(probs, TOPK)                     # (T, k)
    gates = gates / (gates.sum(-1, keepdims=True) + 1e-9)
    flat_e = idx.reshape(-1)
    flat_g = gates.reshape(-1)
    flat_t = jnp.repeat(jnp.arange(T), TOPK)
    oh = jax.nn.one_hot(flat_e, E, dtype=jnp.float32)
    rank = jnp.sum((jnp.cumsum(oh, axis=0) - oh) * oh, axis=1).astype(jnp.int32)
    keep = (rank < CAP).astype(xf.dtype)
    safe = jnp.where(rank < CAP, rank, 0)
    buf = jnp.zeros((E, CAP, d), xf.dtype).at[flat_e, safe].add(xf[flat_t] * keep[:, None])
    h = jax.nn.gelu(jnp.einsum('ecd,edf->ecf', buf, W1) + b1[:, None, :])
    y = jnp.einsum('ecf,efd->ecd', h, W2) + b2[:, None, :]
    comb = y[flat_e, safe] * (keep * flat_g)[:, None]
    return jnp.zeros((T, d), xf.dtype).at[flat_t].add(comb)


def reference(x, W_in, b_in, cls_token, pos_emb, ln1_g, ln1_b, Wqkv, bqkv, Wo, bo,
              ln2_g, ln2_b, Wg, We, W1, b1, W2, b2, lnf_g, lnf_b, head_W, head_b):
    B, S, _ = x.shape
    S = min(S, MAXSEQ)
    h = x[:, :S, :] @ W_in + b_in
    cls = jnp.broadcast_to(cls_token, (B, 1, D))
    h = jnp.concatenate([cls, h], axis=1)               # (B, S+1, D)
    h = h + pos_emb[:S + 1][None, :, :]
    for i in range(L):
        a = _mha(_ln(h, ln1_g[i], ln1_b[i]), Wqkv[i], bqkv[i], Wo[i], bo[i])
        h = h + a
        T = B * (S + 1)
        m = _moe(_ln(h, ln2_g[i], ln2_b[i]).reshape(T, D), Wg[i], We[i], W1[i], b1[i], W2[i], b2[i])
        h = h + m.reshape(B, S + 1, D)
    rep = h[:, 0, :]                                    # [CLS] pooling
    rep = _ln(rep, lnf_g, lnf_b)
    return rep @ head_W + head_b

if __name__ == "__main__":
    import jax
    _d = setup_inputs()
    print(jax.jit(kernel)(*tuple(_d.values())))

</pallas_src>

<mosaic_0001>
#map = affine_map<(d0, d1) -> (0, 0)>
#map1 = affine_map<(d0, d1) -> (0)>
module attributes {stable_mosaic.version = 14 : i64} {
  func.func @k(%arg0: i32, %arg1: i32, %arg2: memref<2304x768xf32, #tpu.memory_space<hbm>>, %arg3: memref<2304xi32, #tpu.memory_space<hbm>>, %arg4: memref<2304xi32, #tpu.memory_space<hbm>>, %arg5: memref<5128x768xf32, #tpu.memory_space<hbm>>, %arg6: memref<72xi32, #tpu.memory_space<vmem>>, %arg7: memref<72xi32, #tpu.memory_space<vmem>>, %arg8: memref<72x768xf32, #tpu.memory_space<vmem>>, %arg9: memref<!tpu.dma_semaphore, #tpu.memory_space<semaphore_mem>>, %arg10: memref<!tpu.dma_semaphore, #tpu.memory_space<semaphore_mem>>, %arg11: memref<!tpu.dma_semaphore, #tpu.memory_space<semaphore_mem>>) attributes {dimension_semantics = [#tpu.dimension_semantics<core_parallel>, #tpu.dimension_semantics<subcore_parallel>], iteration_bounds = array<i64: 2, 16>, scalar_prefetch = 0 : i64, scratch_operands = 6 : i64, tpu.core_type = #tpu.core_type<sc_vector_subcore>, window_params = [{transform_indices = #map}, {transform_indices = #map1}, {transform_indices = #map1}, {transform_indices = #map}]} {
    %mul3A = arith.constant 2 : i32
    %mul3A_0 = arith.muli %arg1, %mul3A : i32
    %add3A = arith.addi %mul3A_0, %arg0 : i32
    %mul3A_1 = arith.constant 72 : i32
    %mul3A_2 = arith.muli %add3A, %mul3A_1 : i32
    %dma_start3A = arith.constant 0 : i32
    %dma_start3A_3 = tpu.memref_slice %arg2[%mul3A_2, %dma_start3A] : memref<2304x768xf32, #tpu.memory_space<hbm>> -> memref<72x768xf32, #tpu.memory_space<hbm>>
    %dma_start3A_4 = arith.constant 0 : i32
    %dma_start3A_5 = tpu.memref_slice %arg2[%mul3A_2, %dma_start3A_4] : memref<2304x768xf32, #tpu.memory_space<hbm>> -> memref<72x768xf32, #tpu.memory_space<hbm>>
    tpu.enqueue_dma source(%dma_start3A_5 : memref<72x768xf32, #tpu.memory_space<hbm>>) target(%arg8 : memref<72x768xf32, #tpu.memory_space<vmem>>) target_semaphore(%arg9 : memref<!tpu.dma_semaphore, #tpu.memory_space<semaphore_mem>>)
    "tpu.region"() ({
      %run_scoped3A = tpu.sem_alloc : memref<!tpu.dma_semaphore, #tpu.memory_space<semaphore_mem>>
      %dma_start3A_21 = tpu.memref_slice %arg3[%mul3A_2] : memref<2304xi32, #tpu.memory_space<hbm>> -> memref<72xi32, #tpu.memory_space<hbm>>
      %dma_start3A_22 = tpu.memref_slice %arg3[%mul3A_2] : memref<2304xi32, #tpu.memory_space<hbm>> -> memref<72xi32, #tpu.memory_space<hbm>>
      tpu.enqueue_dma source(%dma_start3A_22 : memref<72xi32, #tpu.memory_space<hbm>>) target(%arg6 : memref<72xi32, #tpu.memory_space<vmem>>) target_semaphore(%run_scoped3A : memref<!tpu.dma_semaphore, #tpu.memory_space<semaphore_mem>>)
      %dma_wait3A_23 = tpu.memref_slice %arg3[%mul3A_2] : memref<2304xi32, #tpu.memory_space<hbm>> -> memref<72xi32, #tpu.memory_space<hbm>>
      %dma_wait3A_24 = tpu.memref_slice %arg3[%mul3A_2] : memref<2304xi32, #tpu.memory_space<hbm>> -> memref<72xi32, #tpu.memory_space<hbm>>
      tpu.wait_dma2 semaphore(%run_scoped3A : memref<!tpu.dma_semaphore, #tpu.memory_space<semaphore_mem>>) src(%dma_wait3A_24 : memref<72xi32, #tpu.memory_space<hbm>>) dst(%arg6 : memref<72xi32, #tpu.memory_space<vmem>>)
      tpu.yield
    }) : () -> ()
    "tpu.region"() ({
      %run_scoped3A = tpu.sem_alloc : memref<!tpu.dma_semaphore, #tpu.memory_space<semaphore_mem>>
      %dma_start3A_21 = tpu.memref_slice %arg4[%mul3A_2] : memref<2304xi32, #tpu.memory_space<hbm>> -> memref<72xi32, #tpu.memory_space<hbm>>
      %dma_start3A_22 = tpu.memref_slice %arg4[%mul3A_2] : memref<2304xi32, #tpu.memory_space<hbm>> -> memref<72xi32, #tpu.memory_space<hbm>>
      tpu.enqueue_dma source(%dma_start3A_22 : memref<72xi32, #tpu.memory_space<hbm>>) target(%arg7 : memref<72xi32, #tpu.memory_space<vmem>>) target_semaphore(%run_scoped3A : memref<!tpu.dma_semaphore, #tpu.memory_space<semaphore_mem>>)
      %dma_wait3A_23 = tpu.memref_slice %arg4[%mul3A_2] : memref<2304xi32, #tpu.memory_space<hbm>> -> memref<72xi32, #tpu.memory_space<hbm>>
      %dma_wait3A_24 = tpu.memref_slice %arg4[%mul3A_2] : memref<2304xi32, #tpu.memory_space<hbm>> -> memref<72xi32, #tpu.memory_space<hbm>>
      tpu.wait_dma2 semaphore(%run_scoped3A : memref<!tpu.dma_semaphore, #tpu.memory_space<semaphore_mem>>) src(%dma_wait3A_24 : memref<72xi32, #tpu.memory_space<hbm>>) dst(%arg7 : memref<72xi32, #tpu.memory_space<vmem>>)
      tpu.yield
    }) : () -> ()
    %dma_wait3A = arith.constant 0 : i32
    %dma_wait3A_6 = tpu.memref_slice %arg2[%mul3A_2, %dma_wait3A] : memref<2304x768xf32, #tpu.memory_space<hbm>> -> memref<72x768xf32, #tpu.memory_space<hbm>>
    %dma_wait3A_7 = arith.constant 0 : i32
    %dma_wait3A_8 = tpu.memref_slice %arg2[%mul3A_2, %dma_wait3A_7] : memref<2304x768xf32, #tpu.memory_space<hbm>> -> memref<72x768xf32, #tpu.memory_space<hbm>>
    tpu.wait_dma2 semaphore(%arg9 : memref<!tpu.dma_semaphore, #tpu.memory_space<semaphore_mem>>) src(%dma_wait3A_8 : memref<72x768xf32, #tpu.memory_space<hbm>>) dst(%arg8 : memref<72x768xf32, #tpu.memory_space<vmem>>)
    %dma_start3A_9 = arith.constant 0 : i32
    %dma_start3A_10 = arith.constant 0 : i32
    %dma_start3A_11 = tpu.memref_slice %arg5[%dma_start3A_9, %dma_start3A_10] : memref<5128x768xf32, #tpu.memory_space<hbm>> -> memref<5128x768xf32, #tpu.memory_space<hbm>>
    tpu.enqueue_indirect_dma source(%arg8 : memref<72x768xf32, #tpu.memory_space<vmem>>) target(%dma_start3A_11 : memref<5128x768xf32, #tpu.memory_space<hbm>>) offsets(%arg6 : memref<72xi32, #tpu.memory_space<vmem>>) semaphore(%arg10 : memref<!tpu.dma_semaphore, #tpu.memory_space<semaphore_mem>>)
    %dma_start3A_12 = arith.constant 0 : i32
    %dma_start3A_13 = arith.constant 0 : i32
    %dma_start3A_14 = tpu.memref_slice %arg5[%dma_start3A_12, %dma_start3A_13] : memref<5128x768xf32, #tpu.memory_space<hbm>> -> memref<5128x768xf32, #tpu.memory_space<hbm>>
    tpu.enqueue_indirect_dma source(%arg8 : memref<72x768xf32, #tpu.memory_space<vmem>>) target(%dma_start3A_14 : memref<5128x768xf32, #tpu.memory_space<hbm>>) offsets(%arg7 : memref<72xi32, #tpu.memory_space<vmem>>) semaphore(%arg11 : memref<!tpu.dma_semaphore, #tpu.memory_space<semaphore_mem>>)
    %dma_wait3A_15 = arith.constant 0 : i32
    %dma_wait3A_16 = arith.constant 0 : i32
    %dma_wait3A_17 = tpu.memref_slice %arg5[%dma_wait3A_15, %dma_wait3A_16] : memref<5128x768xf32, #tpu.memory_space<hbm>> -> memref<5128x768xf32, #tpu.memory_space<hbm>>
    tpu.wait_indirect_dma semaphore(%arg10 : memref<!tpu.dma_semaphore, #tpu.memory_space<semaphore_mem>>) src(%arg8 : memref<72x768xf32, #tpu.memory_space<vmem>>) dst(%dma_wait3A_17 : memref<5128x768xf32, #tpu.memory_space<hbm>>)
    %dma_wait3A_18 = arith.constant 0 : i32
    %dma_wait3A_19 = arith.constant 0 : i32
    %dma_wait3A_20 = tpu.memref_slice %arg5[%dma_wait3A_18, %dma_wait3A_19] : memref<5128x768xf32, #tpu.memory_space<hbm>> -> memref<5128x768xf32, #tpu.memory_space<hbm>>
    tpu.wait_indirect_dma semaphore(%arg11 : memref<!tpu.dma_semaphore, #tpu.memory_space<semaphore_mem>>) src(%arg8 : memref<72x768xf32, #tpu.memory_space<vmem>>) dst(%dma_wait3A_20 : memref<5128x768xf32, #tpu.memory_space<hbm>>)
    return
  }
}

#map = affine_map<(d0, d1) -> (0, 0)>
#map1 = affine_map<(d0, d1) -> (0)>
module attributes {stable_mosaic.version = 14 : i64} {
  func.func @k(%arg0: i32, %arg1: i32, %arg2: memref<5128x768xf32, #tpu.memory_space<hbm>>, %arg3: memref<2304xi32, #tpu.memory_space<hbm>>, %arg4: memref<2304xi32, #tpu.memory_space<hbm>>, %arg5: memref<2304x768xf32, #tpu.memory_space<hbm>>, %arg6: memref<2304x768xf32, #tpu.memory_space<hbm>>, %arg7: memref<72xi32, #tpu.memory_space<vmem>>, %arg8: memref<72xi32, #tpu.memory_space<vmem>>, %arg9: memref<72x768xf32, #tpu.memory_space<vmem>>, %arg10: memref<72x768xf32, #tpu.memory_space<vmem>>, %arg11: memref<!tpu.dma_semaphore, #tpu.memory_space<semaphore_mem>>, %arg12: memref<!tpu.dma_semaphore, #tpu.memory_space<semaphore_mem>>, %arg13: memref<!tpu.dma_semaphore, #tpu.memory_space<semaphore_mem>>, %arg14: memref<!tpu.dma_semaphore, #tpu.memory_space<semaphore_mem>>) attributes {dimension_semantics = [#tpu.dimension_semantics<core_parallel>, #tpu.dimension_semantics<subcore_parallel>], iteration_bounds = array<i64: 2, 16>, scalar_prefetch = 0 : i64, scratch_operands = 8 : i64, tpu.core_type = #tpu.core_type<sc_vector_subcore>, window_params = [{transform_indices = #map}, {transform_indices = #map1}, {transform_indices = #map1}, {transform_indices = #map}, {transform_indices = #map}]} {
    %mul3A = arith.constant 2 : i32
    %mul3A_0 = arith.muli %arg1, %mul3A : i32
    %add3A = arith.addi %mul3A_0, %arg0 : i32
    %mul3A_1 = arith.constant 72 : i32
    %mul3A_2 = arith.muli %add3A, %mul3A_1 : i32
    "tpu.region"() ({
      %run_scoped3A = tpu.sem_alloc : memref<!tpu.dma_semaphore, #tpu.memory_space<semaphore_mem>>
      %dma_start3A_29 = tpu.memref_slice %arg3[%mul3A_2] : memref<2304xi32, #tpu.memory_space<hbm>> -> memref<72xi32, #tpu.memory_space<hbm>>
      %dma_start3A_30 = tpu.memref_slice %arg3[%mul3A_2] : memref<2304xi32, #tpu.memory_space<hbm>> -> memref<72xi32, #tpu.memory_space<hbm>>
      tpu.enqueue_dma source(%dma_start3A_30 : memref<72xi32, #tpu.memory_space<hbm>>) target(%arg7 : memref<72xi32, #tpu.memory_space<vmem>>) target_semaphore(%run_scoped3A : memref<!tpu.dma_semaphore, #tpu.memory_space<semaphore_mem>>)
      %dma_wait3A_31 = tpu.memref_slice %arg3[%mul3A_2] : memref<2304xi32, #tpu.memory_space<hbm>> -> memref<72xi32, #tpu.memory_space<hbm>>
      %dma_wait3A_32 = tpu.memref_slice %arg3[%mul3A_2] : memref<2304xi32, #tpu.memory_space<hbm>> -> memref<72xi32, #tpu.memory_space<hbm>>
      tpu.wait_dma2 semaphore(%run_scoped3A : memref<!tpu.dma_semaphore, #tpu.memory_space<semaphore_mem>>) src(%dma_wait3A_32 : memref<72xi32, #tpu.memory_space<hbm>>) dst(%arg7 : memref<72xi32, #tpu.memory_space<vmem>>)
      tpu.yield
    }) : () -> ()
    "tpu.region"() ({
      %run_scoped3A = tpu.sem_alloc : memref<!tpu.dma_semaphore, #tpu.memory_space<semaphore_mem>>
      %dma_start3A_29 = tpu.memref_slice %arg4[%mul3A_2] : memref<2304xi32, #tpu.memory_space<hbm>> -> memref<72xi32, #tpu.memory_space<hbm>>
      %dma_start3A_30 = tpu.memref_slice %arg4[%mul3A_2] : memref<2304xi32, #tpu.memory_space<hbm>> -> memref<72xi32, #tpu.memory_space<hbm>>
      tpu.enqueue_dma source(%dma_start3A_30 : memref<72xi32, #tpu.memory_space<hbm>>) target(%arg8 : memref<72xi32, #tpu.memory_space<vmem>>) target_semaphore(%run_scoped3A : memref<!tpu.dma_semaphore, #tpu.memory_space<semaphore_mem>>)
      %dma_wait3A_31 = tpu.memref_slice %arg4[%mul3A_2] : memref<2304xi32, #tpu.memory_space<hbm>> -> memref<72xi32, #tpu.memory_space<hbm>>
      %dma_wait3A_32 = tpu.memref_slice %arg4[%mul3A_2] : memref<2304xi32, #tpu.memory_space<hbm>> -> memref<72xi32, #tpu.memory_space<hbm>>
      tpu.wait_dma2 semaphore(%run_scoped3A : memref<!tpu.dma_semaphore, #tpu.memory_space<semaphore_mem>>) src(%dma_wait3A_32 : memref<72xi32, #tpu.memory_space<hbm>>) dst(%arg8 : memref<72xi32, #tpu.memory_space<vmem>>)
      tpu.yield
    }) : () -> ()
    %dma_start3A = arith.constant 0 : i32
    %dma_start3A_3 = arith.constant 0 : i32
    %dma_start3A_4 = tpu.memref_slice %arg2[%dma_start3A, %dma_start3A_3] : memref<5128x768xf32, #tpu.memory_space<hbm>> -> memref<5128x768xf32, #tpu.memory_space<hbm>>
    tpu.enqueue_indirect_dma source(%dma_start3A_4 : memref<5128x768xf32, #tpu.memory_space<hbm>>) target(%arg9 : memref<72x768xf32, #tpu.memory_space<vmem>>) offsets(%arg7 : memref<72xi32, #tpu.memory_space<vmem>>) semaphore(%arg11 : memref<!tpu.dma_semaphore, #tpu.memory_space<semaphore_mem>>)
    %dma_start3A_5 = arith.constant 0 : i32
    %dma_start3A_6 = arith.constant 0 : i32
    %dma_start3A_7 = tpu.memref_slice %arg2[%dma_start3A_5, %dma_start3A_6] : memref<5128x768xf32, #tpu.memory_space<hbm>> -> memref<5128x768xf32, #tpu.memory_space<hbm>>
    tpu.enqueue_indirect_dma source(%dma_start3A_7 : memref<5128x768xf32, #tpu.memory_space<hbm>>) target(%arg10 : memref<72x768xf32, #tpu.memory_space<vmem>>) offsets(%arg8 : memref<72xi32, #tpu.memory_space<vmem>>) semaphore(%arg12 : memref<!tpu.dma_semaphore, #tpu.memory_space<semaphore_mem>>)
    %dma_wait3A = arith.constant 0 : i32
    %dma_wait3A_8 = arith.constant 0 : i32
    %dma_wait3A_9 = tpu.memref_slice %arg2[%dma_wait3A, %dma_wait3A_8] : memref<5128x768xf32, #tpu.memory_space<hbm>> -> memref<5128x768xf32, #tpu.memory_space<hbm>>
    tpu.wait_indirect_dma semaphore(%arg11 : memref<!tpu.dma_semaphore, #tpu.memory_space<semaphore_mem>>) src(%dma_wait3A_9 : memref<5128x768xf32, #tpu.memory_space<hbm>>) dst(%arg9 : memref<72x768xf32, #tpu.memory_space<vmem>>)
    %dma_start3A_10 = arith.constant 0 : i32
    %dma_start3A_11 = tpu.memref_slice %arg5[%mul3A_2, %dma_start3A_10] : memref<2304x768xf32, #tpu.memory_space<hbm>> -> memref<72x768xf32, #tpu.memory_space<hbm>>
    %dma_start3A_12 = arith.constant 0 : i32
    %dma_start3A_13 = tpu.memref_slice %arg5[%mul3A_2, %dma_start3A_12] : memref<2304x768xf32, #tpu.memory_space<hbm>> -> memref<72x768xf32, #tpu.memory_space<hbm>>
    tpu.enqueue_dma source(%arg9 : memref<72x768xf32, #tpu.memory_space<vmem>>) target(%dma_start3A_13 : memref<72x768xf32, #tpu.memory_space<hbm>>) target_semaphore(%arg13 : memref<!tpu.dma_semaphore, #tpu.memory_space<semaphore_mem>>)
    %dma_wait3A_14 = arith.constant 0 : i32
    %dma_wait3A_15 = arith.constant 0 : i32
    %dma_wait3A_16 = tpu.memref_slice %arg2[%dma_wait3A_14, %dma_wait3A_15] : memref<5128x768xf32, #tpu.memory_space<hbm>> -> memref<5128x768xf32, #tpu.memory_space<hbm>>
    tpu.wait_indirect_dma semaphore(%arg12 : memref<!tpu.dma_semaphore, #tpu.memory_space<semaphore_mem>>) src(%dma_wait3A_16 : memref<5128x768xf32, #tpu.memory_space<hbm>>) dst(%arg10 : memref<72x768xf32, #tpu.memory_space<vmem>>)
    %dma_start3A_17 = arith.constant 0 : i32
    %dma_start3A_18 = tpu.memref_slice %arg6[%mul3A_2, %dma_start3A_17] : memref<2304x768xf32, #tpu.memory_space<hbm>> -> memref<72x768xf32, #tpu.memory_space<hbm>>
    %dma_start3A_19 = arith.constant 0 : i32
    %dma_start3A_20 = tpu.memref_slice %arg6[%mul3A_2, %dma_start3A_19] : memref<2304x768xf32, #tpu.memory_space<hbm>> -> memref<72x768xf32, #tpu.memory_space<hbm>>
    tpu.enqueue_dma source(%arg10 : memref<72x768xf32, #tpu.memory_space<vmem>>) target(%dma_start3A_20 : memref<72x768xf32, #tpu.memory_space<hbm>>) target_semaphore(%arg14 : memref<!tpu.dma_semaphore, #tpu.memory_space<semaphore_mem>>)
    %dma_wait3A_21 = arith.constant 0 : i32
    %dma_wait3A_22 = tpu.memref_slice %arg5[%mul3A_2, %dma_wait3A_21] : memref<2304x768xf32, #tpu.memory_space<hbm>> -> memref<72x768xf32, #tpu.memory_space<hbm>>
    %dma_wait3A_23 = arith.constant 0 : i32
    %dma_wait3A_24 = tpu.memref_slice %arg5[%mul3A_2, %dma_wait3A_23] : memref<2304x768xf32, #tpu.memory_space<hbm>> -> memref<72x768xf32, #tpu.memory_space<hbm>>
    tpu.wait_dma2 semaphore(%arg13 : memref<!tpu.dma_semaphore, #tpu.memory_space<semaphore_mem>>) src(%arg9 : memref<72x768xf32, #tpu.memory_space<vmem>>) dst(%dma_wait3A_24 : memref<72x768xf32, #tpu.memory_space<hbm>>)
    %dma_wait3A_25 = arith.constant 0 : i32
    %dma_wait3A_26 = tpu.memref_slice %arg6[%mul3A_2, %dma_wait3A_25] : memref<2304x768xf32, #tpu.memory_space<hbm>> -> memref<72x768xf32, #tpu.memory_space<hbm>>
    %dma_wait3A_27 = arith.constant 0 : i32
    %dma_wait3A_28 = tpu.memref_slice %arg6[%mul3A_2, %dma_wait3A_27] : memref<2304x768xf32, #tpu.memory_space<hbm>> -> memref<72x768xf32, #tpu.memory_space<hbm>>
    tpu.wait_dma2 semaphore(%arg14 : memref<!tpu.dma_semaphore, #tpu.memory_space<semaphore_mem>>) src(%arg10 : memref<72x768xf32, #tpu.memory_space<vmem>>) dst(%dma_wait3A_28 : memref<72x768xf32, #tpu.memory_space<hbm>>)
    return
  }
}

module attributes {stable_mosaic.version = 14 : i64} {
  func.func @_embed_qkv_kernel(%arg0: i32, %arg1: memref<576x768xbf16, #tpu.memory_space<vmem>>, %arg2: memref<768x768xbf16, #tpu.memory_space<vmem>>, %arg3: memref<576x768xf32, #tpu.memory_space<vmem>>, %arg4: memref<1x768xf32, #tpu.memory_space<vmem>>, %arg5: memref<1x768xf32, #tpu.memory_space<vmem>>, %arg6: memref<768x2304xbf16, #tpu.memory_space<vmem>>, %arg7: memref<1x2304xf32, #tpu.memory_space<vmem>>, %arg8: memref<576x768xf32, #tpu.memory_space<vmem>>, %arg9: memref<576x2304xbf16, #tpu.memory_space<vmem>>) attributes {dimension_semantics = [#tpu.dimension_semantics<arbitrary>], iteration_bounds = array<i64: 4>, scalar_prefetch = 0 : i64, scratch_operands = 0 : i64, tpu.core_type = #tpu.core_type<tc>, window_params = [{transform_indices = @transform_0, window_bounds = array<i64: 576, 768>}, {pipeline_mode = #tpu.pipeline_mode<synchronous>, transform_indices = @transform_1, window_bounds = array<i64: 768, 768>}, {transform_indices = @transform_2, window_bounds = array<i64: 576, 768>}, {pipeline_mode = #tpu.pipeline_mode<synchronous>, transform_indices = @transform_3, window_bounds = array<i64: 1, 768>}, {pipeline_mode = #tpu.pipeline_mode<synchronous>, transform_indices = @transform_4, window_bounds = array<i64: 1, 768>}, {pipeline_mode = #tpu.pipeline_mode<synchronous>, transform_indices = @transform_5, window_bounds = array<i64: 768, 2304>}, {pipeline_mode = #tpu.pipeline_mode<synchronous>, transform_indices = @transform_6, window_bounds = array<i64: 1, 2304>}, {transform_indices = @transform_7, window_bounds = array<i64: 576, 768>}, {transform_indices = @transform_8, window_bounds = array<i64: 576, 2304>}]} {
    %get3A = arith.constant 0 : index
    %get3A_0 = arith.constant 0 : index
    %get3A_1 = vector.load %arg1[%get3A, %get3A_0] : memref<576x768xbf16, #tpu.memory_space<vmem>>, vector<576x768xbf16>
    %get3A_2 = arith.constant 0 : index
    %get3A_3 = arith.constant 0 : index
    %get3A_4 = vector.load %arg2[%get3A_2, %get3A_3] : memref<768x768xbf16, #tpu.memory_space<vmem>>, vector<768x768xbf16>
    %dot_general3A = arith.constant dense<0.000000e+00> : vector<576x768xf32>
    %dot_general3A_5 = tpu.matmul %get3A_1, %get3A_4, %dot_general3A {dimension_numbers = #tpu.dot_dimension_numbers<[1], [0], [0], [1], [0, 0, 1, 1], [], []>, transpose_lhs_hint = false} : vector<576x768xbf16>, vector<768x768xbf16>, vector<576x768xf32> -> vector<576x768xf32>
    %get3A_6 = arith.constant 0 : index
    %get3A_7 = arith.constant 0 : index
    %get3A_8 = vector.load %arg3[%get3A_6, %get3A_7] : memref<576x768xf32, #tpu.memory_space<vmem>>, vector<576x768xf32>
    %add3A = arith.addf %dot_general3A_5, %get3A_8 : vector<576x768xf32>
    %swap3A = arith.constant 0 : index
    %swap3A_9 = arith.constant 0 : index
    %swap3A_10 = vector.load %arg8[%swap3A, %swap3A_9] : memref<576x768xf32, #tpu.memory_space<vmem>>, vector<576x768xf32>
    tpu.vector_store %arg8[%swap3A, %swap3A_9], %add3A {strides = array<i32>} : memref<576x768xf32, #tpu.memory_space<vmem>>, vector<576x768xf32>,
    %get3A_11 = arith.constant 0 : index
    %get3A_12 = arith.constant 0 : index
    %get3A_13 = vector.load %arg4[%get3A_11, %get3A_12] : memref<1x768xf32, #tpu.memory_space<vmem>>, vector<1x768xf32>
    %get3A_14 = arith.constant 0 : index
    %get3A_15 = arith.constant 0 : index
    %get3A_16 = vector.load %arg5[%get3A_14, %get3A_15] : memref<1x768xf32, #tpu.memory_space<vmem>>, vector<1x768xf32>
    %reduce_sum3A = arith.constant dense<0.000000e+00> : vector<576xf32>
    %reduce_sum3A_17 = vector.multi_reduction <add>, %add3A, %reduce_sum3A [1] : vector<576x768xf32> to vector<576xf32>
    %broadcast_in_dim3A = vector.shape_cast %reduce_sum3A_17 : vector<576xf32> to vector<576x1xf32>
    %div3A = arith.constant 7.680000e+02 : f32
    %div3A_18 = vector.broadcast %div3A : f32 to vector<576x1xf32>
    %div3A_19 = arith.divf %broadcast_in_dim3A, %div3A_18 : vector<576x1xf32>
    %sub3A = vector.broadcast %div3A_19 : vector<576x1xf32> to vector<576x768xf32>
    %sub3A_20 = arith.subf %add3A, %sub3A : vector<576x768xf32>
    %mul3A = arith.mulf %sub3A_20, %sub3A_20 : vector<576x768xf32>
    %reduce_sum3A_21 = arith.constant dense<0.000000e+00> : vector<576xf32>
    %reduce_sum3A_22 = vector.multi_reduction <add>, %mul3A, %reduce_sum3A_21 [1] : vector<576x768xf32> to vector<576xf32>
    %broadcast_in_dim3A_23 = vector.shape_cast %reduce_sum3A_22 : vector<576xf32> to vector<576x1xf32>
    %div3A_24 = arith.constant 7.680000e+02 : f32
    %div3A_25 = vector.broadcast %div3A_24 : f32 to vector<576x1xf32>
    %div3A_26 = arith.divf %broadcast_in_dim3A_23, %div3A_25 : vector<576x1xf32>
    %add3A_27 = arith.constant 9.99999974E-6 : f32
    %add3A_28 = vector.broadcast %add3A_27 : f32 to vector<576x1xf32>
    %add3A_29 = arith.addf %div3A_26, %add3A_28 : vector<576x1xf32>
    %rsqrt3A = math.rsqrt %add3A_29 : vector<576x1xf32>
    %mul3A_30 = vector.broadcast %rsqrt3A : vector<576x1xf32> to vector<576x768xf32>
    %mul3A_31 = arith.mulf %sub3A_20, %mul3A_30 : vector<576x768xf32>
    %mul3A_32 = vector.broadcast %get3A_13 : vector<1x768xf32> to vector<576x768xf32>
    %mul3A_33 = arith.mulf %mul3A_31, %mul3A_32 : vector<576x768xf32>
    %add3A_34 = vector.broadcast %get3A_16 : vector<1x768xf32> to vector<576x768xf32>
    %add3A_35 = arith.addf %mul3A_33, %add3A_34 : vector<576x768xf32>
    %get3A_36 = arith.constant 0 : index
    %get3A_37 = arith.constant 0 : index
    %get3A_38 = vector.load %arg6[%get3A_36, %get3A_37] : memref<768x2304xbf16, #tpu.memory_space<vmem>>, vector<768x2304xbf16>
    %convert_element_type3A = arith.truncf %add3A_35 : vector<576x768xf32> to vector<576x768xbf16>
    %dot_general3A_39 = arith.constant dense<0.000000e+00> : vector<576x2304xf32>
    %dot_general3A_40 = tpu.matmul %convert_element_type3A, %get3A_38, %dot_general3A_39 {dimension_numbers = #tpu.dot_dimension_numbers<[1], [0], [0], [1], [0, 0, 1, 1], [], []>, transpose_lhs_hint = false} : vector<576x768xbf16>, vector<768x2304xbf16>, vector<576x2304xf32> -> vector<576x2304xf32>
    %get3A_41 = arith.constant 0 : index
    %get3A_42 = arith.constant 0 : index
    %get3A_43 = vector.load %arg7[%get3A_41, %get3A_42] : memref<1x2304xf32, #tpu.memory_space<vmem>>, vector<1x2304xf32>
    %add3A_44 = vector.broadcast %get3A_43 : vector<1x2304xf32> to vector<576x2304xf32>
    %add3A_45 = arith.addf %dot_general3A_40, %add3A_44 : vector<576x2304xf32>
    %convert_element_type3A_46 = arith.truncf %add3A_45 : vector<576x2304xf32> to vector<576x2304xbf16>
    %swap3A_47 = arith.constant 0 : index
    %swap3A_48 = arith.constant 0 : index
    %swap3A_49 = vector.load %arg9[%swap3A_47, %swap3A_48] : memref<576x2304xbf16, #tpu.memory_space<vmem>>, vector<576x2304xbf16>
    tpu.vector_store %arg9[%swap3A_47, %swap3A_48], %convert_element_type3A_46 {strides = array<i32>} : memref<576x2304xbf16, #tpu.memory_space<vmem>>, vector<576x2304xbf16>,
    return
  }
  func.func @transform_0(%arg0: i32) -> (i32, i32) {
    %c0_i32 = arith.constant 0 : i32
    %c0_i32_0 = arith.constant 0 : i32
    return %arg0, %c0_i32 : i32, i32
  }
  func.func @transform_1(%arg0: i32) -> (i32, i32) {
    %c0_i32 = arith.constant 0 : i32
    %c0_i32_0 = arith.constant 0 : i32
    %c0_i32_1 = arith.constant 0 : i32
    return %c0_i32, %c0_i32_0 : i32, i32
  }
  func.func @transform_2(%arg0: i32) -> (i32, i32) {
    %c0_i32 = arith.constant 0 : i32
    %c0_i32_0 = arith.constant 0 : i32
    return %arg0, %c0_i32 : i32, i32
  }
  func.func @transform_3(%arg0: i32) -> (i32, i32) {
    %c0_i32 = arith.constant 0 : i32
    %c0_i32_0 = arith.constant 0 : i32
    %c0_i32_1 = arith.constant 0 : i32
    return %c0_i32, %c0_i32_0 : i32, i32
  }
  func.func @transform_4(%arg0: i32) -> (i32, i32) {
    %c0_i32 = arith.constant 0 : i32
    %c0_i32_0 = arith.constant 0 : i32
    %c0_i32_1 = arith.constant 0 : i32
    return %c0_i32, %c0_i32_0 : i32, i32
  }
  func.func @transform_5(%arg0: i32) -> (i32, i32) {
    %c0_i32 = arith.constant 0 : i32
    %c0_i32_0 = arith.constant 0 : i32
    %c0_i32_1 = arith.constant 0 : i32
    return %c0_i32, %c0_i32_0 : i32, i32
  }
  func.func @transform_6(%arg0: i32) -> (i32, i32) {
    %c0_i32 = arith.constant 0 : i32
    %c0_i32_0 = arith.constant 0 : i32
    %c0_i32_1 = arith.constant 0 : i32
    return %c0_i32, %c0_i32_0 : i32, i32
  }
  func.func @transform_7(%arg0: i32) -> (i32, i32) {
    %c0_i32 = arith.constant 0 : i32
    %c0_i32_0 = arith.constant 0 : i32
    return %arg0, %c0_i32 : i32, i32
  }
  func.func @transform_8(%arg0: i32) -> (i32, i32) {
    %c0_i32 = arith.constant 0 : i32
    %c0_i32_0 = arith.constant 0 : i32
    return %arg0, %c0_i32 : i32, i32
  }
}

module attributes {stable_mosaic.version = 14 : i64} {
  func.func @_attn_kernel(%arg0: i32, %arg1: i32, %arg2: memref<1152x128xbf16, #tpu.memory_space<vmem>>, %arg3: memref<2176x128xbf16, #tpu.memory_space<vmem>>, %arg4: memref<2176x128xbf16, #tpu.memory_space<vmem>>, %arg5: memref<1152x128xbf16, #tpu.memory_space<vmem>>) attributes {dimension_semantics = [#tpu.dimension_semantics<arbitrary>, #tpu.dimension_semantics<arbitrary>], iteration_bounds = array<i64: 6, 2>, scalar_prefetch = 0 : i64, scratch_operands = 0 : i64, tpu.core_type = #tpu.core_type<tc>, window_params = [{transform_indices = @transform_0, window_bounds = array<i64: 1152, 128>}, {transform_indices = @transform_1, window_bounds = array<i64: 2176, 128>}, {transform_indices = @transform_2, window_bounds = array<i64: 2176, 128>}, {transform_indices = @transform_3, window_bounds = array<i64: 1152, 128>}]} {
    %iota3A = tpu.iota {dimensions = array<i32: 1>} : vector<1152x2176xi32>
    %get3A = arith.constant 0 : index
    %get3A_0 = arith.constant 0 : index
    %get3A_1 = vector.load %arg2[%get3A, %get3A_0] : memref<1152x128xbf16, #tpu.memory_space<vmem>>, vector<1152x64xbf16>
    %get3A_2 = arith.constant 0 : index
    %get3A_3 = arith.constant 0 : index
    %get3A_4 = vector.load %arg3[%get3A_2, %get3A_3] : memref<2176x128xbf16, #tpu.memory_space<vmem>>, vector<2176x64xbf16>
    %dot_general3A = arith.constant dense<0.000000e+00> : vector<1152x2176xf32>
    %dot_general3A_5 = tpu.matmul %get3A_1, %get3A_4, %dot_general3A {dimension_numbers = #tpu.dot_dimension_numbers<[1], [1], [0], [0], [0, 0, 1, 0], [], []>, transpose_lhs_hint = false} : vector<1152x64xbf16>, vector<2176x64xbf16>, vector<1152x2176xf32> -> vector<1152x2176xf32>
    %mul3A = arith.constant 1.250000e-01 : f32
    %mul3A_6 = vector.broadcast %mul3A : f32 to vector<1152x2176xf32>
    %mul3A_7 = arith.mulf %dot_general3A_5, %mul3A_6 : vector<1152x2176xf32>
    %lt3A = arith.constant 2049 : i32
    %lt3A_8 = vector.broadcast %lt3A : i32 to vector<1152x2176xi32>
    %lt3A_9 = arith.cmpi slt, %iota3A, %lt3A_8 : vector<1152x2176xi32>
    %jit3A = arith.constant -1.000000e+30 : f32
    %broadcast_in_dim3A = vector.broadcast %jit3A : f32 to vector<1152x2176xf32>
    %select_n3A = arith.select %lt3A_9, %mul3A_7, %broadcast_in_dim3A : vector<1152x2176xi1>, vector<1152x2176xf32>
    %reduce_max3A = arith.constant dense<0xFF800000> : vector<1152xf32>
    %reduce_max3A_10 = vector.multi_reduction <maximumf>, %select_n3A, %reduce_max3A [1] : vector<1152x2176xf32> to vector<1152xf32>
    %broadcast_in_dim3A_11 = vector.shape_cast %reduce_max3A_10 : vector<1152xf32> to vector<1152x1xf32>
    %sub3A = vector.broadcast %broadcast_in_dim3A_11 : vector<1152x1xf32> to vector<1152x2176xf32>
    %sub3A_12 = arith.subf %select_n3A, %sub3A : vector<1152x2176xf32>
    %exp3A = math.exp %sub3A_12 : vector<1152x2176xf32>
    %convert_element_type3A = arith.truncf %exp3A : vector<1152x2176xf32> to vector<1152x2176xbf16>
    %broadcast_in_dim3A_13 = arith.constant 1.000000e+00 : bf16
    %broadcast_in_dim3A_14 = vector.broadcast %broadcast_in_dim3A_13 : bf16 to vector<2176x1xbf16>
    %dot_general3A_15 = arith.constant dense<0.000000e+00> : vector<1152x1xf32>
    %dot_general3A_16 = tpu.matmul %convert_element_type3A, %broadcast_in_dim3A_14, %dot_general3A_15 {dimension_numbers = #tpu.dot_dimension_numbers<[1], [0], [0], [1], [0, 0, 1, 1], [], []>, transpose_lhs_hint = false} : vector<1152x2176xbf16>, vector<2176x1xbf16>, vector<1152x1xf32> -> vector<1152x1xf32>
    %get3A_17 = arith.constant 0 : index
    %get3A_18 = arith.constant 0 : index
    %get3A_19 = vector.load %arg4[%get3A_17, %get3A_18] : memref<2176x128xbf16, #tpu.memory_space<vmem>>, vector<2176x64xbf16>
    %dot_general3A_20 = arith.constant dense<0.000000e+00> : vector<1152x64xf32>
    %dot_general3A_21 = tpu.matmul %convert_element_type3A, %get3A_19, %dot_general3A_20 {dimension_numbers = #tpu.dot_dimension_numbers<[1], [0], [0], [1], [0, 0, 1, 1], [], []>, transpose_lhs_hint = false} : vector<1152x2176xbf16>, vector<2176x64xbf16>, vector<1152x64xf32> -> vector<1152x64xf32>
    %div3A = vector.broadcast %dot_general3A_16 : vector<1152x1xf32> to vector<1152x64xf32>
    %div3A_22 = arith.divf %dot_general3A_21, %div3A : vector<1152x64xf32>
    %convert_element_type3A_23 = arith.truncf %div3A_22 : vector<1152x64xf32> to vector<1152x64xbf16>
    %swap3A = arith.constant 0 : index
    %swap3A_24 = arith.constant 0 : index
    %swap3A_25 = vector.load %arg5[%swap3A, %swap3A_24] : memref<1152x128xbf16, #tpu.memory_space<vmem>>, vector<1152x64xbf16>
    tpu.vector_store %arg5[%swap3A, %swap3A_24], %convert_element_type3A_23 {strides = array<i32>} : memref<1152x128xbf16, #tpu.memory_space<vmem>>, vector<1152x64xbf16>,
    %get3A_26 = arith.constant 0 : index
    %get3A_27 = arith.constant 64 : index
    %get3A_28 = vector.load %arg2[%get3A_26, %get3A_27] : memref<1152x128xbf16, #tpu.memory_space<vmem>>, vector<1152x64xbf16>
    %get3A_29 = arith.constant 0 : index
    %get3A_30 = arith.constant 64 : index
    %get3A_31 = vector.load %arg3[%get3A_29, %get3A_30] : memref<2176x128xbf16, #tpu.memory_space<vmem>>, vector<2176x64xbf16>
    %dot_general3A_32 = arith.constant dense<0.000000e+00> : vector<1152x2176xf32>
    %dot_general3A_33 = tpu.matmul %get3A_28, %get3A_31, %dot_general3A_32 {dimension_numbers = #tpu.dot_dimension_numbers<[1], [1], [0], [0], [0, 0, 1, 0], [], []>, transpose_lhs_hint = false} : vector<1152x64xbf16>, vector<2176x64xbf16>, vector<1152x2176xf32> -> vector<1152x2176xf32>
    %mul3A_34 = arith.constant 1.250000e-01 : f32
    %mul3A_35 = vector.broadcast %mul3A_34 : f32 to vector<1152x2176xf32>
    %mul3A_36 = arith.mulf %dot_general3A_33, %mul3A_35 : vector<1152x2176xf32>
    %lt3A_37 = arith.constant 2049 : i32
    %lt3A_38 = vector.broadcast %lt3A_37 : i32 to vector<1152x2176xi32>
    %lt3A_39 = arith.cmpi slt, %iota3A, %lt3A_38 : vector<1152x2176xi32>
    %jit3A_40 = arith.constant -1.000000e+30 : f32
    %broadcast_in_dim3A_41 = vector.broadcast %jit3A_40 : f32 to vector<1152x2176xf32>
    %select_n3A_42 = arith.select %lt3A_39, %mul3A_36, %broadcast_in_dim3A_41 : vector<1152x2176xi1>, vector<1152x2176xf32>
    %reduce_max3A_43 = arith.constant dense<0xFF800000> : vector<1152xf32>
    %reduce_max3A_44 = vector.multi_reduction <maximumf>, %select_n3A_42, %reduce_max3A_43 [1] : vector<1152x2176xf32> to vector<1152xf32>
    %broadcast_in_dim3A_45 = vector.shape_cast %reduce_max3A_44 : vector<1152xf32> to vector<1152x1xf32>
    %sub3A_46 = vector.broadcast %broadcast_in_dim3A_45 : vector<1152x1xf32> to vector<1152x2176xf32>
    %sub3A_47 = arith.subf %select_n3A_42, %sub3A_46 : vector<1152x2176xf32>
    %exp3A_48 = math.exp %sub3A_47 : vector<1152x2176xf32>
    %convert_element_type3A_49 = arith.truncf %exp3A_48 : vector<1152x2176xf32> to vector<1152x2176xbf16>
    %broadcast_in_dim3A_50 = arith.constant 1.000000e+00 : bf16
    %broadcast_in_dim3A_51 = vector.broadcast %broadcast_in_dim3A_50 : bf16 to vector<2176x1xbf16>
    %dot_general3A_52 = arith.constant dense<0.000000e+00> : vector<1152x1xf32>
    %dot_general3A_53 = tpu.matmul %convert_element_type3A_49, %broadcast_in_dim3A_51, %dot_general3A_52 {dimension_numbers = #tpu.dot_dimension_numbers<[1], [0], [0], [1], [0, 0, 1, 1], [], []>, transpose_lhs_hint = false} : vector<1152x2176xbf16>, vector<2176x1xbf16>, vector<1152x1xf32> -> vector<1152x1xf32>
    %get3A_54 = arith.constant 0 : index
    %get3A_55 = arith.constant 64 : index
    %get3A_56 = vector.load %arg4[%get3A_54, %get3A_55] : memref<2176x128xbf16, #tpu.memory_space<vmem>>, vector<2176x64xbf16>
    %dot_general3A_57 = arith.constant dense<0.000000e+00> : vector<1152x64xf32>
    %dot_general3A_58 = tpu.matmul %convert_element_type3A_49, %get3A_56, %dot_general3A_57 {dimension_numbers = #tpu.dot_dimension_numbers<[1], [0], [0], [1], [0, 0, 1, 1], [], []>, transpose_lhs_hint = false} : vector<1152x2176xbf16>, vector<2176x64xbf16>, vector<1152x64xf32> -> vector<1152x64xf32>
    %div3A_59 = vector.broadcast %dot_general3A_53 : vector<1152x1xf32> to vector<1152x64xf32>
    %div3A_60 = arith.divf %dot_general3A_58, %div3A_59 : vector<1152x64xf32>
    %convert_element_type3A_61 = arith.truncf %div3A_60 : vector<1152x64xf32> to vector<1152x64xbf16>
    %swap3A_62 = arith.constant 0 : index
    %swap3A_63 = arith.constant 64 : index
    %swap3A_64 = vector.load %arg5[%swap3A_62, %swap3A_63] : memref<1152x128xbf16, #tpu.memory_space<vmem>>, vector<1152x64xbf16>
    tpu.vector_store %arg5[%swap3A_62, %swap3A_63], %convert_element_type3A_61 {strides = array<i32>} : memref<1152x128xbf16, #tpu.memory_space<vmem>>, vector<1152x64xbf16>,
    return
  }
  func.func @transform_0(%arg0: i32, %arg1: i32) -> (i32, i32) {
    %c0_i32 = arith.constant 0 : i32
    return %arg1, %arg0 : i32, i32
  }
  func.func @transform_1(%arg0: i32, %arg1: i32) -> (i32, i32) {
    %add3A = arith.constant 6 : i32
    %add3A_0 = arith.addi %add3A, %arg0 : i32
    %c0_i32 = arith.constant 0 : i32
    %c0_i32_1 = arith.constant 0 : i32
    return %c0_i32, %add3A_0 : i32, i32
  }
  func.func @transform_2(%arg0: i32, %arg1: i32) -> (i32, i32) {
    %add3A = arith.constant 12 : i32
    %add3A_0 = arith.addi %add3A, %arg0 : i32
    %c0_i32 = arith.constant 0 : i32
    %c0_i32_1 = arith.constant 0 : i32
    return %c0_i32, %add3A_0 : i32, i32
  }
  func.func @transform_3(%arg0: i32, %arg1: i32) -> (i32, i32) {
    %c0_i32 = arith.constant 0 : i32
    return %arg1, %arg0 : i32, i32
  }
}

module attributes {stable_mosaic.version = 14 : i64} {
  func.func @_router_kernel(%arg0: i32, %arg1: memref<768x768xbf16, #tpu.memory_space<vmem>>, %arg2: memref<768x768xf32, #tpu.memory_space<vmem>>, %arg3: memref<768x768xbf16, #tpu.memory_space<vmem>>, %arg4: memref<1x768xf32, #tpu.memory_space<vmem>>, %arg5: memref<1x768xf32, #tpu.memory_space<vmem>>, %arg6: memref<1x768xf32, #tpu.memory_space<vmem>>, %arg7: memref<768x20xf32, #tpu.memory_space<vmem>>, %arg8: memref<768x768xf32, #tpu.memory_space<vmem>>, %arg9: memref<768x768xf32, #tpu.memory_space<vmem>>, %arg10: memref<768x1xi32, #tpu.memory_space<vmem>>, %arg11: memref<768x1xi32, #tpu.memory_space<vmem>>, %arg12: memref<768x1xf32, #tpu.memory_space<vmem>>, %arg13: memref<768x1xf32, #tpu.memory_space<vmem>>, %arg14: memref<8x128xf32, #tpu.memory_space<vmem>>) attributes {dimension_semantics = [#tpu.dimension_semantics<arbitrary>], iteration_bounds = array<i64: 3>, scalar_prefetch = 0 : i64, scratch_operands = 1 : i64, tpu.core_type = #tpu.core_type<tc>, window_params = [{transform_indices = @transform_0, window_bounds = array<i64: 768, 768>}, {transform_indices = @transform_1, window_bounds = array<i64: 768, 768>}, {pipeline_mode = #tpu.pipeline_mode<synchronous>, transform_indices = @transform_2, window_bounds = array<i64: 768, 768>}, {pipeline_mode = #tpu.pipeline_mode<synchronous>, transform_indices = @transform_3, window_bounds = array<i64: 1, 768>}, {pipeline_mode = #tpu.pipeline_mode<synchronous>, transform_indices = @transform_4, window_bounds = array<i64: 1, 768>}, {pipeline_mode = #tpu.pipeline_mode<synchronous>, transform_indices = @transform_5, window_bounds = array<i64: 1, 768>}, {pipeline_mode = #tpu.pipeline_mode<synchronous>, transform_indices = @transform_6, window_bounds = array<i64: 768, 20>}, {transform_indices = @transform_7, window_bounds = array<i64: 768, 768>}, {transform_indices = @transform_8, window_bounds = array<i64: 768, 768>}, {transform_indices = @transform_9, window_bounds = array<i64: 768, 1>}, {transform_indices = @transform_10, window_bounds = array<i64: 768, 1>}, {transform_indices = @transform_11, window_bounds = array<i64: 768, 1>}, {transform_indices = @transform_12, window_bounds = array<i64: 768, 1>}]} {
    %eq3A = arith.constant 0 : i32
    %eq3A_0 = arith.cmpi eq, %arg0, %eq3A : i32
    %convert_element_type3A = arith.extui %eq3A_0 : i1 to i32
    %cond3A = arith.constant 0 : i32
    %cond3A_1 = arith.cmpi ne, %convert_element_type3A, %cond3A : i32
    scf.if %cond3A_1 {
      %broadcast_in_dim3A_297 = arith.constant 0.000000e+00 : f32
      %broadcast_in_dim3A_298 = vector.broadcast %broadcast_in_dim3A_297 : f32 to vector<8x128xf32>
      %swap3A_299 = arith.constant 0 : index
      %swap3A_300 = arith.constant 0 : index
      %swap3A_301 = vector.load %arg14[%swap3A_299, %swap3A_300] : memref<8x128xf32, #tpu.memory_space<vmem>>, vector<8x128xf32>
      tpu.vector_store %arg14[%swap3A_299, %swap3A_300], %broadcast_in_dim3A_298 {strides = array<i32>} : memref<8x128xf32, #tpu.memory_space<vmem>>, vector<8x128xf32>,
    } else {
    }
    %get3A = arith.constant 0 : index
    %get3A_2 = arith.constant 0 : index
    %get3A_3 = vector.load %arg2[%get3A, %get3A_2] : memref<768x768xf32, #tpu.memory_space<vmem>>, vector<768x768xf32>
    %get3A_4 = arith.constant 0 : index
    %get3A_5 = arith.constant 0 : index
    %get3A_6 = vector.load %arg1[%get3A_4, %get3A_5] : memref<768x768xbf16, #tpu.memory_space<vmem>>, vector<768x768xbf16>
    %get3A_7 = arith.constant 0 : index
    %get3A_8 = arith.constant 0 : index
    %get3A_9 = vector.load %arg3[%get3A_7, %get3A_8] : memref<768x768xbf16, #tpu.memory_space<vmem>>, vector<768x768xbf16>
    %dot_general3A = arith.constant dense<0.000000e+00> : vector<768x768xf32>
    %dot_general3A_10 = tpu.matmul %get3A_6, %get3A_9, %dot_general3A {dimension_numbers = #tpu.dot_dimension_numbers<[1], [0], [0], [1], [0, 0, 1, 1], [], []>, transpose_lhs_hint = false} : vector<768x768xbf16>, vector<768x768xbf16>, vector<768x768xf32> -> vector<768x768xf32>
    %add3A = arith.addf %get3A_3, %dot_general3A_10 : vector<768x768xf32>
    %get3A_11 = arith.constant 0 : index
    %get3A_12 = arith.constant 0 : index
    %get3A_13 = vector.load %arg4[%get3A_11, %get3A_12] : memref<1x768xf32, #tpu.memory_space<vmem>>, vector<1x768xf32>
    %add3A_14 = vector.broadcast %get3A_13 : vector<1x768xf32> to vector<768x768xf32>
    %add3A_15 = arith.addf %add3A, %add3A_14 : vector<768x768xf32>
    %swap3A = arith.constant 0 : index
    %swap3A_16 = arith.constant 0 : index
    %swap3A_17 = vector.load %arg8[%swap3A, %swap3A_16] : memref<768x768xf32, #tpu.memory_space<vmem>>, vector<768x768xf32>
    tpu.vector_store %arg8[%swap3A, %swap3A_16], %add3A_15 {strides = array<i32>} : memref<768x768xf32, #tpu.memory_space<vmem>>, vector<768x768xf32>,
    %get3A_18 = arith.constant 0 : index
    %get3A_19 = arith.constant 0 : index
    %get3A_20 = vector.load %arg5[%get3A_18, %get3A_19] : memref<1x768xf32, #tpu.memory_space<vmem>>, vector<1x768xf32>
    %get3A_21 = arith.constant 0 : index
    %get3A_22 = arith.constant 0 : index
    %get3A_23 = vector.load %arg6[%get3A_21, %get3A_22] : memref<1x768xf32, #tpu.memory_space<vmem>>, vector<1x768xf32>
    %reduce_sum3A = arith.constant dense<0.000000e+00> : vector<768xf32>
    %reduce_sum3A_24 = vector.multi_reduction <add>, %add3A_15, %reduce_sum3A [1] : vector<768x768xf32> to vector<768xf32>
    %broadcast_in_dim3A = vector.shape_cast %reduce_sum3A_24 : vector<768xf32> to vector<768x1xf32>
    %div3A = arith.constant 7.680000e+02 : f32
    %div3A_25 = vector.broadcast %div3A : f32 to vector<768x1xf32>
    %div3A_26 = arith.divf %broadcast_in_dim3A, %div3A_25 : vector<768x1xf32>
    %sub3A = vector.broadcast %div3A_26 : vector<768x1xf32> to vector<768x768xf32>
    %sub3A_27 = arith.subf %add3A_15, %sub3A : vector<768x768xf32>
    %mul3A = arith.mulf %sub3A_27, %sub3A_27 : vector<768x768xf32>
    %reduce_sum3A_28 = arith.constant dense<0.000000e+00> : vector<768xf32>
    %reduce_sum3A_29 = vector.multi_reduction <add>, %mul3A, %reduce_sum3A_28 [1] : vector<768x768xf32> to vector<768xf32>
    %broadcast_in_dim3A_30 = vector.shape_cast %reduce_sum3A_29 : vector<768xf32> to vector<768x1xf32>
    %div3A_31 = arith.constant 7.680000e+02 : f32
    %div3A_32 = vector.broadcast %div3A_31 : f32 to vector<768x1xf32>
    %div3A_33 = arith.divf %broadcast_in_dim3A_30, %div3A_32 : vector<768x1xf32>
    %add3A_34 = arith.constant 9.99999974E-6 : f32
    %add3A_35 = vector.broadcast %add3A_34 : f32 to vector<768x1xf32>
    %add3A_36 = arith.addf %div3A_33, %add3A_35 : vector<768x1xf32>
    %rsqrt3A = math.rsqrt %add3A_36 : vector<768x1xf32>
    %mul3A_37 = vector.broadcast %rsqrt3A : vector<768x1xf32> to vector<768x768xf32>
    %mul3A_38 = arith.mulf %sub3A_27, %mul3A_37 : vector<768x768xf32>
    %mul3A_39 = vector.broadcast %get3A_20 : vector<1x768xf32> to vector<768x768xf32>
    %mul3A_40 = arith.mulf %mul3A_38, %mul3A_39 : vector<768x768xf32>
    %add3A_41 = vector.broadcast %get3A_23 : vector<1x768xf32> to vector<768x768xf32>
    %add3A_42 = arith.addf %mul3A_40, %add3A_41 : vector<768x768xf32>
    %swap3A_43 = arith.constant 0 : index
    %swap3A_44 = arith.constant 0 : index
    %swap3A_45 = vector.load %arg9[%swap3A_43, %swap3A_44] : memref<768x768xf32, #tpu.memory_space<vmem>>, vector<768x768xf32>
    tpu.vector_store %arg9[%swap3A_43, %swap3A_44], %add3A_42 {strides = array<i32>} : memref<768x768xf32, #tpu.memory_space<vmem>>, vector<768x768xf32>,
    %get3A_46 = arith.constant 0 : index
    %get3A_47 = arith.constant 0 : index
    %get3A_48 = vector.load %arg7[%get3A_46, %get3A_47] : memref<768x20xf32, #tpu.memory_space<vmem>>, vector<768x20xf32>
    %dot_general3A_49 = arith.constant dense<0.000000e+00> : vector<768x20xf32>
    %dot_general3A_50 = tpu.matmul %add3A_42, %get3A_48, %dot_general3A_49 {dimension_numbers = #tpu.dot_dimension_numbers<[1], [0], [0], [1], [0, 0, 1, 1], [], []>, transpose_lhs_hint = false} : vector<768x768xf32>, vector<768x20xf32>, vector<768x20xf32> -> vector<768x20xf32>
    %slice3A = vector.extract_strided_slice %dot_general3A_50 {offsets = [0, 0], sizes = [768, 4], strides = [1, 1]} : vector<768x20xf32> to vector<768x4xf32>
    %slice3A_51 = vector.extract_strided_slice %dot_general3A_50 {offsets = [0, 4], sizes = [768, 16], strides = [1, 1]} : vector<768x20xf32> to vector<768x16xf32>
    %reduce_max3A = arith.constant dense<0xFF800000> : vector<768xf32>
    %reduce_max3A_52 = vector.multi_reduction <maximumf>, %slice3A, %reduce_max3A [1] : vector<768x4xf32> to vector<768xf32>
    %broadcast_in_dim3A_53 = vector.shape_cast %reduce_max3A_52 : vector<768xf32> to vector<768x1xf32>
    %sub3A_54 = vector.broadcast %broadcast_in_dim3A_53 : vector<768x1xf32> to vector<768x4xf32>
    %sub3A_55 = arith.subf %slice3A, %sub3A_54 : vector<768x4xf32>
    %exp3A = math.exp %sub3A_55 : vector<768x4xf32>
    %reduce_sum3A_56 = arith.constant dense<0.000000e+00> : vector<768xf32>
    %reduce_sum3A_57 = vector.multi_reduction <add>, %exp3A, %reduce_sum3A_56 [1] : vector<768x4xf32> to vector<768xf32>
    %broadcast_in_dim3A_58 = vector.shape_cast %reduce_sum3A_57 : vector<768xf32> to vector<768x1xf32>
    %div3A_59 = vector.broadcast %broadcast_in_dim3A_58 : vector<768x1xf32> to vector<768x4xf32>
    %div3A_60 = arith.divf %exp3A, %div3A_59 : vector<768x4xf32>
    %iota3A = tpu.iota {dimensions = array<i32: 0>} : vector<4x16xi32>
    %iota3A_61 = tpu.iota {dimensions = array<i32: 1>} : vector<4x16xi32>
    %jit3A = arith.constant 4 : i32
    %div3A_62 = vector.broadcast %jit3A : i32 to vector<4x16xi32>
    %div3A_63 = arith.divsi %iota3A_61, %div3A_62 : vector<4x16xi32>
    %sign3A = arith.constant 0 : i32
    %sign3A_64 = vector.broadcast %sign3A : i32 to vector<4x16xi32>
    %sign3A_65 = arith.cmpi sgt, %iota3A_61, %sign3A_64 : vector<4x16xi32>
    %sign3A_66 = arith.extui %sign3A_65 : vector<4x16xi1> to vector<4x16xi32>
    %sign3A_67 = arith.constant 0 : i32
    %sign3A_68 = vector.broadcast %sign3A_67 : i32 to vector<4x16xi32>
    %sign3A_69 = arith.cmpi slt, %iota3A_61, %sign3A_68 : vector<4x16xi32>
    %sign3A_70 = arith.extui %sign3A_69 : vector<4x16xi1> to vector<4x16xi32>
    %sign3A_71 = arith.subi %sign3A_66, %sign3A_70 : vector<4x16xi32>
    %sign3A_72 = arith.constant 0 : i32
    %sign3A_73 = arith.cmpi sgt, %jit3A, %sign3A_72 : i32
    %sign3A_74 = arith.extui %sign3A_73 : i1 to i32
    %sign3A_75 = arith.constant 0 : i32
    %sign3A_76 = arith.cmpi slt, %jit3A, %sign3A_75 : i32
    %sign3A_77 = arith.extui %sign3A_76 : i1 to i32
    %sign3A_78 = arith.subi %sign3A_74, %sign3A_77 : i32
    %ne3A = vector.broadcast %sign3A_78 : i32 to vector<4x16xi32>
    %ne3A_79 = arith.cmpi ne, %sign3A_71, %ne3A : vector<4x16xi32>
    %rem3A = vector.broadcast %jit3A : i32 to vector<4x16xi32>
    %rem3A_80 = arith.remsi %iota3A_61, %rem3A : vector<4x16xi32>
    %ne3A_81 = arith.constant 0 : i32
    %ne3A_82 = vector.broadcast %ne3A_81 : i32 to vector<4x16xi32>
    %ne3A_83 = arith.cmpi ne, %rem3A_80, %ne3A_82 : vector<4x16xi32>
    %and3A = arith.andi %ne3A_79, %ne3A_83 : vector<4x16xi1>
    %sub3A_84 = arith.constant 1 : i32
    %sub3A_85 = vector.broadcast %sub3A_84 : i32 to vector<4x16xi32>
    %sub3A_86 = arith.subi %div3A_63, %sub3A_85 : vector<4x16xi32>
    %select_n3A = arith.select %and3A, %sub3A_86, %div3A_63 : vector<4x16xi1>, vector<4x16xi32>
    %eq3A_87 = arith.cmpi eq, %select_n3A, %iota3A : vector<4x16xi32>
    %convert_element_type3A_88 = arith.extui %eq3A_87 : vector<4x16xi1> to vector<4x16xi32>
    %convert_element_type3A_89 = arith.sitofp %convert_element_type3A_88 : vector<4x16xi32> to vector<4x16xf32>
    %dot_general3A_90 = arith.constant dense<0.000000e+00> : vector<768x16xf32>
    %dot_general3A_91 = tpu.matmul %div3A_60, %convert_element_type3A_89, %dot_general3A_90 {dimension_numbers = #tpu.dot_dimension_numbers<[1], [0], [0], [1], [0, 0, 1, 1], [], []>, transpose_lhs_hint = false} : vector<768x4xf32>, vector<4x16xf32>, vector<768x16xf32> -> vector<768x16xf32>
    %reduce_max3A_92 = arith.constant dense<0xFF800000> : vector<768xf32>
    %reduce_max3A_93 = vector.multi_reduction <maximumf>, %slice3A_51, %reduce_max3A_92 [1] : vector<768x16xf32> to vector<768xf32>
    %broadcast_in_dim3A_94 = vector.shape_cast %reduce_max3A_93 : vector<768xf32> to vector<768x1xf32>
    %sub3A_95 = vector.broadcast %broadcast_in_dim3A_94 : vector<768x1xf32> to vector<768x16xf32>
    %sub3A_96 = arith.subf %slice3A_51, %sub3A_95 : vector<768x16xf32>
    %exp3A_97 = math.exp %sub3A_96 : vector<768x16xf32>
    %iota3A_98 = tpu.iota {dimensions = array<i32: 0>} : vector<16x16xi32>
    %iota3A_99 = tpu.iota {dimensions = array<i32: 1>} : vector<16x16xi32>
    %jit3A_100 = arith.constant 4 : i32
    %div3A_101 = vector.broadcast %jit3A_100 : i32 to vector<16x16xi32>
    %div3A_102 = arith.divsi %iota3A_98, %div3A_101 : vector<16x16xi32>
    %sign3A_103 = arith.constant 0 : i32
    %sign3A_104 = vector.broadcast %sign3A_103 : i32 to vector<16x16xi32>
    %sign3A_105 = arith.cmpi sgt, %iota3A_98, %sign3A_104 : vector<16x16xi32>
    %sign3A_106 = arith.extui %sign3A_105 : vector<16x16xi1> to vector<16x16xi32>
    %sign3A_107 = arith.constant 0 : i32
    %sign3A_108 = vector.broadcast %sign3A_107 : i32 to vector<16x16xi32>
    %sign3A_109 = arith.cmpi slt, %iota3A_98, %sign3A_108 : vector<16x16xi32>
    %sign3A_110 = arith.extui %sign3A_109 : vector<16x16xi1> to vector<16x16xi32>
    %sign3A_111 = arith.subi %sign3A_106, %sign3A_110 : vector<16x16xi32>
    %sign3A_112 = arith.constant 0 : i32
    %sign3A_113 = arith.cmpi sgt, %jit3A_100, %sign3A_112 : i32
    %sign3A_114 = arith.extui %sign3A_113 : i1 to i32
    %sign3A_115 = arith.constant 0 : i32
    %sign3A_116 = arith.cmpi slt, %jit3A_100, %sign3A_115 : i32
    %sign3A_117 = arith.extui %sign3A_116 : i1 to i32
    %sign3A_118 = arith.subi %sign3A_114, %sign3A_117 : i32
    %ne3A_119 = vector.broadcast %sign3A_118 : i32 to vector<16x16xi32>
    %ne3A_120 = arith.cmpi ne, %sign3A_111, %ne3A_119 : vector<16x16xi32>
    %rem3A_121 = vector.broadcast %jit3A_100 : i32 to vector<16x16xi32>
    %rem3A_122 = arith.remsi %iota3A_98, %rem3A_121 : vector<16x16xi32>
    %ne3A_123 = arith.constant 0 : i32
    %ne3A_124 = vector.broadcast %ne3A_123 : i32 to vector<16x16xi32>
    %ne3A_125 = arith.cmpi ne, %rem3A_122, %ne3A_124 : vector<16x16xi32>
    %and3A_126 = arith.andi %ne3A_120, %ne3A_125 : vector<16x16xi1>
    %sub3A_127 = arith.constant 1 : i32
    %sub3A_128 = vector.broadcast %sub3A_127 : i32 to vector<16x16xi32>
    %sub3A_129 = arith.subi %div3A_102, %sub3A_128 : vector<16x16xi32>
    %select_n3A_130 = arith.select %and3A_126, %sub3A_129, %div3A_102 : vector<16x16xi1>, vector<16x16xi32>
    %jit3A_131 = arith.constant 4 : i32
    %div3A_132 = vector.broadcast %jit3A_131 : i32 to vector<16x16xi32>
    %div3A_133 = arith.divsi %iota3A_99, %div3A_132 : vector<16x16xi32>
    %sign3A_134 = arith.constant 0 : i32
    %sign3A_135 = vector.broadcast %sign3A_134 : i32 to vector<16x16xi32>
    %sign3A_136 = arith.cmpi sgt, %iota3A_99, %sign3A_135 : vector<16x16xi32>
    %sign3A_137 = arith.extui %sign3A_136 : vector<16x16xi1> to vector<16x16xi32>
    %sign3A_138 = arith.constant 0 : i32
    %sign3A_139 = vector.broadcast %sign3A_138 : i32 to vector<16x16xi32>
    %sign3A_140 = arith.cmpi slt, %iota3A_99, %sign3A_139 : vector<16x16xi32>
    %sign3A_141 = arith.extui %sign3A_140 : vector<16x16xi1> to vector<16x16xi32>
    %sign3A_142 = arith.subi %sign3A_137, %sign3A_141 : vector<16x16xi32>
    %sign3A_143 = arith.constant 0 : i32
    %sign3A_144 = arith.cmpi sgt, %jit3A_131, %sign3A_143 : i32
    %sign3A_145 = arith.extui %sign3A_144 : i1 to i32
    %sign3A_146 = arith.constant 0 : i32
    %sign3A_147 = arith.cmpi slt, %jit3A_131, %sign3A_146 : i32
    %sign3A_148 = arith.extui %sign3A_147 : i1 to i32
    %sign3A_149 = arith.subi %sign3A_145, %sign3A_148 : i32
    %ne3A_150 = vector.broadcast %sign3A_149 : i32 to vector<16x16xi32>
    %ne3A_151 = arith.cmpi ne, %sign3A_142, %ne3A_150 : vector<16x16xi32>
    %rem3A_152 = vector.broadcast %jit3A_131 : i32 to vector<16x16xi32>
    %rem3A_153 = arith.remsi %iota3A_99, %rem3A_152 : vector<16x16xi32>
    %ne3A_154 = arith.constant 0 : i32
    %ne3A_155 = vector.broadcast %ne3A_154 : i32 to vector<16x16xi32>
    %ne3A_156 = arith.cmpi ne, %rem3A_153, %ne3A_155 : vector<16x16xi32>
    %and3A_157 = arith.andi %ne3A_151, %ne3A_156 : vector<16x16xi1>
    %sub3A_158 = arith.constant 1 : i32
    %sub3A_159 = vector.broadcast %sub3A_158 : i32 to vector<16x16xi32>
    %sub3A_160 = arith.subi %div3A_133, %sub3A_159 : vector<16x16xi32>
    %select_n3A_161 = arith.select %and3A_157, %sub3A_160, %div3A_133 : vector<16x16xi1>, vector<16x16xi32>
    %eq3A_162 = arith.cmpi eq, %select_n3A_130, %select_n3A_161 : vector<16x16xi32>
    %convert_element_type3A_163 = arith.extui %eq3A_162 : vector<16x16xi1> to vector<16x16xi32>
    %convert_element_type3A_164 = arith.sitofp %convert_element_type3A_163 : vector<16x16xi32> to vector<16x16xf32>
    %dot_general3A_165 = arith.constant dense<0.000000e+00> : vector<768x16xf32>
    %dot_general3A_166 = tpu.matmul %exp3A_97, %convert_element_type3A_164, %dot_general3A_165 {dimension_numbers = #tpu.dot_dimension_numbers<[1], [0], [0], [1], [0, 0, 1, 1], [], []>, transpose_lhs_hint = false} : vector<768x16xf32>, vector<16x16xf32>, vector<768x16xf32> -> vector<768x16xf32>
    %mul3A_167 = arith.mulf %dot_general3A_91, %exp3A_97 : vector<768x16xf32>
    %div3A_168 = arith.divf %mul3A_167, %dot_general3A_166 : vector<768x16xf32>
    %iota3A_169 = tpu.iota {dimensions = array<i32: 1>} : vector<768x16xi32>
    %reduce_max3A_170 = arith.constant dense<0xFF800000> : vector<768xf32>
    %reduce_max3A_171 = vector.multi_reduction <maximumf>, %div3A_168, %reduce_max3A_170 [1] : vector<768x16xf32> to vector<768xf32>
    %broadcast_in_dim3A_172 = vector.shape_cast %reduce_max3A_171 : vector<768xf32> to vector<768x1xf32>
    %eq3A_173 = vector.broadcast %broadcast_in_dim3A_172 : vector<768x1xf32> to vector<768x16xf32>
    %eq3A_174 = arith.cmpf oeq, %div3A_168, %eq3A_173 : vector<768x16xf32>
    %jit3A_175 = arith.constant 16 : i32
    %broadcast_in_dim3A_176 = vector.broadcast %jit3A_175 : i32 to vector<768x16xi32>
    %select_n3A_177 = arith.select %eq3A_174, %iota3A_169, %broadcast_in_dim3A_176 : vector<768x16xi1>, vector<768x16xi32>
    %reduce_min3A = arith.constant dense<2147483647> : vector<768xi32>
    %reduce_min3A_178 = vector.multi_reduction <minsi>, %select_n3A_177, %reduce_min3A [1] : vector<768x16xi32> to vector<768xi32>
    %broadcast_in_dim3A_179 = vector.shape_cast %reduce_min3A_178 : vector<768xi32> to vector<768x1xi32>
    %eq3A_180 = vector.broadcast %broadcast_in_dim3A_179 : vector<768x1xi32> to vector<768x16xi32>
    %eq3A_181 = arith.cmpi eq, %iota3A_169, %eq3A_180 : vector<768x16xi32>
    %jit3A_182 = arith.constant -1.000000e+00 : f32
    %broadcast_in_dim3A_183 = vector.broadcast %jit3A_182 : f32 to vector<768x16xf32>
    %select_n3A_184 = arith.select %eq3A_181, %broadcast_in_dim3A_183, %div3A_168 : vector<768x16xi1>, vector<768x16xf32>
    %reduce_max3A_185 = arith.constant dense<0xFF800000> : vector<768xf32>
    %reduce_max3A_186 = vector.multi_reduction <maximumf>, %select_n3A_184, %reduce_max3A_185 [1] : vector<768x16xf32> to vector<768xf32>
    %broadcast_in_dim3A_187 = vector.shape_cast %reduce_max3A_186 : vector<768xf32> to vector<768x1xf32>
    %eq3A_188 = vector.broadcast %broadcast_in_dim3A_187 : vector<768x1xf32> to vector<768x16xf32>
    %eq3A_189 = arith.cmpf oeq, %select_n3A_184, %eq3A_188 : vector<768x16xf32>
    %jit3A_190 = arith.constant 16 : i32
    %broadcast_in_dim3A_191 = vector.broadcast %jit3A_190 : i32 to vector<768x16xi32>
    %select_n3A_192 = arith.select %eq3A_189, %iota3A_169, %broadcast_in_dim3A_191 : vector<768x16xi1>, vector<768x16xi32>
    %reduce_min3A_193 = arith.constant dense<2147483647> : vector<768xi32>
    %reduce_min3A_194 = vector.multi_reduction <minsi>, %select_n3A_192, %reduce_min3A_193 [1] : vector<768x16xi32> to vector<768xi32>
    %broadcast_in_dim3A_195 = vector.shape_cast %reduce_min3A_194 : vector<768xi32> to vector<768x1xi32>
    %add3A_196 = arith.addf %broadcast_in_dim3A_172, %broadcast_in_dim3A_187 : vector<768x1xf32>
    %add3A_197 = arith.constant 9.99999971E-10 : f32
    %add3A_198 = vector.broadcast %add3A_197 : f32 to vector<768x1xf32>
    %add3A_199 = arith.addf %add3A_196, %add3A_198 : vector<768x1xf32>
    %div3A_200 = arith.divf %broadcast_in_dim3A_172, %add3A_199 : vector<768x1xf32>
    %div3A_201 = arith.divf %broadcast_in_dim3A_187, %add3A_199 : vector<768x1xf32>
    %iota3A_202 = tpu.iota {dimensions = array<i32: 0>} : vector<768x1xi32>
    %mul3A_203 = arith.constant 768 : i32
    %mul3A_204 = arith.muli %arg0, %mul3A_203 : i32
    %add3A_205 = vector.broadcast %mul3A_204 : i32 to vector<768x1xi32>
    %add3A_206 = arith.addi %add3A_205, %iota3A_202 : vector<768x1xi32>
    %lt3A = arith.constant 2049 : i32
    %lt3A_207 = vector.broadcast %lt3A : i32 to vector<768x1xi32>
    %lt3A_208 = arith.cmpi slt, %add3A_206, %lt3A_207 : vector<768x1xi32>
    %eq3A_209 = vector.broadcast %broadcast_in_dim3A_179 : vector<768x1xi32> to vector<768x16xi32>
    %eq3A_210 = arith.cmpi eq, %iota3A_169, %eq3A_209 : vector<768x16xi32>
    %and3A_211 = vector.broadcast %lt3A_208 : vector<768x1xi1> to vector<768x16xi1>
    %and3A_212 = arith.andi %eq3A_210, %and3A_211 : vector<768x16xi1>
    %convert_element_type3A_213 = arith.extui %and3A_212 : vector<768x16xi1> to vector<768x16xi32>
    %convert_element_type3A_214 = arith.sitofp %convert_element_type3A_213 : vector<768x16xi32> to vector<768x16xf32>
    %convert_element_type3A_215 = arith.truncf %convert_element_type3A_214 : vector<768x16xf32> to vector<768x16xbf16>
    %eq3A_216 = vector.broadcast %broadcast_in_dim3A_195 : vector<768x1xi32> to vector<768x16xi32>
    %eq3A_217 = arith.cmpi eq, %iota3A_169, %eq3A_216 : vector<768x16xi32>
    %and3A_218 = vector.broadcast %lt3A_208 : vector<768x1xi1> to vector<768x16xi1>
    %and3A_219 = arith.andi %eq3A_217, %and3A_218 : vector<768x16xi1>
    %convert_element_type3A_220 = arith.extui %and3A_219 : vector<768x16xi1> to vector<768x16xi32>
    %convert_element_type3A_221 = arith.sitofp %convert_element_type3A_220 : vector<768x16xi32> to vector<768x16xf32>
    %convert_element_type3A_222 = arith.truncf %convert_element_type3A_221 : vector<768x16xf32> to vector<768x16xbf16>
    %add3A_223 = arith.addf %convert_element_type3A_215, %convert_element_type3A_222 : vector<768x16xbf16>
    %iota3A_224 = tpu.iota {dimensions = array<i32: 0>} : vector<768x768xi32>
    %iota3A_225 = tpu.iota {dimensions = array<i32: 1>} : vector<768x768xi32>
    %lt3A_226 = arith.cmpi slt, %iota3A_225, %iota3A_224 : vector<768x768xi32>
    %convert_element_type3A_227 = arith.extui %lt3A_226 : vector<768x768xi1> to vector<768x768xi32>
    %convert_element_type3A_228 = arith.sitofp %convert_element_type3A_227 : vector<768x768xi32> to vector<768x768xf32>
    %convert_element_type3A_229 = arith.truncf %convert_element_type3A_228 : vector<768x768xf32> to vector<768x768xbf16>
    %get3A_230 = arith.constant 0 : index
    %get3A_231 = arith.constant 0 : index
    %get3A_232 = vector.load %arg14[%get3A_230, %get3A_231] : memref<8x128xf32, #tpu.memory_space<vmem>>, vector<1x16xf32>
    %dot_general3A_233 = arith.constant dense<0.000000e+00> : vector<768x16xf32>
    %dot_general3A_234 = tpu.matmul %convert_element_type3A_229, %add3A_223, %dot_general3A_233 {dimension_numbers = #tpu.dot_dimension_numbers<[1], [0], [0], [1], [0, 0, 1, 1], [], []>, transpose_lhs_hint = false} : vector<768x768xbf16>, vector<768x16xbf16>, vector<768x16xf32> -> vector<768x16xf32>
    %add3A_235 = vector.broadcast %get3A_232 : vector<1x16xf32> to vector<768x16xf32>
    %add3A_236 = arith.addf %dot_general3A_234, %add3A_235 : vector<768x16xf32>
    %convert_element_type3A_237 = arith.extf %add3A_223 : vector<768x16xbf16> to vector<768x16xf32>
    %reduce_sum3A_238 = arith.constant dense<0.000000e+00> : vector<16xf32>
    %reduce_sum3A_239 = vector.multi_reduction <add>, %convert_element_type3A_237, %reduce_sum3A_238 [0] : vector<768x16xf32> to vector<16xf32>
    %broadcast_in_dim3A_240 = vector.shape_cast %reduce_sum3A_239 : vector<16xf32> to vector<1x16xf32>
    %add3A_241 = arith.addf %get3A_232, %broadcast_in_dim3A_240 : vector<1x16xf32>
    %swap3A_242 = arith.constant 0 : index
    %swap3A_243 = arith.constant 0 : index
    %swap3A_244 = vector.load %arg14[%swap3A_242, %swap3A_243] : memref<8x128xf32, #tpu.memory_space<vmem>>, vector<1x16xf32>
    tpu.vector_store %arg14[%swap3A_242, %swap3A_243], %add3A_241 {strides = array<i32>} : memref<8x128xf32, #tpu.memory_space<vmem>>, vector<1x16xf32>,
    %convert_element_type3A_245 = arith.extf %convert_element_type3A_215 : vector<768x16xbf16> to vector<768x16xf32>
    %convert_element_type3A_246 = arith.extf %convert_element_type3A_222 : vector<768x16xbf16> to vector<768x16xf32>
    %mul3A_247 = arith.mulf %convert_element_type3A_245, %add3A_236 : vector<768x16xf32>
    %reduce_sum3A_248 = arith.constant dense<0.000000e+00> : vector<768xf32>
    %reduce_sum3A_249 = vector.multi_reduction <add>, %mul3A_247, %reduce_sum3A_248 [1] : vector<768x16xf32> to vector<768xf32>
    %broadcast_in_dim3A_250 = vector.shape_cast %reduce_sum3A_249 : vector<768xf32> to vector<768x1xf32>
    %mul3A_251 = arith.mulf %convert_element_type3A_246, %add3A_236 : vector<768x16xf32>
    %reduce_sum3A_252 = arith.constant dense<0.000000e+00> : vector<768xf32>
    %reduce_sum3A_253 = vector.multi_reduction <add>, %mul3A_251, %reduce_sum3A_252 [1] : vector<768x16xf32> to vector<768xf32>
    %broadcast_in_dim3A_254 = vector.shape_cast %reduce_sum3A_253 : vector<768xf32> to vector<768x1xf32>
    %lt3A_255 = arith.constant 3.200000e+02 : f32
    %lt3A_256 = vector.broadcast %lt3A_255 : f32 to vector<768x1xf32>
    %lt3A_257 = arith.cmpf olt, %broadcast_in_dim3A_250, %lt3A_256 : vector<768x1xf32>
    %and3A_258 = arith.andi %lt3A_208, %lt3A_257 : vector<768x1xi1>
    %lt3A_259 = arith.constant 3.200000e+02 : f32
    %lt3A_260 = vector.broadcast %lt3A_259 : f32 to vector<768x1xf32>
    %lt3A_261 = arith.cmpf olt, %broadcast_in_dim3A_254, %lt3A_260 : vector<768x1xf32>
    %and3A_262 = arith.andi %lt3A_208, %lt3A_261 : vector<768x1xi1>
    %mul3A_263 = arith.constant 320 : i32
    %mul3A_264 = vector.broadcast %mul3A_263 : i32 to vector<768x1xi32>
    %mul3A_265 = arith.muli %broadcast_in_dim3A_179, %mul3A_264 : vector<768x1xi32>
    %convert_element_type3A_266 = arith.fptosi %broadcast_in_dim3A_250 : vector<768x1xf32> to vector<768x1xi32>
    %add3A_267 = arith.addi %mul3A_265, %convert_element_type3A_266 : vector<768x1xi32>
    %jit3A_268 = arith.constant 5120 : i32
    %broadcast_in_dim3A_269 = vector.broadcast %jit3A_268 : i32 to vector<768x1xi32>
    %select_n3A_270 = arith.select %and3A_258, %add3A_267, %broadcast_in_dim3A_269 : vector<768x1xi1>, vector<768x1xi32>
    %swap3A_271 = arith.constant 0 : index
    %swap3A_272 = arith.constant 0 : index
    %swap3A_273 = vector.load %arg10[%swap3A_271, %swap3A_272] : memref<768x1xi32, #tpu.memory_space<vmem>>, vector<768x1xi32>
    tpu.vector_store %arg10[%swap3A_271, %swap3A_272], %select_n3A_270 {strides = array<i32>} : memref<768x1xi32, #tpu.memory_space<vmem>>, vector<768x1xi32>,
    %mul3A_274 = arith.constant 320 : i32
    %mul3A_275 = vector.broadcast %mul3A_274 : i32 to vector<768x1xi32>
    %mul3A_276 = arith.muli %broadcast_in_dim3A_195, %mul3A_275 : vector<768x1xi32>
    %convert_element_type3A_277 = arith.fptosi %broadcast_in_dim3A_254 : vector<768x1xf32> to vector<768x1xi32>
    %add3A_278 = arith.addi %mul3A_276, %convert_element_type3A_277 : vector<768x1xi32>
    %jit3A_279 = arith.constant 5120 : i32
    %broadcast_in_dim3A_280 = vector.broadcast %jit3A_279 : i32 to vector<768x1xi32>
    %select_n3A_281 = arith.select %and3A_262, %add3A_278, %broadcast_in_dim3A_280 : vector<768x1xi1>, vector<768x1xi32>
    %swap3A_282 = arith.constant 0 : index
    %swap3A_283 = arith.constant 0 : index
    %swap3A_284 = vector.load %arg11[%swap3A_282, %swap3A_283] : memref<768x1xi32, #tpu.memory_space<vmem>>, vector<768x1xi32>
    tpu.vector_store %arg11[%swap3A_282, %swap3A_283], %select_n3A_281 {strides = array<i32>} : memref<768x1xi32, #tpu.memory_space<vmem>>, vector<768x1xi32>,
    %jit3A_285 = arith.constant 0.000000e+00 : f32
    %broadcast_in_dim3A_286 = vector.broadcast %jit3A_285 : f32 to vector<768x1xf32>
    %select_n3A_287 = arith.select %and3A_258, %div3A_200, %broadcast_in_dim3A_286 : vector<768x1xi1>, vector<768x1xf32>
    %swap3A_288 = arith.constant 0 : index
    %swap3A_289 = arith.constant 0 : index
    %swap3A_290 = vector.load %arg12[%swap3A_288, %swap3A_289] : memref<768x1xf32, #tpu.memory_space<vmem>>, vector<768x1xf32>
    tpu.vector_store %arg12[%swap3A_288, %swap3A_289], %select_n3A_287 {strides = array<i32>} : memref<768x1xf32, #tpu.memory_space<vmem>>, vector<768x1xf32>,
    %jit3A_291 = arith.constant 0.000000e+00 : f32
    %broadcast_in_dim3A_292 = vector.broadcast %jit3A_291 : f32 to vector<768x1xf32>
    %select_n3A_293 = arith.select %and3A_262, %div3A_201, %broadcast_in_dim3A_292 : vector<768x1xi1>, vector<768x1xf32>
    %swap3A_294 = arith.constant 0 : index
    %swap3A_295 = arith.constant 0 : index
    %swap3A_296 = vector.load %arg13[%swap3A_294, %swap3A_295] : memref<768x1xf32, #tpu.memory_space<vmem>>, vector<768x1xf32>
    tpu.vector_store %arg13[%swap3A_294, %swap3A_295], %select_n3A_293 {strides = array<i32>} : memref<768x1xf32, #tpu.memory_space<vmem>>, vector<768x1xf32>,
    return
  }
  func.func @transform_0(%arg0: i32) -> (i32, i32) {
    %c0_i32 = arith.constant 0 : i32
    %c0_i32_0 = arith.constant 0 : i32
    return %arg0, %c0_i32 : i32, i32
  }
  func.func @transform_1(%arg0: i32) -> (i32, i32) {
    %c0_i32 = arith.constant 0 : i32
    %c0_i32_0 = arith.constant 0 : i32
    return %arg0, %c0_i32 : i32, i32
  }
  func.func @transform_2(%arg0: i32) -> (i32, i32) {
    %c0_i32 = arith.constant 0 : i32
    %c0_i32_0 = arith.constant 0 : i32
    %c0_i32_1 = arith.constant 0 : i32
    return %c0_i32, %c0_i32_0 : i32, i32
  }
  func.func @transform_3(%arg0: i32) -> (i32, i32) {
    %c0_i32 = arith.constant 0 : i32
    %c0_i32_0 = arith.constant 0 : i32
    %c0_i32_1 = arith.constant 0 : i32
    return %c0_i32, %c0_i32_0 : i32, i32
  }
  func.func @transform_4(%arg0: i32) -> (i32, i32) {
    %c0_i32 = arith.constant 0 : i32
    %c0_i32_0 = arith.constant 0 : i32
    %c0_i32_1 = arith.constant 0 : i32
    return %c0_i32, %c0_i32_0 : i32, i32
  }
  func.func @transform_5(%arg0: i32) -> (i32, i32) {
    %c0_i32 = arith.constant 0 : i32
    %c0_i32_0 = arith.constant 0 : i32
    %c0_i32_1 = arith.constant 0 : i32
    return %c0_i32, %c0_i32_0 : i32, i32
  }
  func.func @transform_6(%arg0: i32) -> (i32, i32) {
    %c0_i32 = arith.constant 0 : i32
    %c0_i32_0 = arith.constant 0 : i32
    %c0_i32_1 = arith.constant 0 : i32
    return %c0_i32, %c0_i32_0 : i32, i32
  }
  func.func @transform_7(%arg0: i32) -> (i32, i32) {
    %c0_i32 = arith.constant 0 : i32
    %c0_i32_0 = arith.constant 0 : i32
    return %arg0, %c0_i32 : i32, i32
  }
  func.func @transform_8(%arg0: i32) -> (i32, i32) {
    %c0_i32 = arith.constant 0 : i32
    %c0_i32_0 = arith.constant 0 : i32
    return %arg0, %c0_i32 : i32, i32
  }
  func.func @transform_9(%arg0: i32) -> (i32, i32) {
    %c0_i32 = arith.constant 0 : i32
    %c0_i32_0 = arith.constant 0 : i32
    return %arg0, %c0_i32 : i32, i32
  }
  func.func @transform_10(%arg0: i32) -> (i32, i32) {
    %c0_i32 = arith.constant 0 : i32
    %c0_i32_0 = arith.constant 0 : i32
    return %arg0, %c0_i32 : i32, i32
  }
  func.func @transform_11(%arg0: i32) -> (i32, i32) {
    %c0_i32 = arith.constant 0 : i32
    %c0_i32_0 = arith.constant 0 : i32
    return %arg0, %c0_i32 : i32, i32
  }
  func.func @transform_12(%arg0: i32) -> (i32, i32) {
    %c0_i32 = arith.constant 0 : i32
    %c0_i32_0 = arith.constant 0 : i32
    return %arg0, %c0_i32 : i32, i32
  }
}

module attributes {stable_mosaic.version = 14 : i64} {
  func.func @_ffn_kernel(%arg0: i32, %arg1: memref<320x768xf32, #tpu.memory_space<vmem>>, %arg2: memref<1x768x1024xbf16, #tpu.memory_space<vmem>>, %arg3: memref<1x1x1024xf32, #tpu.memory_space<vmem>>, %arg4: memref<1x1024x768xbf16, #tpu.memory_space<vmem>>, %arg5: memref<1x1x768xf32, #tpu.memory_space<vmem>>, %arg6: memref<320x768xf32, #tpu.memory_space<vmem>>) attributes {dimension_semantics = [#tpu.dimension_semantics<arbitrary>], iteration_bounds = array<i64: 16>, scalar_prefetch = 0 : i64, scratch_operands = 0 : i64, tpu.core_type = #tpu.core_type<tc>, window_params = [{transform_indices = @transform_0, window_bounds = array<i64: 320, 768>}, {transform_indices = @transform_1, window_bounds = array<i64: 1, 768, 1024>}, {transform_indices = @transform_2, window_bounds = array<i64: 1, 1, 1024>}, {transform_indices = @transform_3, window_bounds = array<i64: 1, 1024, 768>}, {transform_indices = @transform_4, window_bounds = array<i64: 1, 1, 768>}, {transform_indices = @transform_5, window_bounds = array<i64: 320, 768>}]} {
    %get3A = arith.constant 0 : index
    %get3A_0 = arith.constant 0 : index
    %get3A_1 = vector.load %arg1[%get3A, %get3A_0] : memref<320x768xf32, #tpu.memory_space<vmem>>, vector<320x768xf32>
    %get3A_2 = arith.constant 0 : index
    %get3A_3 = arith.constant 0 : index
    %get3A_4 = arith.constant 0 : index
    %get3A_5 = vector.load %arg2[%get3A_2, %get3A_3, %get3A_4] : memref<1x768x1024xbf16, #tpu.memory_space<vmem>>, vector<1x768x1024xbf16>
    %get3A_6 = vector.shape_cast %get3A_5 : vector<1x768x1024xbf16> to vector<768x1024xbf16>
    %convert_element_type3A = arith.truncf %get3A_1 : vector<320x768xf32> to vector<320x768xbf16>
    %dot_general3A = arith.constant dense<0.000000e+00> : vector<320x1024xf32>
    %dot_general3A_7 = tpu.matmul %convert_element_type3A, %get3A_6, %dot_general3A {dimension_numbers = #tpu.dot_dimension_numbers<[1], [0], [0], [1], [0, 0, 1, 1], [], []>, transpose_lhs_hint = false} : vector<320x768xbf16>, vector<768x1024xbf16>, vector<320x1024xf32> -> vector<320x1024xf32>
    %get3A_8 = arith.constant 0 : index
    %get3A_9 = arith.constant 0 : index
    %get3A_10 = arith.constant 0 : index
    %get3A_11 = vector.load %arg3[%get3A_8, %get3A_9, %get3A_10] : memref<1x1x1024xf32, #tpu.memory_space<vmem>>, vector<1x1x1024xf32>
    %get3A_12 = vector.shape_cast %get3A_11 : vector<1x1x1024xf32> to vector<1x1024xf32>
    %add3A = vector.broadcast %get3A_12 : vector<1x1024xf32> to vector<320x1024xf32>
    %add3A_13 = arith.addf %dot_general3A_7, %add3A : vector<320x1024xf32>
    %integer_pow3A = arith.mulf %add3A_13, %add3A_13 : vector<320x1024xf32>
    %integer_pow3A_14 = arith.mulf %add3A_13, %integer_pow3A : vector<320x1024xf32>
    %mul3A = arith.constant 4.471500e-02 : f32
    %mul3A_15 = vector.broadcast %mul3A : f32 to vector<320x1024xf32>
    %mul3A_16 = arith.mulf %mul3A_15, %integer_pow3A_14 : vector<320x1024xf32>
    %add3A_17 = arith.addf %add3A_13, %mul3A_16 : vector<320x1024xf32>
    %mul3A_18 = arith.constant 0.797884583 : f32
    %mul3A_19 = vector.broadcast %mul3A_18 : f32 to vector<320x1024xf32>
    %mul3A_20 = arith.mulf %mul3A_19, %add3A_17 : vector<320x1024xf32>
    %tanh3A = math.tanh %mul3A_20 : vector<320x1024xf32>
    %add3A_21 = arith.constant 1.000000e+00 : f32
    %add3A_22 = vector.broadcast %add3A_21 : f32 to vector<320x1024xf32>
    %add3A_23 = arith.addf %add3A_22, %tanh3A : vector<320x1024xf32>
    %mul3A_24 = arith.constant 5.000000e-01 : f32
    %mul3A_25 = vector.broadcast %mul3A_24 : f32 to vector<320x1024xf32>
    %mul3A_26 = arith.mulf %mul3A_25, %add3A_23 : vector<320x1024xf32>
    %mul3A_27 = arith.mulf %add3A_13, %mul3A_26 : vector<320x1024xf32>
    %get3A_28 = arith.constant 0 : index
    %get3A_29 = arith.constant 0 : index
    %get3A_30 = arith.constant 0 : index
    %get3A_31 = vector.load %arg4[%get3A_28, %get3A_29, %get3A_30] : memref<1x1024x768xbf16, #tpu.memory_space<vmem>>, vector<1x1024x768xbf16>
    %get3A_32 = vector.shape_cast %get3A_31 : vector<1x1024x768xbf16> to vector<1024x768xbf16>
    %convert_element_type3A_33 = arith.truncf %mul3A_27 : vector<320x1024xf32> to vector<320x1024xbf16>
    %dot_general3A_34 = arith.constant dense<0.000000e+00> : vector<320x768xf32>
    %dot_general3A_35 = tpu.matmul %convert_element_type3A_33, %get3A_32, %dot_general3A_34 {dimension_numbers = #tpu.dot_dimension_numbers<[1], [0], [0], [1], [0, 0, 1, 1], [], []>, transpose_lhs_hint = false} : vector<320x1024xbf16>, vector<1024x768xbf16>, vector<320x768xf32> -> vector<320x768xf32>
    %get3A_36 = arith.constant 0 : index
    %get3A_37 = arith.constant 0 : index
    %get3A_38 = arith.constant 0 : index
    %get3A_39 = vector.load %arg5[%get3A_36, %get3A_37, %get3A_38] : memref<1x1x768xf32, #tpu.memory_space<vmem>>, vector<1x1x768xf32>
    %get3A_40 = vector.shape_cast %get3A_39 : vector<1x1x768xf32> to vector<1x768xf32>
    %add3A_41 = vector.broadcast %get3A_40 : vector<1x768xf32> to vector<320x768xf32>
    %add3A_42 = arith.addf %dot_general3A_35, %add3A_41 : vector<320x768xf32>
    %swap3A = arith.constant 0 : index
    %swap3A_43 = arith.constant 0 : index
    %swap3A_44 = vector.load %arg6[%swap3A, %swap3A_43] : memref<320x768xf32, #tpu.memory_space<vmem>>, vector<320x768xf32>
    tpu.vector_store %arg6[%swap3A, %swap3A_43], %add3A_42 {strides = array<i32>} : memref<320x768xf32, #tpu.memory_space<vmem>>, vector<320x768xf32>,
    return
  }
  func.func @transform_0(%arg0: i32) -> (i32, i32) {
    %c0_i32 = arith.constant 0 : i32
    %c0_i32_0 = arith.constant 0 : i32
    return %arg0, %c0_i32 : i32, i32
  }
  func.func @transform_1(%arg0: i32) -> (i32, i32, i32) {
    %c0_i32 = arith.constant 0 : i32
    %c0_i32_0 = arith.constant 0 : i32
    %c0_i32_1 = arith.constant 0 : i32
    return %arg0, %c0_i32, %c0_i32_0 : i32, i32, i32
  }
  func.func @transform_2(%arg0: i32) -> (i32, i32, i32) {
    %c0_i32 = arith.constant 0 : i32
    %c0_i32_0 = arith.constant 0 : i32
    %c0_i32_1 = arith.constant 0 : i32
    return %arg0, %c0_i32, %c0_i32_0 : i32, i32, i32
  }
  func.func @transform_3(%arg0: i32) -> (i32, i32, i32) {
    %c0_i32 = arith.constant 0 : i32
    %c0_i32_0 = arith.constant 0 : i32
    %c0_i32_1 = arith.constant 0 : i32
    return %arg0, %c0_i32, %c0_i32_0 : i32, i32, i32
  }
  func.func @transform_4(%arg0: i32) -> (i32, i32, i32) {
    %c0_i32 = arith.constant 0 : i32
    %c0_i32_0 = arith.constant 0 : i32
    %c0_i32_1 = arith.constant 0 : i32
    return %arg0, %c0_i32, %c0_i32_0 : i32, i32, i32
  }
  func.func @transform_5(%arg0: i32) -> (i32, i32) {
    %c0_i32 = arith.constant 0 : i32
    %c0_i32_0 = arith.constant 0 : i32
    return %arg0, %c0_i32 : i32, i32
  }
}

module attributes {stable_mosaic.version = 14 : i64} {
  func.func @_combine_qkv_kernel(%arg0: i32, %arg1: memref<576x768xf32, #tpu.memory_space<vmem>>, %arg2: memref<576x768xf32, #tpu.memory_space<vmem>>, %arg3: memref<576x768xf32, #tpu.memory_space<vmem>>, %arg4: memref<576x1xf32, #tpu.memory_space<vmem>>, %arg5: memref<576x1xf32, #tpu.memory_space<vmem>>, %arg6: memref<1x768xf32, #tpu.memory_space<vmem>>, %arg7: memref<1x768xf32, #tpu.memory_space<vmem>>, %arg8: memref<768x2304xbf16, #tpu.memory_space<vmem>>, %arg9: memref<1x2304xf32, #tpu.memory_space<vmem>>, %arg10: memref<576x768xf32, #tpu.memory_space<vmem>>, %arg11: memref<576x2304xbf16, #tpu.memory_space<vmem>>) attributes {dimension_semantics = [#tpu.dimension_semantics<arbitrary>], iteration_bounds = array<i64: 4>, scalar_prefetch = 0 : i64, scratch_operands = 0 : i64, tpu.core_type = #tpu.core_type<tc>, window_params = [{transform_indices = @transform_0, window_bounds = array<i64: 576, 768>}, {transform_indices = @transform_1, window_bounds = array<i64: 576, 768>}, {transform_indices = @transform_2, window_bounds = array<i64: 576, 768>}, {transform_indices = @transform_3, window_bounds = array<i64: 576, 1>}, {transform_indices = @transform_4, window_bounds = array<i64: 576, 1>}, {pipeline_mode = #tpu.pipeline_mode<synchronous>, transform_indices = @transform_5, window_bounds = array<i64: 1, 768>}, {pipeline_mode = #tpu.pipeline_mode<synchronous>, transform_indices = @transform_6, window_bounds = array<i64: 1, 768>}, {pipeline_mode = #tpu.pipeline_mode<synchronous>, transform_indices = @transform_7, window_bounds = array<i64: 768, 2304>}, {pipeline_mode = #tpu.pipeline_mode<synchronous>, transform_indices = @transform_8, window_bounds = array<i64: 1, 2304>}, {transform_indices = @transform_9, window_bounds = array<i64: 576, 768>}, {transform_indices = @transform_10, window_bounds = array<i64: 576, 2304>}]} {
    %get3A = arith.constant 0 : index
    %get3A_0 = arith.constant 0 : index
    %get3A_1 = vector.load %arg4[%get3A, %get3A_0] : memref<576x1xf32, #tpu.memory_space<vmem>>, vector<576x1xf32>
    %get3A_2 = arith.constant 0 : index
    %get3A_3 = arith.constant 0 : index
    %get3A_4 = vector.load %arg5[%get3A_2, %get3A_3] : memref<576x1xf32, #tpu.memory_space<vmem>>, vector<576x1xf32>
    %gt3A = arith.constant 0.000000e+00 : f32
    %gt3A_5 = vector.broadcast %gt3A : f32 to vector<576x1xf32>
    %gt3A_6 = arith.cmpf ogt, %get3A_1, %gt3A_5 : vector<576x1xf32>
    %get3A_7 = arith.constant 0 : index
    %get3A_8 = arith.constant 0 : index
    %get3A_9 = vector.load %arg2[%get3A_7, %get3A_8] : memref<576x768xf32, #tpu.memory_space<vmem>>, vector<576x768xf32>
    %mul3A = vector.broadcast %get3A_1 : vector<576x1xf32> to vector<576x768xf32>
    %mul3A_10 = arith.mulf %mul3A, %get3A_9 : vector<576x768xf32>
    %jit3A = arith.constant 0.000000e+00 : f32
    %broadcast_in_dim3A = vector.shape_cast %gt3A_6 : vector<576x1xi1> to vector<576x1xi1>
    %broadcast_in_dim3A_11 = vector.broadcast %broadcast_in_dim3A : vector<576x1xi1> to vector<576x768xi1>
    %broadcast_in_dim3A_12 = vector.broadcast %jit3A : f32 to vector<576x768xf32>
    %select_n3A = arith.select %broadcast_in_dim3A_11, %mul3A_10, %broadcast_in_dim3A_12 : vector<576x768xi1>, vector<576x768xf32>
    %gt3A_13 = arith.constant 0.000000e+00 : f32
    %gt3A_14 = vector.broadcast %gt3A_13 : f32 to vector<576x1xf32>
    %gt3A_15 = arith.cmpf ogt, %get3A_4, %gt3A_14 : vector<576x1xf32>
    %get3A_16 = arith.constant 0 : index
    %get3A_17 = arith.constant 0 : index
    %get3A_18 = vector.load %arg3[%get3A_16, %get3A_17] : memref<576x768xf32, #tpu.memory_space<vmem>>, vector<576x768xf32>
    %mul3A_19 = vector.broadcast %get3A_4 : vector<576x1xf32> to vector<576x768xf32>
    %mul3A_20 = arith.mulf %mul3A_19, %get3A_18 : vector<576x768xf32>
    %jit3A_21 = arith.constant 0.000000e+00 : f32
    %broadcast_in_dim3A_22 = vector.shape_cast %gt3A_15 : vector<576x1xi1> to vector<576x1xi1>
    %broadcast_in_dim3A_23 = vector.broadcast %broadcast_in_dim3A_22 : vector<576x1xi1> to vector<576x768xi1>
    %broadcast_in_dim3A_24 = vector.broadcast %jit3A_21 : f32 to vector<576x768xf32>
    %select_n3A_25 = arith.select %broadcast_in_dim3A_23, %mul3A_20, %broadcast_in_dim3A_24 : vector<576x768xi1>, vector<576x768xf32>
    %get3A_26 = arith.constant 0 : index
    %get3A_27 = arith.constant 0 : index
    %get3A_28 = vector.load %arg1[%get3A_26, %get3A_27] : memref<576x768xf32, #tpu.memory_space<vmem>>, vector<576x768xf32>
    %add3A = arith.addf %get3A_28, %select_n3A : vector<576x768xf32>
    %add3A_29 = arith.addf %add3A, %select_n3A_25 : vector<576x768xf32>
    %swap3A = arith.constant 0 : index
    %swap3A_30 = arith.constant 0 : index
    %swap3A_31 = vector.load %arg10[%swap3A, %swap3A_30] : memref<576x768xf32, #tpu.memory_space<vmem>>, vector<576x768xf32>
    tpu.vector_store %arg10[%swap3A, %swap3A_30], %add3A_29 {strides = array<i32>} : memref<576x768xf32, #tpu.memory_space<vmem>>, vector<576x768xf32>,
    %get3A_32 = arith.constant 0 : index
    %get3A_33 = arith.constant 0 : index
    %get3A_34 = vector.load %arg6[%get3A_32, %get3A_33] : memref<1x768xf32, #tpu.memory_space<vmem>>, vector<1x768xf32>
    %get3A_35 = arith.constant 0 : index
    %get3A_36 = arith.constant 0 : index
    %get3A_37 = vector.load %arg7[%get3A_35, %get3A_36] : memref<1x768xf32, #tpu.memory_space<vmem>>, vector<1x768xf32>
    %reduce_sum3A = arith.constant dense<0.000000e+00> : vector<576xf32>
    %reduce_sum3A_38 = vector.multi_reduction <add>, %add3A_29, %reduce_sum3A [1] : vector<576x768xf32> to vector<576xf32>
    %broadcast_in_dim3A_39 = vector.shape_cast %reduce_sum3A_38 : vector<576xf32> to vector<576x1xf32>
    %div3A = arith.constant 7.680000e+02 : f32
    %div3A_40 = vector.broadcast %div3A : f32 to vector<576x1xf32>
    %div3A_41 = arith.divf %broadcast_in_dim3A_39, %div3A_40 : vector<576x1xf32>
    %sub3A = vector.broadcast %div3A_41 : vector<576x1xf32> to vector<576x768xf32>
    %sub3A_42 = arith.subf %add3A_29, %sub3A : vector<576x768xf32>
    %mul3A_43 = arith.mulf %sub3A_42, %sub3A_42 : vector<576x768xf32>
    %reduce_sum3A_44 = arith.constant dense<0.000000e+00> : vector<576xf32>
    %reduce_sum3A_45 = vector.multi_reduction <add>, %mul3A_43, %reduce_sum3A_44 [1] : vector<576x768xf32> to vector<576xf32>
    %broadcast_in_dim3A_46 = vector.shape_cast %reduce_sum3A_45 : vector<576xf32> to vector<576x1xf32>
    %div3A_47 = arith.constant 7.680000e+02 : f32
    %div3A_48 = vector.broadcast %div3A_47 : f32 to vector<576x1xf32>
    %div3A_49 = arith.divf %broadcast_in_dim3A_46, %div3A_48 : vector<576x1xf32>
    %add3A_50 = arith.constant 9.99999974E-6 : f32
    %add3A_51 = vector.broadcast %add3A_50 : f32 to vector<576x1xf32>
    %add3A_52 = arith.addf %div3A_49, %add3A_51 : vector<576x1xf32>
    %rsqrt3A = math.rsqrt %add3A_52 : vector<576x1xf32>
    %mul3A_53 = vector.broadcast %rsqrt3A : vector<576x1xf32> to vector<576x768xf32>
    %mul3A_54 = arith.mulf %sub3A_42, %mul3A_53 : vector<576x768xf32>
    %mul3A_55 = vector.broadcast %get3A_34 : vector<1x768xf32> to vector<576x768xf32>
    %mul3A_56 = arith.mulf %mul3A_54, %mul3A_55 : vector<576x768xf32>
    %add3A_57 = vector.broadcast %get3A_37 : vector<1x768xf32> to vector<576x768xf32>
    %add3A_58 = arith.addf %mul3A_56, %add3A_57 : vector<576x768xf32>
    %get3A_59 = arith.constant 0 : index
    %get3A_60 = arith.constant 0 : index
    %get3A_61 = vector.load %arg8[%get3A_59, %get3A_60] : memref<768x2304xbf16, #tpu.memory_space<vmem>>, vector<768x2304xbf16>
    %convert_element_type3A = arith.truncf %add3A_58 : vector<576x768xf32> to vector<576x768xbf16>
    %dot_general3A = arith.constant dense<0.000000e+00> : vector<576x2304xf32>
    %dot_general3A_62 = tpu.matmul %convert_element_type3A, %get3A_61, %dot_general3A {dimension_numbers = #tpu.dot_dimension_numbers<[1], [0], [0], [1], [0, 0, 1, 1], [], []>, transpose_lhs_hint = false} : vector<576x768xbf16>, vector<768x2304xbf16>, vector<576x2304xf32> -> vector<576x2304xf32>
    %get3A_63 = arith.constant 0 : index
    %get3A_64 = arith.constant 0 : index
    %get3A_65 = vector.load %arg9[%get3A_63, %get3A_64] : memref<1x2304xf32, #tpu.memory_space<vmem>>, vector<1x2304xf32>
    %add3A_66 = vector.broadcast %get3A_65 : vector<1x2304xf32> to vector<576x2304xf32>
    %add3A_67 = arith.addf %dot_general3A_62, %add3A_66 : vector<576x2304xf32>
    %convert_element_type3A_68 = arith.truncf %add3A_67 : vector<576x2304xf32> to vector<576x2304xbf16>
    %swap3A_69 = arith.constant 0 : index
    %swap3A_70 = arith.constant 0 : index
    %swap3A_71 = vector.load %arg11[%swap3A_69, %swap3A_70] : memref<576x2304xbf16, #tpu.memory_space<vmem>>, vector<576x2304xbf16>
    tpu.vector_store %arg11[%swap3A_69, %swap3A_70], %convert_element_type3A_68 {strides = array<i32>} : memref<576x2304xbf16, #tpu.memory_space<vmem>>, vector<576x2304xbf16>,
    return
  }
  func.func @transform_0(%arg0: i32) -> (i32, i32) {
    %c0_i32 = arith.constant 0 : i32
    %c0_i32_0 = arith.constant 0 : i32
    return %arg0, %c0_i32 : i32, i32
  }
  func.func @transform_1(%arg0: i32) -> (i32, i32) {
    %c0_i32 = arith.constant 0 : i32
    %c0_i32_0 = arith.constant 0 : i32
    return %arg0, %c0_i32 : i32, i32
  }
  func.func @transform_2(%arg0: i32) -> (i32, i32) {
    %c0_i32 = arith.constant 0 : i32
    %c0_i32_0 = arith.constant 0 : i32
    return %arg0, %c0_i32 : i32, i32
  }
  func.func @transform_3(%arg0: i32) -> (i32, i32) {
    %c0_i32 = arith.constant 0 : i32
    %c0_i32_0 = arith.constant 0 : i32
    return %arg0, %c0_i32 : i32, i32
  }
  func.func @transform_4(%arg0: i32) -> (i32, i32) {
    %c0_i32 = arith.constant 0 : i32
    %c0_i32_0 = arith.constant 0 : i32
    return %arg0, %c0_i32 : i32, i32
  }
  func.func @transform_5(%arg0: i32) -> (i32, i32) {
    %c0_i32 = arith.constant 0 : i32
    %c0_i32_0 = arith.constant 0 : i32
    %c0_i32_1 = arith.constant 0 : i32
    return %c0_i32, %c0_i32_0 : i32, i32
  }
  func.func @transform_6(%arg0: i32) -> (i32, i32) {
    %c0_i32 = arith.constant 0 : i32
    %c0_i32_0 = arith.constant 0 : i32
    %c0_i32_1 = arith.constant 0 : i32
    return %c0_i32, %c0_i32_0 : i32, i32
  }
  func.func @transform_7(%arg0: i32) -> (i32, i32) {
    %c0_i32 = arith.constant 0 : i32
    %c0_i32_0 = arith.constant 0 : i32
    %c0_i32_1 = arith.constant 0 : i32
    return %c0_i32, %c0_i32_0 : i32, i32
  }
  func.func @transform_8(%arg0: i32) -> (i32, i32) {
    %c0_i32 = arith.constant 0 : i32
    %c0_i32_0 = arith.constant 0 : i32
    %c0_i32_1 = arith.constant 0 : i32
    return %c0_i32, %c0_i32_0 : i32, i32
  }
  func.func @transform_9(%arg0: i32) -> (i32, i32) {
    %c0_i32 = arith.constant 0 : i32
    %c0_i32_0 = arith.constant 0 : i32
    return %arg0, %c0_i32 : i32, i32
  }
  func.func @transform_10(%arg0: i32) -> (i32, i32) {
    %c0_i32 = arith.constant 0 : i32
    %c0_i32_0 = arith.constant 0 : i32
    return %arg0, %c0_i32 : i32, i32
  }
}

module attributes {stable_mosaic.version = 14 : i64} {
  func.func @_attn_kernel(%arg0: i32, %arg1: i32, %arg2: memref<128x128xbf16, #tpu.memory_space<vmem>>, %arg3: memref<2176x128xbf16, #tpu.memory_space<vmem>>, %arg4: memref<2176x128xbf16, #tpu.memory_space<vmem>>, %arg5: memref<128x128xbf16, #tpu.memory_space<vmem>>) attributes {dimension_semantics = [#tpu.dimension_semantics<arbitrary>, #tpu.dimension_semantics<arbitrary>], iteration_bounds = array<i64: 6, 1>, scalar_prefetch = 0 : i64, scratch_operands = 0 : i64, tpu.core_type = #tpu.core_type<tc>, window_params = [{transform_indices = @transform_0, window_bounds = array<i64: 128, 128>}, {transform_indices = @transform_1, window_bounds = array<i64: 2176, 128>}, {transform_indices = @transform_2, window_bounds = array<i64: 2176, 128>}, {transform_indices = @transform_3, window_bounds = array<i64: 128, 128>}]} {
    %iota3A = tpu.iota {dimensions = array<i32: 1>} : vector<128x2176xi32>
    %get3A = arith.constant 0 : index
    %get3A_0 = arith.constant 0 : index
    %get3A_1 = vector.load %arg2[%get3A, %get3A_0] : memref<128x128xbf16, #tpu.memory_space<vmem>>, vector<128x64xbf16>
    %get3A_2 = arith.constant 0 : index
    %get3A_3 = arith.constant 0 : index
    %get3A_4 = vector.load %arg3[%get3A_2, %get3A_3] : memref<2176x128xbf16, #tpu.memory_space<vmem>>, vector<2176x64xbf16>
    %dot_general3A = arith.constant dense<0.000000e+00> : vector<128x2176xf32>
    %dot_general3A_5 = tpu.matmul %get3A_1, %get3A_4, %dot_general3A {dimension_numbers = #tpu.dot_dimension_numbers<[1], [1], [0], [0], [0, 0, 1, 0], [], []>, transpose_lhs_hint = false} : vector<128x64xbf16>, vector<2176x64xbf16>, vector<128x2176xf32> -> vector<128x2176xf32>
    %mul3A = arith.constant 1.250000e-01 : f32
    %mul3A_6 = vector.broadcast %mul3A : f32 to vector<128x2176xf32>
    %mul3A_7 = arith.mulf %dot_general3A_5, %mul3A_6 : vector<128x2176xf32>
    %lt3A = arith.constant 2049 : i32
    %lt3A_8 = vector.broadcast %lt3A : i32 to vector<128x2176xi32>
    %lt3A_9 = arith.cmpi slt, %iota3A, %lt3A_8 : vector<128x2176xi32>
    %jit3A = arith.constant -1.000000e+30 : f32
    %broadcast_in_dim3A = vector.broadcast %jit3A : f32 to vector<128x2176xf32>
    %select_n3A = arith.select %lt3A_9, %mul3A_7, %broadcast_in_dim3A : vector<128x2176xi1>, vector<128x2176xf32>
    %reduce_max3A = arith.constant dense<0xFF800000> : vector<128xf32>
    %reduce_max3A_10 = vector.multi_reduction <maximumf>, %select_n3A, %reduce_max3A [1] : vector<128x2176xf32> to vector<128xf32>
    %broadcast_in_dim3A_11 = vector.shape_cast %reduce_max3A_10 : vector<128xf32> to vector<128x1xf32>
    %sub3A = vector.broadcast %broadcast_in_dim3A_11 : vector<128x1xf32> to vector<128x2176xf32>
    %sub3A_12 = arith.subf %select_n3A, %sub3A : vector<128x2176xf32>
    %exp3A = math.exp %sub3A_12 : vector<128x2176xf32>
    %convert_element_type3A = arith.truncf %exp3A : vector<128x2176xf32> to vector<128x2176xbf16>
    %broadcast_in_dim3A_13 = arith.constant 1.000000e+00 : bf16
    %broadcast_in_dim3A_14 = vector.broadcast %broadcast_in_dim3A_13 : bf16 to vector<2176x1xbf16>
    %dot_general3A_15 = arith.constant dense<0.000000e+00> : vector<128x1xf32>
    %dot_general3A_16 = tpu.matmul %convert_element_type3A, %broadcast_in_dim3A_14, %dot_general3A_15 {dimension_numbers = #tpu.dot_dimension_numbers<[1], [0], [0], [1], [0, 0, 1, 1], [], []>, transpose_lhs_hint = false} : vector<128x2176xbf16>, vector<2176x1xbf16>, vector<128x1xf32> -> vector<128x1xf32>
    %get3A_17 = arith.constant 0 : index
    %get3A_18 = arith.constant 0 : index
    %get3A_19 = vector.load %arg4[%get3A_17, %get3A_18] : memref<2176x128xbf16, #tpu.memory_space<vmem>>, vector<2176x64xbf16>
    %dot_general3A_20 = arith.constant dense<0.000000e+00> : vector<128x64xf32>
    %dot_general3A_21 = tpu.matmul %convert_element_type3A, %get3A_19, %dot_general3A_20 {dimension_numbers = #tpu.dot_dimension_numbers<[1], [0], [0], [1], [0, 0, 1, 1], [], []>, transpose_lhs_hint = false} : vector<128x2176xbf16>, vector<2176x64xbf16>, vector<128x64xf32> -> vector<128x64xf32>
    %div3A = vector.broadcast %dot_general3A_16 : vector<128x1xf32> to vector<128x64xf32>
    %div3A_22 = arith.divf %dot_general3A_21, %div3A : vector<128x64xf32>
    %convert_element_type3A_23 = arith.truncf %div3A_22 : vector<128x64xf32> to vector<128x64xbf16>
    %swap3A = arith.constant 0 : index
    %swap3A_24 = arith.constant 0 : index
    %swap3A_25 = vector.load %arg5[%swap3A, %swap3A_24] : memref<128x128xbf16, #tpu.memory_space<vmem>>, vector<128x64xbf16>
    tpu.vector_store %arg5[%swap3A, %swap3A_24], %convert_element_type3A_23 {strides = array<i32>} : memref<128x128xbf16, #tpu.memory_space<vmem>>, vector<128x64xbf16>,
    %get3A_26 = arith.constant 0 : index
    %get3A_27 = arith.constant 64 : index
    %get3A_28 = vector.load %arg2[%get3A_26, %get3A_27] : memref<128x128xbf16, #tpu.memory_space<vmem>>, vector<128x64xbf16>
    %get3A_29 = arith.constant 0 : index
    %get3A_30 = arith.constant 64 : index
    %get3A_31 = vector.load %arg3[%get3A_29, %get3A_30] : memref<2176x128xbf16, #tpu.memory_space<vmem>>, vector<2176x64xbf16>
    %dot_general3A_32 = arith.constant dense<0.000000e+00> : vector<128x2176xf32>
    %dot_general3A_33 = tpu.matmul %get3A_28, %get3A_31, %dot_general3A_32 {dimension_numbers = #tpu.dot_dimension_numbers<[1], [1], [0], [0], [0, 0, 1, 0], [], []>, transpose_lhs_hint = false} : vector<128x64xbf16>, vector<2176x64xbf16>, vector<128x2176xf32> -> vector<128x2176xf32>
    %mul3A_34 = arith.constant 1.250000e-01 : f32
    %mul3A_35 = vector.broadcast %mul3A_34 : f32 to vector<128x2176xf32>
    %mul3A_36 = arith.mulf %dot_general3A_33, %mul3A_35 : vector<128x2176xf32>
    %lt3A_37 = arith.constant 2049 : i32
    %lt3A_38 = vector.broadcast %lt3A_37 : i32 to vector<128x2176xi32>
    %lt3A_39 = arith.cmpi slt, %iota3A, %lt3A_38 : vector<128x2176xi32>
    %jit3A_40 = arith.constant -1.000000e+30 : f32
    %broadcast_in_dim3A_41 = vector.broadcast %jit3A_40 : f32 to vector<128x2176xf32>
    %select_n3A_42 = arith.select %lt3A_39, %mul3A_36, %broadcast_in_dim3A_41 : vector<128x2176xi1>, vector<128x2176xf32>
    %reduce_max3A_43 = arith.constant dense<0xFF800000> : vector<128xf32>
    %reduce_max3A_44 = vector.multi_reduction <maximumf>, %select_n3A_42, %reduce_max3A_43 [1] : vector<128x2176xf32> to vector<128xf32>
    %broadcast_in_dim3A_45 = vector.shape_cast %reduce_max3A_44 : vector<128xf32> to vector<128x1xf32>
    %sub3A_46 = vector.broadcast %broadcast_in_dim3A_45 : vector<128x1xf32> to vector<128x2176xf32>
    %sub3A_47 = arith.subf %select_n3A_42, %sub3A_46 : vector<128x2176xf32>
    %exp3A_48 = math.exp %sub3A_47 : vector<128x2176xf32>
    %convert_element_type3A_49 = arith.truncf %exp3A_48 : vector<128x2176xf32> to vector<128x2176xbf16>
    %broadcast_in_dim3A_50 = arith.constant 1.000000e+00 : bf16
    %broadcast_in_dim3A_51 = vector.broadcast %broadcast_in_dim3A_50 : bf16 to vector<2176x1xbf16>
    %dot_general3A_52 = arith.constant dense<0.000000e+00> : vector<128x1xf32>
    %dot_general3A_53 = tpu.matmul %convert_element_type3A_49, %broadcast_in_dim3A_51, %dot_general3A_52 {dimension_numbers = #tpu.dot_dimension_numbers<[1], [0], [0], [1], [0, 0, 1, 1], [], []>, transpose_lhs_hint = false} : vector<128x2176xbf16>, vector<2176x1xbf16>, vector<128x1xf32> -> vector<128x1xf32>
    %get3A_54 = arith.constant 0 : index
    %get3A_55 = arith.constant 64 : index
    %get3A_56 = vector.load %arg4[%get3A_54, %get3A_55] : memref<2176x128xbf16, #tpu.memory_space<vmem>>, vector<2176x64xbf16>
    %dot_general3A_57 = arith.constant dense<0.000000e+00> : vector<128x64xf32>
    %dot_general3A_58 = tpu.matmul %convert_element_type3A_49, %get3A_56, %dot_general3A_57 {dimension_numbers = #tpu.dot_dimension_numbers<[1], [0], [0], [1], [0, 0, 1, 1], [], []>, transpose_lhs_hint = false} : vector<128x2176xbf16>, vector<2176x64xbf16>, vector<128x64xf32> -> vector<128x64xf32>
    %div3A_59 = vector.broadcast %dot_general3A_53 : vector<128x1xf32> to vector<128x64xf32>
    %div3A_60 = arith.divf %dot_general3A_58, %div3A_59 : vector<128x64xf32>
    %convert_element_type3A_61 = arith.truncf %div3A_60 : vector<128x64xf32> to vector<128x64xbf16>
    %swap3A_62 = arith.constant 0 : index
    %swap3A_63 = arith.constant 64 : index
    %swap3A_64 = vector.load %arg5[%swap3A_62, %swap3A_63] : memref<128x128xbf16, #tpu.memory_space<vmem>>, vector<128x64xbf16>
    tpu.vector_store %arg5[%swap3A_62, %swap3A_63], %convert_element_type3A_61 {strides = array<i32>} : memref<128x128xbf16, #tpu.memory_space<vmem>>, vector<128x64xbf16>,
    return
  }
  func.func @transform_0(%arg0: i32, %arg1: i32) -> (i32, i32) {
    %c0_i32 = arith.constant 0 : i32
    return %arg1, %arg0 : i32, i32
  }
  func.func @transform_1(%arg0: i32, %arg1: i32) -> (i32, i32) {
    %add3A = arith.constant 6 : i32
    %add3A_0 = arith.addi %add3A, %arg0 : i32
    %c0_i32 = arith.constant 0 : i32
    %c0_i32_1 = arith.constant 0 : i32
    return %c0_i32, %add3A_0 : i32, i32
  }
  func.func @transform_2(%arg0: i32, %arg1: i32) -> (i32, i32) {
    %add3A = arith.constant 12 : i32
    %add3A_0 = arith.addi %add3A, %arg0 : i32
    %c0_i32 = arith.constant 0 : i32
    %c0_i32_1 = arith.constant 0 : i32
    return %c0_i32, %add3A_0 : i32, i32
  }
  func.func @transform_3(%arg0: i32, %arg1: i32) -> (i32, i32) {
    %c0_i32 = arith.constant 0 : i32
    return %arg1, %arg0 : i32, i32
  }
}

module attributes {stable_mosaic.version = 14 : i64} {
  func.func @_router_kernel(%arg0: i32, %arg1: memref<128x768xbf16, #tpu.memory_space<vmem>>, %arg2: memref<128x768xf32, #tpu.memory_space<vmem>>, %arg3: memref<768x768xbf16, #tpu.memory_space<vmem>>, %arg4: memref<1x768xf32, #tpu.memory_space<vmem>>, %arg5: memref<1x768xf32, #tpu.memory_space<vmem>>, %arg6: memref<1x768xf32, #tpu.memory_space<vmem>>, %arg7: memref<768x20xf32, #tpu.memory_space<vmem>>, %arg8: memref<128x768xf32, #tpu.memory_space<vmem>>, %arg9: memref<128x768xf32, #tpu.memory_space<vmem>>, %arg10: memref<128x1xi32, #tpu.memory_space<vmem>>, %arg11: memref<128x1xi32, #tpu.memory_space<vmem>>, %arg12: memref<128x1xf32, #tpu.memory_space<vmem>>, %arg13: memref<128x1xf32, #tpu.memory_space<vmem>>, %arg14: memref<8x128xf32, #tpu.memory_space<vmem>>) attributes {dimension_semantics = [#tpu.dimension_semantics<arbitrary>], iteration_bounds = array<i64: 1>, scalar_prefetch = 0 : i64, scratch_operands = 1 : i64, tpu.core_type = #tpu.core_type<tc>, window_params = [{transform_indices = @transform_0, window_bounds = array<i64: 128, 768>}, {transform_indices = @transform_1, window_bounds = array<i64: 128, 768>}, {pipeline_mode = #tpu.pipeline_mode<synchronous>, transform_indices = @transform_2, window_bounds = array<i64: 768, 768>}, {pipeline_mode = #tpu.pipeline_mode<synchronous>, transform_indices = @transform_3, window_bounds = array<i64: 1, 768>}, {pipeline_mode = #tpu.pipeline_mode<synchronous>, transform_indices = @transform_4, window_bounds = array<i64: 1, 768>}, {pipeline_mode = #tpu.pipeline_mode<synchronous>, transform_indices = @transform_5, window_bounds = array<i64: 1, 768>}, {pipeline_mode = #tpu.pipeline_mode<synchronous>, transform_indices = @transform_6, window_bounds = array<i64: 768, 20>}, {transform_indices = @transform_7, window_bounds = array<i64: 128, 768>}, {transform_indices = @transform_8, window_bounds = array<i64: 128, 768>}, {transform_indices = @transform_9, window_bounds = array<i64: 128, 1>}, {transform_indices = @transform_10, window_bounds = array<i64: 128, 1>}, {transform_indices = @transform_11, window_bounds = array<i64: 128, 1>}, {transform_indices = @transform_12, window_bounds = array<i64: 128, 1>}]} {
    %eq3A = arith.constant 0 : i32
    %eq3A_0 = arith.cmpi eq, %arg0, %eq3A : i32
    %convert_element_type3A = arith.extui %eq3A_0 : i1 to i32
    %cond3A = arith.constant 0 : i32
    %cond3A_1 = arith.cmpi ne, %convert_element_type3A, %cond3A : i32
    scf.if %cond3A_1 {
      %broadcast_in_dim3A_297 = arith.constant 0.000000e+00 : f32
      %broadcast_in_dim3A_298 = vector.broadcast %broadcast_in_dim3A_297 : f32 to vector<8x128xf32>
      %swap3A_299 = arith.constant 0 : index
      %swap3A_300 = arith.constant 0 : index
      %swap3A_301 = vector.load %arg14[%swap3A_299, %swap3A_300] : memref<8x128xf32, #tpu.memory_space<vmem>>, vector<8x128xf32>
      tpu.vector_store %arg14[%swap3A_299, %swap3A_300], %broadcast_in_dim3A_298 {strides = array<i32>} : memref<8x128xf32, #tpu.memory_space<vmem>>, vector<8x128xf32>,
    } else {
    }
    %get3A = arith.constant 0 : index
    %get3A_2 = arith.constant 0 : index
    %get3A_3 = vector.load %arg2[%get3A, %get3A_2] : memref<128x768xf32, #tpu.memory_space<vmem>>, vector<128x768xf32>
    %get3A_4 = arith.constant 0 : index
    %get3A_5 = arith.constant 0 : index
    %get3A_6 = vector.load %arg1[%get3A_4, %get3A_5] : memref<128x768xbf16, #tpu.memory_space<vmem>>, vector<128x768xbf16>
    %get3A_7 = arith.constant 0 : index
    %get3A_8 = arith.constant 0 : index
    %get3A_9 = vector.load %arg3[%get3A_7, %get3A_8] : memref<768x768xbf16, #tpu.memory_space<vmem>>, vector<768x768xbf16>
    %dot_general3A = arith.constant dense<0.000000e+00> : vector<128x768xf32>
    %dot_general3A_10 = tpu.matmul %get3A_6, %get3A_9, %dot_general3A {dimension_numbers = #tpu.dot_dimension_numbers<[1], [0], [0], [1], [0, 0, 1, 1], [], []>, transpose_lhs_hint = false} : vector<128x768xbf16>, vector<768x768xbf16>, vector<128x768xf32> -> vector<128x768xf32>
    %add3A = arith.addf %get3A_3, %dot_general3A_10 : vector<128x768xf32>
    %get3A_11 = arith.constant 0 : index
    %get3A_12 = arith.constant 0 : index
    %get3A_13 = vector.load %arg4[%get3A_11, %get3A_12] : memref<1x768xf32, #tpu.memory_space<vmem>>, vector<1x768xf32>
    %add3A_14 = vector.broadcast %get3A_13 : vector<1x768xf32> to vector<128x768xf32>
    %add3A_15 = arith.addf %add3A, %add3A_14 : vector<128x768xf32>
    %swap3A = arith.constant 0 : index
    %swap3A_16 = arith.constant 0 : index
    %swap3A_17 = vector.load %arg8[%swap3A, %swap3A_16] : memref<128x768xf32, #tpu.memory_space<vmem>>, vector<128x768xf32>
    tpu.vector_store %arg8[%swap3A, %swap3A_16], %add3A_15 {strides = array<i32>} : memref<128x768xf32, #tpu.memory_space<vmem>>, vector<128x768xf32>,
    %get3A_18 = arith.constant 0 : index
    %get3A_19 = arith.constant 0 : index
    %get3A_20 = vector.load %arg5[%get3A_18, %get3A_19] : memref<1x768xf32, #tpu.memory_space<vmem>>, vector<1x768xf32>
    %get3A_21 = arith.constant 0 : index
    %get3A_22 = arith.constant 0 : index
    %get3A_23 = vector.load %arg6[%get3A_21, %get3A_22] : memref<1x768xf32, #tpu.memory_space<vmem>>, vector<1x768xf32>
    %reduce_sum3A = arith.constant dense<0.000000e+00> : vector<128xf32>
    %reduce_sum3A_24 = vector.multi_reduction <add>, %add3A_15, %reduce_sum3A [1] : vector<128x768xf32> to vector<128xf32>
    %broadcast_in_dim3A = vector.shape_cast %reduce_sum3A_24 : vector<128xf32> to vector<128x1xf32>
    %div3A = arith.constant 7.680000e+02 : f32
    %div3A_25 = vector.broadcast %div3A : f32 to vector<128x1xf32>
    %div3A_26 = arith.divf %broadcast_in_dim3A, %div3A_25 : vector<128x1xf32>
    %sub3A = vector.broadcast %div3A_26 : vector<128x1xf32> to vector<128x768xf32>
    %sub3A_27 = arith.subf %add3A_15, %sub3A : vector<128x768xf32>
    %mul3A = arith.mulf %sub3A_27, %sub3A_27 : vector<128x768xf32>
    %reduce_sum3A_28 = arith.constant dense<0.000000e+00> : vector<128xf32>
    %reduce_sum3A_29 = vector.multi_reduction <add>, %mul3A, %reduce_sum3A_28 [1] : vector<128x768xf32> to vector<128xf32>
    %broadcast_in_dim3A_30 = vector.shape_cast %reduce_sum3A_29 : vector<128xf32> to vector<128x1xf32>
    %div3A_31 = arith.constant 7.680000e+02 : f32
    %div3A_32 = vector.broadcast %div3A_31 : f32 to vector<128x1xf32>
    %div3A_33 = arith.divf %broadcast_in_dim3A_30, %div3A_32 : vector<128x1xf32>
    %add3A_34 = arith.constant 9.99999974E-6 : f32
    %add3A_35 = vector.broadcast %add3A_34 : f32 to vector<128x1xf32>
    %add3A_36 = arith.addf %div3A_33, %add3A_35 : vector<128x1xf32>
    %rsqrt3A = math.rsqrt %add3A_36 : vector<128x1xf32>
    %mul3A_37 = vector.broadcast %rsqrt3A : vector<128x1xf32> to vector<128x768xf32>
    %mul3A_38 = arith.mulf %sub3A_27, %mul3A_37 : vector<128x768xf32>
    %mul3A_39 = vector.broadcast %get3A_20 : vector<1x768xf32> to vector<128x768xf32>
    %mul3A_40 = arith.mulf %mul3A_38, %mul3A_39 : vector<128x768xf32>
    %add3A_41 = vector.broadcast %get3A_23 : vector<1x768xf32> to vector<128x768xf32>
    %add3A_42 = arith.addf %mul3A_40, %add3A_41 : vector<128x768xf32>
    %swap3A_43 = arith.constant 0 : index
    %swap3A_44 = arith.constant 0 : index
    %swap3A_45 = vector.load %arg9[%swap3A_43, %swap3A_44] : memref<128x768xf32, #tpu.memory_space<vmem>>, vector<128x768xf32>
    tpu.vector_store %arg9[%swap3A_43, %swap3A_44], %add3A_42 {strides = array<i32>} : memref<128x768xf32, #tpu.memory_space<vmem>>, vector<128x768xf32>,
    %get3A_46 = arith.constant 0 : index
    %get3A_47 = arith.constant 0 : index
    %get3A_48 = vector.load %arg7[%get3A_46, %get3A_47] : memref<768x20xf32, #tpu.memory_space<vmem>>, vector<768x20xf32>
    %dot_general3A_49 = arith.constant dense<0.000000e+00> : vector<128x20xf32>
    %dot_general3A_50 = tpu.matmul %add3A_42, %get3A_48, %dot_general3A_49 {dimension_numbers = #tpu.dot_dimension_numbers<[1], [0], [0], [1], [0, 0, 1, 1], [], []>, transpose_lhs_hint = false} : vector<128x768xf32>, vector<768x20xf32>, vector<128x20xf32> -> vector<128x20xf32>
    %slice3A = vector.extract_strided_slice %dot_general3A_50 {offsets = [0, 0], sizes = [128, 4], strides = [1, 1]} : vector<128x20xf32> to vector<128x4xf32>
    %slice3A_51 = vector.extract_strided_slice %dot_general3A_50 {offsets = [0, 4], sizes = [128, 16], strides = [1, 1]} : vector<128x20xf32> to vector<128x16xf32>
    %reduce_max3A = arith.constant dense<0xFF800000> : vector<128xf32>
    %reduce_max3A_52 = vector.multi_reduction <maximumf>, %slice3A, %reduce_max3A [1] : vector<128x4xf32> to vector<128xf32>
    %broadcast_in_dim3A_53 = vector.shape_cast %reduce_max3A_52 : vector<128xf32> to vector<128x1xf32>
    %sub3A_54 = vector.broadcast %broadcast_in_dim3A_53 : vector<128x1xf32> to vector<128x4xf32>
    %sub3A_55 = arith.subf %slice3A, %sub3A_54 : vector<128x4xf32>
    %exp3A = math.exp %sub3A_55 : vector<128x4xf32>
    %reduce_sum3A_56 = arith.constant dense<0.000000e+00> : vector<128xf32>
    %reduce_sum3A_57 = vector.multi_reduction <add>, %exp3A, %reduce_sum3A_56 [1] : vector<128x4xf32> to vector<128xf32>
    %broadcast_in_dim3A_58 = vector.shape_cast %reduce_sum3A_57 : vector<128xf32> to vector<128x1xf32>
    %div3A_59 = vector.broadcast %broadcast_in_dim3A_58 : vector<128x1xf32> to vector<128x4xf32>
    %div3A_60 = arith.divf %exp3A, %div3A_59 : vector<128x4xf32>
    %iota3A = tpu.iota {dimensions = array<i32: 0>} : vector<4x16xi32>
    %iota3A_61 = tpu.iota {dimensions = array<i32: 1>} : vector<4x16xi32>
    %jit3A = arith.constant 4 : i32
    %div3A_62 = vector.broadcast %jit3A : i32 to vector<4x16xi32>
    %div3A_63 = arith.divsi %iota3A_61, %div3A_62 : vector<4x16xi32>
    %sign3A = arith.constant 0 : i32
    %sign3A_64 = vector.broadcast %sign3A : i32 to vector<4x16xi32>
    %sign3A_65 = arith.cmpi sgt, %iota3A_61, %sign3A_64 : vector<4x16xi32>
    %sign3A_66 = arith.extui %sign3A_65 : vector<4x16xi1> to vector<4x16xi32>
    %sign3A_67 = arith.constant 0 : i32
    %sign3A_68 = vector.broadcast %sign3A_67 : i32 to vector<4x16xi32>
    %sign3A_69 = arith.cmpi slt, %iota3A_61, %sign3A_68 : vector<4x16xi32>
    %sign3A_70 = arith.extui %sign3A_69 : vector<4x16xi1> to vector<4x16xi32>
    %sign3A_71 = arith.subi %sign3A_66, %sign3A_70 : vector<4x16xi32>
    %sign3A_72 = arith.constant 0 : i32
    %sign3A_73 = arith.cmpi sgt, %jit3A, %sign3A_72 : i32
    %sign3A_74 = arith.extui %sign3A_73 : i1 to i32
    %sign3A_75 = arith.constant 0 : i32
    %sign3A_76 = arith.cmpi slt, %jit3A, %sign3A_75 : i32
    %sign3A_77 = arith.extui %sign3A_76 : i1 to i32
    %sign3A_78 = arith.subi %sign3A_74, %sign3A_77 : i32
    %ne3A = vector.broadcast %sign3A_78 : i32 to vector<4x16xi32>
    %ne3A_79 = arith.cmpi ne, %sign3A_71, %ne3A : vector<4x16xi32>
    %rem3A = vector.broadcast %jit3A : i32 to vector<4x16xi32>
    %rem3A_80 = arith.remsi %iota3A_61, %rem3A : vector<4x16xi32>
    %ne3A_81 = arith.constant 0 : i32
    %ne3A_82 = vector.broadcast %ne3A_81 : i32 to vector<4x16xi32>
    %ne3A_83 = arith.cmpi ne, %rem3A_80, %ne3A_82 : vector<4x16xi32>
    %and3A = arith.andi %ne3A_79, %ne3A_83 : vector<4x16xi1>
    %sub3A_84 = arith.constant 1 : i32
    %sub3A_85 = vector.broadcast %sub3A_84 : i32 to vector<4x16xi32>
    %sub3A_86 = arith.subi %div3A_63, %sub3A_85 : vector<4x16xi32>
    %select_n3A = arith.select %and3A, %sub3A_86, %div3A_63 : vector<4x16xi1>, vector<4x16xi32>
    %eq3A_87 = arith.cmpi eq, %select_n3A, %iota3A : vector<4x16xi32>
    %convert_element_type3A_88 = arith.extui %eq3A_87 : vector<4x16xi1> to vector<4x16xi32>
    %convert_element_type3A_89 = arith.sitofp %convert_element_type3A_88 : vector<4x16xi32> to vector<4x16xf32>
    %dot_general3A_90 = arith.constant dense<0.000000e+00> : vector<128x16xf32>
    %dot_general3A_91 = tpu.matmul %div3A_60, %convert_element_type3A_89, %dot_general3A_90 {dimension_numbers = #tpu.dot_dimension_numbers<[1], [0], [0], [1], [0, 0, 1, 1], [], []>, transpose_lhs_hint = false} : vector<128x4xf32>, vector<4x16xf32>, vector<128x16xf32> -> vector<128x16xf32>
    %reduce_max3A_92 = arith.constant dense<0xFF800000> : vector<128xf32>
    %reduce_max3A_93 = vector.multi_reduction <maximumf>, %slice3A_51, %reduce_max3A_92 [1] : vector<128x16xf32> to vector<128xf32>
    %broadcast_in_dim3A_94 = vector.shape_cast %reduce_max3A_93 : vector<128xf32> to vector<128x1xf32>
    %sub3A_95 = vector.broadcast %broadcast_in_dim3A_94 : vector<128x1xf32> to vector<128x16xf32>
    %sub3A_96 = arith.subf %slice3A_51, %sub3A_95 : vector<128x16xf32>
    %exp3A_97 = math.exp %sub3A_96 : vector<128x16xf32>
    %iota3A_98 = tpu.iota {dimensions = array<i32: 0>} : vector<16x16xi32>
    %iota3A_99 = tpu.iota {dimensions = array<i32: 1>} : vector<16x16xi32>
    %jit3A_100 = arith.constant 4 : i32
    %div3A_101 = vector.broadcast %jit3A_100 : i32 to vector<16x16xi32>
    %div3A_102 = arith.divsi %iota3A_98, %div3A_101 : vector<16x16xi32>
    %sign3A_103 = arith.constant 0 : i32
    %sign3A_104 = vector.broadcast %sign3A_103 : i32 to vector<16x16xi32>
    %sign3A_105 = arith.cmpi sgt, %iota3A_98, %sign3A_104 : vector<16x16xi32>
    %sign3A_106 = arith.extui %sign3A_105 : vector<16x16xi1> to vector<16x16xi32>
    %sign3A_107 = arith.constant 0 : i32
    %sign3A_108 = vector.broadcast %sign3A_107 : i32 to vector<16x16xi32>
    %sign3A_109 = arith.cmpi slt, %iota3A_98, %sign3A_108 : vector<16x16xi32>
    %sign3A_110 = arith.extui %sign3A_109 : vector<16x16xi1> to vector<16x16xi32>
    %sign3A_111 = arith.subi %sign3A_106, %sign3A_110 : vector<16x16xi32>
    %sign3A_112 = arith.constant 0 : i32
    %sign3A_113 = arith.cmpi sgt, %jit3A_100, %sign3A_112 : i32
    %sign3A_114 = arith.extui %sign3A_113 : i1 to i32
    %sign3A_115 = arith.constant 0 : i32
    %sign3A_116 = arith.cmpi slt, %jit3A_100, %sign3A_115 : i32
    %sign3A_117 = arith.extui %sign3A_116 : i1 to i32
    %sign3A_118 = arith.subi %sign3A_114, %sign3A_117 : i32
    %ne3A_119 = vector.broadcast %sign3A_118 : i32 to vector<16x16xi32>
    %ne3A_120 = arith.cmpi ne, %sign3A_111, %ne3A_119 : vector<16x16xi32>
    %rem3A_121 = vector.broadcast %jit3A_100 : i32 to vector<16x16xi32>
    %rem3A_122 = arith.remsi %iota3A_98, %rem3A_121 : vector<16x16xi32>
    %ne3A_123 = arith.constant 0 : i32
    %ne3A_124 = vector.broadcast %ne3A_123 : i32 to vector<16x16xi32>
    %ne3A_125 = arith.cmpi ne, %rem3A_122, %ne3A_124 : vector<16x16xi32>
    %and3A_126 = arith.andi %ne3A_120, %ne3A_125 : vector<16x16xi1>
    %sub3A_127 = arith.constant 1 : i32
    %sub3A_128 = vector.broadcast %sub3A_127 : i32 to vector<16x16xi32>
    %sub3A_129 = arith.subi %div3A_102, %sub3A_128 : vector<16x16xi32>
    %select_n3A_130 = arith.select %and3A_126, %sub3A_129, %div3A_102 : vector<16x16xi1>, vector<16x16xi32>
    %jit3A_131 = arith.constant 4 : i32
    %div3A_132 = vector.broadcast %jit3A_131 : i32 to vector<16x16xi32>
    %div3A_133 = arith.divsi %iota3A_99, %div3A_132 : vector<16x16xi32>
    %sign3A_134 = arith.constant 0 : i32
    %sign3A_135 = vector.broadcast %sign3A_134 : i32 to vector<16x16xi32>
    %sign3A_136 = arith.cmpi sgt, %iota3A_99, %sign3A_135 : vector<16x16xi32>
    %sign3A_137 = arith.extui %sign3A_136 : vector<16x16xi1> to vector<16x16xi32>
    %sign3A_138 = arith.constant 0 : i32
    %sign3A_139 = vector.broadcast %sign3A_138 : i32 to vector<16x16xi32>
    %sign3A_140 = arith.cmpi slt, %iota3A_99, %sign3A_139 : vector<16x16xi32>
    %sign3A_141 = arith.extui %sign3A_140 : vector<16x16xi1> to vector<16x16xi32>
    %sign3A_142 = arith.subi %sign3A_137, %sign3A_141 : vector<16x16xi32>
    %sign3A_143 = arith.constant 0 : i32
    %sign3A_144 = arith.cmpi sgt, %jit3A_131, %sign3A_143 : i32
    %sign3A_145 = arith.extui %sign3A_144 : i1 to i32
    %sign3A_146 = arith.constant 0 : i32
    %sign3A_147 = arith.cmpi slt, %jit3A_131, %sign3A_146 : i32
    %sign3A_148 = arith.extui %sign3A_147 : i1 to i32
    %sign3A_149 = arith.subi %sign3A_145, %sign3A_148 : i32
    %ne3A_150 = vector.broadcast %sign3A_149 : i32 to vector<16x16xi32>
    %ne3A_151 = arith.cmpi ne, %sign3A_142, %ne3A_150 : vector<16x16xi32>
    %rem3A_152 = vector.broadcast %jit3A_131 : i32 to vector<16x16xi32>
    %rem3A_153 = arith.remsi %iota3A_99, %rem3A_152 : vector<16x16xi32>
    %ne3A_154 = arith.constant 0 : i32
    %ne3A_155 = vector.broadcast %ne3A_154 : i32 to vector<16x16xi32>
    %ne3A_156 = arith.cmpi ne, %rem3A_153, %ne3A_155 : vector<16x16xi32>
    %and3A_157 = arith.andi %ne3A_151, %ne3A_156 : vector<16x16xi1>
    %sub3A_158 = arith.constant 1 : i32
    %sub3A_159 = vector.broadcast %sub3A_158 : i32 to vector<16x16xi32>
    %sub3A_160 = arith.subi %div3A_133, %sub3A_159 : vector<16x16xi32>
    %select_n3A_161 = arith.select %and3A_157, %sub3A_160, %div3A_133 : vector<16x16xi1>, vector<16x16xi32>
    %eq3A_162 = arith.cmpi eq, %select_n3A_130, %select_n3A_161 : vector<16x16xi32>
    %convert_element_type3A_163 = arith.extui %eq3A_162 : vector<16x16xi1> to vector<16x16xi32>
    %convert_element_type3A_164 = arith.sitofp %convert_element_type3A_163 : vector<16x16xi32> to vector<16x16xf32>
    %dot_general3A_165 = arith.constant dense<0.000000e+00> : vector<128x16xf32>
    %dot_general3A_166 = tpu.matmul %exp3A_97, %convert_element_type3A_164, %dot_general3A_165 {dimension_numbers = #tpu.dot_dimension_numbers<[1], [0], [0], [1], [0, 0, 1, 1], [], []>, transpose_lhs_hint = false} : vector<128x16xf32>, vector<16x16xf32>, vector<128x16xf32> -> vector<128x16xf32>
    %mul3A_167 = arith.mulf %dot_general3A_91, %exp3A_97 : vector<128x16xf32>
    %div3A_168 = arith.divf %mul3A_167, %dot_general3A_166 : vector<128x16xf32>
    %iota3A_169 = tpu.iota {dimensions = array<i32: 1>} : vector<128x16xi32>
    %reduce_max3A_170 = arith.constant dense<0xFF800000> : vector<128xf32>
    %reduce_max3A_171 = vector.multi_reduction <maximumf>, %div3A_168, %reduce_max3A_170 [1] : vector<128x16xf32> to vector<128xf32>
    %broadcast_in_dim3A_172 = vector.shape_cast %reduce_max3A_171 : vector<128xf32> to vector<128x1xf32>
    %eq3A_173 = vector.broadcast %broadcast_in_dim3A_172 : vector<128x1xf32> to vector<128x16xf32>
    %eq3A_174 = arith.cmpf oeq, %div3A_168, %eq3A_173 : vector<128x16xf32>
    %jit3A_175 = arith.constant 16 : i32
    %broadcast_in_dim3A_176 = vector.broadcast %jit3A_175 : i32 to vector<128x16xi32>
    %select_n3A_177 = arith.select %eq3A_174, %iota3A_169, %broadcast_in_dim3A_176 : vector<128x16xi1>, vector<128x16xi32>
    %reduce_min3A = arith.constant dense<2147483647> : vector<128xi32>
    %reduce_min3A_178 = vector.multi_reduction <minsi>, %select_n3A_177, %reduce_min3A [1] : vector<128x16xi32> to vector<128xi32>
    %broadcast_in_dim3A_179 = vector.shape_cast %reduce_min3A_178 : vector<128xi32> to vector<128x1xi32>
    %eq3A_180 = vector.broadcast %broadcast_in_dim3A_179 : vector<128x1xi32> to vector<128x16xi32>
    %eq3A_181 = arith.cmpi eq, %iota3A_169, %eq3A_180 : vector<128x16xi32>
    %jit3A_182 = arith.constant -1.000000e+00 : f32
    %broadcast_in_dim3A_183 = vector.broadcast %jit3A_182 : f32 to vector<128x16xf32>
    %select_n3A_184 = arith.select %eq3A_181, %broadcast_in_dim3A_183, %div3A_168 : vector<128x16xi1>, vector<128x16xf32>
    %reduce_max3A_185 = arith.constant dense<0xFF800000> : vector<128xf32>
    %reduce_max3A_186 = vector.multi_reduction <maximumf>, %select_n3A_184, %reduce_max3A_185 [1] : vector<128x16xf32> to vector<128xf32>
    %broadcast_in_dim3A_187 = vector.shape_cast %reduce_max3A_186 : vector<128xf32> to vector<128x1xf32>
    %eq3A_188 = vector.broadcast %broadcast_in_dim3A_187 : vector<128x1xf32> to vector<128x16xf32>
    %eq3A_189 = arith.cmpf oeq, %select_n3A_184, %eq3A_188 : vector<128x16xf32>
    %jit3A_190 = arith.constant 16 : i32
    %broadcast_in_dim3A_191 = vector.broadcast %jit3A_190 : i32 to vector<128x16xi32>
    %select_n3A_192 = arith.select %eq3A_189, %iota3A_169, %broadcast_in_dim3A_191 : vector<128x16xi1>, vector<128x16xi32>
    %reduce_min3A_193 = arith.constant dense<2147483647> : vector<128xi32>
    %reduce_min3A_194 = vector.multi_reduction <minsi>, %select_n3A_192, %reduce_min3A_193 [1] : vector<128x16xi32> to vector<128xi32>
    %broadcast_in_dim3A_195 = vector.shape_cast %reduce_min3A_194 : vector<128xi32> to vector<128x1xi32>
    %add3A_196 = arith.addf %broadcast_in_dim3A_172, %broadcast_in_dim3A_187 : vector<128x1xf32>
    %add3A_197 = arith.constant 9.99999971E-10 : f32
    %add3A_198 = vector.broadcast %add3A_197 : f32 to vector<128x1xf32>
    %add3A_199 = arith.addf %add3A_196, %add3A_198 : vector<128x1xf32>
    %div3A_200 = arith.divf %broadcast_in_dim3A_172, %add3A_199 : vector<128x1xf32>
    %div3A_201 = arith.divf %broadcast_in_dim3A_187, %add3A_199 : vector<128x1xf32>
    %iota3A_202 = tpu.iota {dimensions = array<i32: 0>} : vector<128x1xi32>
    %mul3A_203 = arith.constant 128 : i32
    %mul3A_204 = arith.muli %arg0, %mul3A_203 : i32
    %add3A_205 = vector.broadcast %mul3A_204 : i32 to vector<128x1xi32>
    %add3A_206 = arith.addi %add3A_205, %iota3A_202 : vector<128x1xi32>
    %lt3A = arith.constant 2049 : i32
    %lt3A_207 = vector.broadcast %lt3A : i32 to vector<128x1xi32>
    %lt3A_208 = arith.cmpi slt, %add3A_206, %lt3A_207 : vector<128x1xi32>
    %eq3A_209 = vector.broadcast %broadcast_in_dim3A_179 : vector<128x1xi32> to vector<128x16xi32>
    %eq3A_210 = arith.cmpi eq, %iota3A_169, %eq3A_209 : vector<128x16xi32>
    %and3A_211 = vector.broadcast %lt3A_208 : vector<128x1xi1> to vector<128x16xi1>
    %and3A_212 = arith.andi %eq3A_210, %and3A_211 : vector<128x16xi1>
    %convert_element_type3A_213 = arith.extui %and3A_212 : vector<128x16xi1> to vector<128x16xi32>
    %convert_element_type3A_214 = arith.sitofp %convert_element_type3A_213 : vector<128x16xi32> to vector<128x16xf32>
    %convert_element_type3A_215 = arith.truncf %convert_element_type3A_214 : vector<128x16xf32> to vector<128x16xbf16>
    %eq3A_216 = vector.broadcast %broadcast_in_dim3A_195 : vector<128x1xi32> to vector<128x16xi32>
    %eq3A_217 = arith.cmpi eq, %iota3A_169, %eq3A_216 : vector<128x16xi32>
    %and3A_218 = vector.broadcast %lt3A_208 : vector<128x1xi1> to vector<128x16xi1>
    %and3A_219 = arith.andi %eq3A_217, %and3A_218 : vector<128x16xi1>
    %convert_element_type3A_220 = arith.extui %and3A_219 : vector<128x16xi1> to vector<128x16xi32>
    %convert_element_type3A_221 = arith.sitofp %convert_element_type3A_220 : vector<128x16xi32> to vector<128x16xf32>
    %convert_element_type3A_222 = arith.truncf %convert_element_type3A_221 : vector<128x16xf32> to vector<128x16xbf16>
    %add3A_223 = arith.addf %convert_element_type3A_215, %convert_element_type3A_222 : vector<128x16xbf16>
    %iota3A_224 = tpu.iota {dimensions = array<i32: 0>} : vector<128x128xi32>
    %iota3A_225 = tpu.iota {dimensions = array<i32: 1>} : vector<128x128xi32>
    %lt3A_226 = arith.cmpi slt, %iota3A_225, %iota3A_224 : vector<128x128xi32>
    %convert_element_type3A_227 = arith.extui %lt3A_226 : vector<128x128xi1> to vector<128x128xi32>
    %convert_element_type3A_228 = arith.sitofp %convert_element_type3A_227 : vector<128x128xi32> to vector<128x128xf32>
    %convert_element_type3A_229 = arith.truncf %convert_element_type3A_228 : vector<128x128xf32> to vector<128x128xbf16>
    %get3A_230 = arith.constant 0 : index
    %get3A_231 = arith.constant 0 : index
    %get3A_232 = vector.load %arg14[%get3A_230, %get3A_231] : memref<8x128xf32, #tpu.memory_space<vmem>>, vector<1x16xf32>
    %dot_general3A_233 = arith.constant dense<0.000000e+00> : vector<128x16xf32>
    %dot_general3A_234 = tpu.matmul %convert_element_type3A_229, %add3A_223, %dot_general3A_233 {dimension_numbers = #tpu.dot_dimension_numbers<[1], [0], [0], [1], [0, 0, 1, 1], [], []>, transpose_lhs_hint = false} : vector<128x128xbf16>, vector<128x16xbf16>, vector<128x16xf32> -> vector<128x16xf32>
    %add3A_235 = vector.broadcast %get3A_232 : vector<1x16xf32> to vector<128x16xf32>
    %add3A_236 = arith.addf %dot_general3A_234, %add3A_235 : vector<128x16xf32>
    %convert_element_type3A_237 = arith.extf %add3A_223 : vector<128x16xbf16> to vector<128x16xf32>
    %reduce_sum3A_238 = arith.constant dense<0.000000e+00> : vector<16xf32>
    %reduce_sum3A_239 = vector.multi_reduction <add>, %convert_element_type3A_237, %reduce_sum3A_238 [0] : vector<128x16xf32> to vector<16xf32>
    %broadcast_in_dim3A_240 = vector.shape_cast %reduce_sum3A_239 : vector<16xf32> to vector<1x16xf32>
    %add3A_241 = arith.addf %get3A_232, %broadcast_in_dim3A_240 : vector<1x16xf32>
    %swap3A_242 = arith.constant 0 : index
    %swap3A_243 = arith.constant 0 : index
    %swap3A_244 = vector.load %arg14[%swap3A_242, %swap3A_243] : memref<8x128xf32, #tpu.memory_space<vmem>>, vector<1x16xf32>
    tpu.vector_store %arg14[%swap3A_242, %swap3A_243], %add3A_241 {strides = array<i32>} : memref<8x128xf32, #tpu.memory_space<vmem>>, vector<1x16xf32>,
    %convert_element_type3A_245 = arith.extf %convert_element_type3A_215 : vector<128x16xbf16> to vector<128x16xf32>
    %convert_element_type3A_246 = arith.extf %convert_element_type3A_222 : vector<128x16xbf16> to vector<128x16xf32>
    %mul3A_247 = arith.mulf %convert_element_type3A_245, %add3A_236 : vector<128x16xf32>
    %reduce_sum3A_248 = arith.constant dense<0.000000e+00> : vector<128xf32>
    %reduce_sum3A_249 = vector.multi_reduction <add>, %mul3A_247, %reduce_sum3A_248 [1] : vector<128x16xf32> to vector<128xf32>
    %broadcast_in_dim3A_250 = vector.shape_cast %reduce_sum3A_249 : vector<128xf32> to vector<128x1xf32>
    %mul3A_251 = arith.mulf %convert_element_type3A_246, %add3A_236 : vector<128x16xf32>
    %reduce_sum3A_252 = arith.constant dense<0.000000e+00> : vector<128xf32>
    %reduce_sum3A_253 = vector.multi_reduction <add>, %mul3A_251, %reduce_sum3A_252 [1] : vector<128x16xf32> to vector<128xf32>
    %broadcast_in_dim3A_254 = vector.shape_cast %reduce_sum3A_253 : vector<128xf32> to vector<128x1xf32>
    %lt3A_255 = arith.constant 3.200000e+02 : f32
    %lt3A_256 = vector.broadcast %lt3A_255 : f32 to vector<128x1xf32>
    %lt3A_257 = arith.cmpf olt, %broadcast_in_dim3A_250, %lt3A_256 : vector<128x1xf32>
    %and3A_258 = arith.andi %lt3A_208, %lt3A_257 : vector<128x1xi1>
    %lt3A_259 = arith.constant 3.200000e+02 : f32
    %lt3A_260 = vector.broadcast %lt3A_259 : f32 to vector<128x1xf32>
    %lt3A_261 = arith.cmpf olt, %broadcast_in_dim3A_254, %lt3A_260 : vector<128x1xf32>
    %and3A_262 = arith.andi %lt3A_208, %lt3A_261 : vector<128x1xi1>
    %mul3A_263 = arith.constant 320 : i32
    %mul3A_264 = vector.broadcast %mul3A_263 : i32 to vector<128x1xi32>
    %mul3A_265 = arith.muli %broadcast_in_dim3A_179, %mul3A_264 : vector<128x1xi32>
    %convert_element_type3A_266 = arith.fptosi %broadcast_in_dim3A_250 : vector<128x1xf32> to vector<128x1xi32>
    %add3A_267 = arith.addi %mul3A_265, %convert_element_type3A_266 : vector<128x1xi32>
    %jit3A_268 = arith.constant 5120 : i32
    %broadcast_in_dim3A_269 = vector.broadcast %jit3A_268 : i32 to vector<128x1xi32>
    %select_n3A_270 = arith.select %and3A_258, %add3A_267, %broadcast_in_dim3A_269 : vector<128x1xi1>, vector<128x1xi32>
    %swap3A_271 = arith.constant 0 : index
    %swap3A_272 = arith.constant 0 : index
    %swap3A_273 = vector.load %arg10[%swap3A_271, %swap3A_272] : memref<128x1xi32, #tpu.memory_space<vmem>>, vector<128x1xi32>
    tpu.vector_store %arg10[%swap3A_271, %swap3A_272], %select_n3A_270 {strides = array<i32>} : memref<128x1xi32, #tpu.memory_space<vmem>>, vector<128x1xi32>,
    %mul3A_274 = arith.constant 320 : i32
    %mul3A_275 = vector.broadcast %mul3A_274 : i32 to vector<128x1xi32>
    %mul3A_276 = arith.muli %broadcast_in_dim3A_195, %mul3A_275 : vector<128x1xi32>
    %convert_element_type3A_277 = arith.fptosi %broadcast_in_dim3A_254 : vector<128x1xf32> to vector<128x1xi32>
    %add3A_278 = arith.addi %mul3A_276, %convert_element_type3A_277 : vector<128x1xi32>
    %jit3A_279 = arith.constant 5120 : i32
    %broadcast_in_dim3A_280 = vector.broadcast %jit3A_279 : i32 to vector<128x1xi32>
    %select_n3A_281 = arith.select %and3A_262, %add3A_278, %broadcast_in_dim3A_280 : vector<128x1xi1>, vector<128x1xi32>
    %swap3A_282 = arith.constant 0 : index
    %swap3A_283 = arith.constant 0 : index
    %swap3A_284 = vector.load %arg11[%swap3A_282, %swap3A_283] : memref<128x1xi32, #tpu.memory_space<vmem>>, vector<128x1xi32>
    tpu.vector_store %arg11[%swap3A_282, %swap3A_283], %select_n3A_281 {strides = array<i32>} : memref<128x1xi32, #tpu.memory_space<vmem>>, vector<128x1xi32>,
    %jit3A_285 = arith.constant 0.000000e+00 : f32
    %broadcast_in_dim3A_286 = vector.broadcast %jit3A_285 : f32 to vector<128x1xf32>
    %select_n3A_287 = arith.select %and3A_258, %div3A_200, %broadcast_in_dim3A_286 : vector<128x1xi1>, vector<128x1xf32>
    %swap3A_288 = arith.constant 0 : index
    %swap3A_289 = arith.constant 0 : index
    %swap3A_290 = vector.load %arg12[%swap3A_288, %swap3A_289] : memref<128x1xf32, #tpu.memory_space<vmem>>, vector<128x1xf32>
    tpu.vector_store %arg12[%swap3A_288, %swap3A_289], %select_n3A_287 {strides = array<i32>} : memref<128x1xf32, #tpu.memory_space<vmem>>, vector<128x1xf32>,
    %jit3A_291 = arith.constant 0.000000e+00 : f32
    %broadcast_in_dim3A_292 = vector.broadcast %jit3A_291 : f32 to vector<128x1xf32>
    %select_n3A_293 = arith.select %and3A_262, %div3A_201, %broadcast_in_dim3A_292 : vector<128x1xi1>, vector<128x1xf32>
    %swap3A_294 = arith.constant 0 : index
    %swap3A_295 = arith.constant 0 : index
    %swap3A_296 = vector.load %arg13[%swap3A_294, %swap3A_295] : memref<128x1xf32, #tpu.memory_space<vmem>>, vector<128x1xf32>
    tpu.vector_store %arg13[%swap3A_294, %swap3A_295], %select_n3A_293 {strides = array<i32>} : memref<128x1xf32, #tpu.memory_space<vmem>>, vector<128x1xf32>,
    return
  }
  func.func @transform_0(%arg0: i32) -> (i32, i32) {
    %c0_i32 = arith.constant 0 : i32
    %c0_i32_0 = arith.constant 0 : i32
    return %arg0, %c0_i32 : i32, i32
  }
  func.func @transform_1(%arg0: i32) -> (i32, i32) {
    %c0_i32 = arith.constant 0 : i32
    %c0_i32_0 = arith.constant 0 : i32
    return %arg0, %c0_i32 : i32, i32
  }
  func.func @transform_2(%arg0: i32) -> (i32, i32) {
    %c0_i32 = arith.constant 0 : i32
    %c0_i32_0 = arith.constant 0 : i32
    %c0_i32_1 = arith.constant 0 : i32
    return %c0_i32, %c0_i32_0 : i32, i32
  }
  func.func @transform_3(%arg0: i32) -> (i32, i32) {
    %c0_i32 = arith.constant 0 : i32
    %c0_i32_0 = arith.constant 0 : i32
    %c0_i32_1 = arith.constant 0 : i32
    return %c0_i32, %c0_i32_0 : i32, i32
  }
  func.func @transform_4(%arg0: i32) -> (i32, i32) {
    %c0_i32 = arith.constant 0 : i32
    %c0_i32_0 = arith.constant 0 : i32
    %c0_i32_1 = arith.constant 0 : i32
    return %c0_i32, %c0_i32_0 : i32, i32
  }
  func.func @transform_5(%arg0: i32) -> (i32, i32) {
    %c0_i32 = arith.constant 0 : i32
    %c0_i32_0 = arith.constant 0 : i32
    %c0_i32_1 = arith.constant 0 : i32
    return %c0_i32, %c0_i32_0 : i32, i32
  }
  func.func @transform_6(%arg0: i32) -> (i32, i32) {
    %c0_i32 = arith.constant 0 : i32
    %c0_i32_0 = arith.constant 0 : i32
    %c0_i32_1 = arith.constant 0 : i32
    return %c0_i32, %c0_i32_0 : i32, i32
  }
  func.func @transform_7(%arg0: i32) -> (i32, i32) {
    %c0_i32 = arith.constant 0 : i32
    %c0_i32_0 = arith.constant 0 : i32
    return %arg0, %c0_i32 : i32, i32
  }
  func.func @transform_8(%arg0: i32) -> (i32, i32) {
    %c0_i32 = arith.constant 0 : i32
    %c0_i32_0 = arith.constant 0 : i32
    return %arg0, %c0_i32 : i32, i32
  }
  func.func @transform_9(%arg0: i32) -> (i32, i32) {
    %c0_i32 = arith.constant 0 : i32
    %c0_i32_0 = arith.constant 0 : i32
    return %arg0, %c0_i32 : i32, i32
  }
  func.func @transform_10(%arg0: i32) -> (i32, i32) {
    %c0_i32 = arith.constant 0 : i32
    %c0_i32_0 = arith.constant 0 : i32
    return %arg0, %c0_i32 : i32, i32
  }
  func.func @transform_11(%arg0: i32) -> (i32, i32) {
    %c0_i32 = arith.constant 0 : i32
    %c0_i32_0 = arith.constant 0 : i32
    return %arg0, %c0_i32 : i32, i32
  }
  func.func @transform_12(%arg0: i32) -> (i32, i32) {
    %c0_i32 = arith.constant 0 : i32
    %c0_i32_0 = arith.constant 0 : i32
    return %arg0, %c0_i32 : i32, i32
  }
}

module attributes {stable_mosaic.version = 14 : i64} {
  func.func @_head_moe_kernel(%arg0: i32, %arg1: memref<2xi32, #tpu.memory_space<smem>>, %arg2: memref<8x768xf32, #tpu.memory_space<vmem>>, %arg3: memref<8x768xf32, #tpu.memory_space<vmem>>, %arg4: memref<2x1xf32, #tpu.memory_space<vmem>>, %arg5: memref<1x768x1024xbf16, #tpu.memory_space<vmem>>, %arg6: memref<1x1x1024xf32, #tpu.memory_space<vmem>>, %arg7: memref<1x1024x768xbf16, #tpu.memory_space<vmem>>, %arg8: memref<1x1x768xf32, #tpu.memory_space<vmem>>, %arg9: memref<1x768xf32, #tpu.memory_space<vmem>>, %arg10: memref<1x768xf32, #tpu.memory_space<vmem>>, %arg11: memref<768x10xf32, #tpu.memory_space<vmem>>, %arg12: memref<1x10xf32, #tpu.memory_space<vmem>>, %arg13: memref<1x10xf32, #tpu.memory_space<vmem>>, %arg14: memref<8x768xf32, #tpu.memory_space<vmem>>) attributes {dimension_semantics = [#tpu.dimension_semantics<arbitrary>], iteration_bounds = array<i64: 2>, scalar_prefetch = 1 : i64, scratch_operands = 1 : i64, tpu.core_type = #tpu.core_type<tc>, window_params = [{transform_indices = @transform_0, window_bounds = array<i64: 8, 768>}, {transform_indices = @transform_1, window_bounds = array<i64: 8, 768>}, {pipeline_mode = #tpu.pipeline_mode<synchronous>, transform_indices = @transform_2, window_bounds = array<i64: 2, 1>}, {transform_indices = @transform_3, window_bounds = array<i64: 1, 768, 1024>}, {transform_indices = @transform_4, window_bounds = array<i64: 1, 1, 1024>}, {transform_indices = @transform_5, window_bounds = array<i64: 1, 1024, 768>}, {transform_indices = @transform_6, window_bounds = array<i64: 1, 1, 768>}, {pipeline_mode = #tpu.pipeline_mode<synchronous>, transform_indices = @transform_7, window_bounds = array<i64: 1, 768>}, {pipeline_mode = #tpu.pipeline_mode<synchronous>, transform_indices = @transform_8, window_bounds = array<i64: 1, 768>}, {pipeline_mode = #tpu.pipeline_mode<synchronous>, transform_indices = @transform_9, window_bounds = array<i64: 768, 10>}, {pipeline_mode = #tpu.pipeline_mode<synchronous>, transform_indices = @transform_10, window_bounds = array<i64: 1, 10>}, {pipeline_mode = #tpu.pipeline_mode<synchronous>, transform_indices = @transform_11, window_bounds = array<i64: 1, 10>}]} {
    %eq3A = arith.constant 0 : i32
    %eq3A_0 = arith.cmpi eq, %arg0, %eq3A : i32
    %convert_element_type3A = arith.extui %eq3A_0 : i1 to i32
    %cond3A = arith.constant 0 : i32
    %cond3A_1 = arith.cmpi ne, %convert_element_type3A, %cond3A : i32
    scf.if %cond3A_1 {
      %get3A_60 = arith.constant 0 : index
      %get3A_61 = arith.constant 0 : index
      %get3A_62 = vector.load %arg2[%get3A_60, %get3A_61] : memref<8x768xf32, #tpu.memory_space<vmem>>, vector<8x768xf32>
      %swap3A_63 = arith.constant 0 : index
      %swap3A_64 = arith.constant 0 : index
      %swap3A_65 = vector.load %arg14[%swap3A_63, %swap3A_64] : memref<8x768xf32, #tpu.memory_space<vmem>>, vector<8x768xf32>
      tpu.vector_store %arg14[%swap3A_63, %swap3A_64], %get3A_62 {strides = array<i32>} : memref<8x768xf32, #tpu.memory_space<vmem>>, vector<8x768xf32>,
    } else {
    }
    %get3A = arith.constant 0 : index
    %get3A_2 = arith.constant 0 : index
    %get3A_3 = vector.load %arg3[%get3A, %get3A_2] : memref<8x768xf32, #tpu.memory_space<vmem>>, vector<1x768xf32>
    %get3A_4 = arith.constant 0 : index
    %get3A_5 = arith.constant 0 : index
    %get3A_6 = arith.constant 0 : index
    %get3A_7 = vector.load %arg5[%get3A_4, %get3A_5, %get3A_6] : memref<1x768x1024xbf16, #tpu.memory_space<vmem>>, vector<1x768x1024xbf16>
    %get3A_8 = vector.shape_cast %get3A_7 : vector<1x768x1024xbf16> to vector<768x1024xbf16>
    %convert_element_type3A_9 = arith.truncf %get3A_3 : vector<1x768xf32> to vector<1x768xbf16>
    %dot_general3A = arith.constant dense<0.000000e+00> : vector<1x1024xf32>
    %dot_general3A_10 = tpu.matmul %convert_element_type3A_9, %get3A_8, %dot_general3A {dimension_numbers = #tpu.dot_dimension_numbers<[1], [0], [0], [1], [0, 0, 1, 1], [], []>, transpose_lhs_hint = false} : vector<1x768xbf16>, vector<768x1024xbf16>, vector<1x1024xf32> -> vector<1x1024xf32>
    %get3A_11 = arith.constant 0 : index
    %get3A_12 = arith.constant 0 : index
    %get3A_13 = arith.constant 0 : index
    %get3A_14 = vector.load %arg6[%get3A_11, %get3A_12, %get3A_13] : memref<1x1x1024xf32, #tpu.memory_space<vmem>>, vector<1x1x1024xf32>
    %get3A_15 = vector.shape_cast %get3A_14 : vector<1x1x1024xf32> to vector<1x1024xf32>
    %add3A = arith.addf %dot_general3A_10, %get3A_15 : vector<1x1024xf32>
    %integer_pow3A = arith.mulf %add3A, %add3A : vector<1x1024xf32>
    %integer_pow3A_16 = arith.mulf %add3A, %integer_pow3A : vector<1x1024xf32>
    %mul3A = arith.constant 4.471500e-02 : f32
    %mul3A_17 = vector.broadcast %mul3A : f32 to vector<1x1024xf32>
    %mul3A_18 = arith.mulf %mul3A_17, %integer_pow3A_16 : vector<1x1024xf32>
    %add3A_19 = arith.addf %add3A, %mul3A_18 : vector<1x1024xf32>
    %mul3A_20 = arith.constant 0.797884583 : f32
    %mul3A_21 = vector.broadcast %mul3A_20 : f32 to vector<1x1024xf32>
    %mul3A_22 = arith.mulf %mul3A_21, %add3A_19 : vector<1x1024xf32>
    %tanh3A = math.tanh %mul3A_22 : vector<1x1024xf32>
    %add3A_23 = arith.constant 1.000000e+00 : f32
    %add3A_24 = vector.broadcast %add3A_23 : f32 to vector<1x1024xf32>
    %add3A_25 = arith.addf %add3A_24, %tanh3A : vector<1x1024xf32>
    %mul3A_26 = arith.constant 5.000000e-01 : f32
    %mul3A_27 = vector.broadcast %mul3A_26 : f32 to vector<1x1024xf32>
    %mul3A_28 = arith.mulf %mul3A_27, %add3A_25 : vector<1x1024xf32>
    %mul3A_29 = arith.mulf %add3A, %mul3A_28 : vector<1x1024xf32>
    %get3A_30 = arith.constant 0 : index
    %get3A_31 = arith.constant 0 : index
    %get3A_32 = arith.constant 0 : index
    %get3A_33 = vector.load %arg7[%get3A_30, %get3A_31, %get3A_32] : memref<1x1024x768xbf16, #tpu.memory_space<vmem>>, vector<1x1024x768xbf16>
    %get3A_34 = vector.shape_cast %get3A_33 : vector<1x1024x768xbf16> to vector<1024x768xbf16>
    %convert_element_type3A_35 = arith.truncf %mul3A_29 : vector<1x1024xf32> to vector<1x1024xbf16>
    %dot_general3A_36 = arith.constant dense<0.000000e+00> : vector<1x768xf32>
    %dot_general3A_37 = tpu.matmul %convert_element_type3A_35, %get3A_34, %dot_general3A_36 {dimension_numbers = #tpu.dot_dimension_numbers<[1], [0], [0], [1], [0, 0, 1, 1], [], []>, transpose_lhs_hint = false} : vector<1x1024xbf16>, vector<1024x768xbf16>, vector<1x768xf32> -> vector<1x768xf32>
    %get3A_38 = arith.constant 0 : index
    %get3A_39 = arith.constant 0 : index
    %get3A_40 = arith.constant 0 : index
    %get3A_41 = vector.load %arg8[%get3A_38, %get3A_39, %get3A_40] : memref<1x1x768xf32, #tpu.memory_space<vmem>>, vector<1x1x768xf32>
    %get3A_42 = vector.shape_cast %get3A_41 : vector<1x1x768xf32> to vector<1x768xf32>
    %add3A_43 = arith.addf %dot_general3A_37, %get3A_42 : vector<1x768xf32>
    %get3A_44 = arith.index_cast %arg0 : i32 to index
    %get3A_45 = arith.constant 0 : index
    %get3A_46 = vector.load %arg4[%get3A_44, %get3A_45] : memref<2x1xf32, #tpu.memory_space<vmem>>, vector<1x1xf32>
    %get3A_47 = arith.constant 0 : index
    %get3A_48 = arith.constant 0 : index
    %get3A_49 = vector.load %arg14[%get3A_47, %get3A_48] : memref<8x768xf32, #tpu.memory_space<vmem>>, vector<1x768xf32>
    %mul3A_50 = vector.broadcast %get3A_46 : vector<1x1xf32> to vector<1x768xf32>
    %mul3A_51 = arith.mulf %mul3A_50, %add3A_43 : vector<1x768xf32>
    %add3A_52 = arith.addf %get3A_49, %mul3A_51 : vector<1x768xf32>
    %swap3A = arith.constant 0 : index
    %swap3A_53 = arith.constant 0 : index
    %swap3A_54 = vector.load %arg14[%swap3A, %swap3A_53] : memref<8x768xf32, #tpu.memory_space<vmem>>, vector<1x768xf32>
    tpu.vector_store %arg14[%swap3A, %swap3A_53], %add3A_52 {strides = array<i32>} : memref<8x768xf32, #tpu.memory_space<vmem>>, vector<1x768xf32>,
    %eq3A_55 = arith.constant 1 : i32
    %eq3A_56 = arith.cmpi eq, %arg0, %eq3A_55 : i32
    %convert_element_type3A_57 = arith.extui %eq3A_56 : i1 to i32
    %cond3A_58 = arith.constant 0 : i32
    %cond3A_59 = arith.cmpi ne, %convert_element_type3A_57, %cond3A_58 : i32
    scf.if %cond3A_59 {
      %get3A_60 = arith.constant 0 : index
      %get3A_61 = arith.constant 0 : index
      %get3A_62 = vector.load %arg14[%get3A_60, %get3A_61] : memref<8x768xf32, #tpu.memory_space<vmem>>, vector<1x768xf32>
      %get3A_63 = arith.constant 0 : index
      %get3A_64 = arith.constant 0 : index
      %get3A_65 = vector.load %arg9[%get3A_63, %get3A_64] : memref<1x768xf32, #tpu.memory_space<vmem>>, vector<1x768xf32>
      %get3A_66 = arith.constant 0 : index
      %get3A_67 = arith.constant 0 : index
      %get3A_68 = vector.load %arg10[%get3A_66, %get3A_67] : memref<1x768xf32, #tpu.memory_space<vmem>>, vector<1x768xf32>
      %reduce_sum3A = arith.constant dense<0.000000e+00> : vector<1xf32>
      %reduce_sum3A_69 = vector.multi_reduction <add>, %get3A_62, %reduce_sum3A [1] : vector<1x768xf32> to vector<1xf32>
      %broadcast_in_dim3A = vector.shape_cast %reduce_sum3A_69 : vector<1xf32> to vector<1x1xf32>
      %div3A = arith.constant 7.680000e+02 : f32
      %div3A_70 = vector.broadcast %div3A : f32 to vector<1x1xf32>
      %div3A_71 = arith.divf %broadcast_in_dim3A, %div3A_70 : vector<1x1xf32>
      %sub3A = vector.broadcast %div3A_71 : vector<1x1xf32> to vector<1x768xf32>
      %sub3A_72 = arith.subf %get3A_62, %sub3A : vector<1x768xf32>
      %mul3A_73 = arith.mulf %sub3A_72, %sub3A_72 : vector<1x768xf32>
      %reduce_sum3A_74 = arith.constant dense<0.000000e+00> : vector<1xf32>
      %reduce_sum3A_75 = vector.multi_reduction <add>, %mul3A_73, %reduce_sum3A_74 [1] : vector<1x768xf32> to vector<1xf32>
      %broadcast_in_dim3A_76 = vector.shape_cast %reduce_sum3A_75 : vector<1xf32> to vector<1x1xf32>
      %div3A_77 = arith.constant 7.680000e+02 : f32
      %div3A_78 = vector.broadcast %div3A_77 : f32 to vector<1x1xf32>
      %div3A_79 = arith.divf %broadcast_in_dim3A_76, %div3A_78 : vector<1x1xf32>
      %add3A_80 = arith.constant 9.99999974E-6 : f32
      %add3A_81 = vector.broadcast %add3A_80 : f32 to vector<1x1xf32>
      %add3A_82 = arith.addf %div3A_79, %add3A_81 : vector<1x1xf32>
      %rsqrt3A = math.rsqrt %add3A_82 : vector<1x1xf32>
      %mul3A_83 = vector.broadcast %rsqrt3A : vector<1x1xf32> to vector<1x768xf32>
      %mul3A_84 = arith.mulf %sub3A_72, %mul3A_83 : vector<1x768xf32>
      %mul3A_85 = arith.mulf %mul3A_84, %get3A_65 : vector<1x768xf32>
      %add3A_86 = arith.addf %mul3A_85, %get3A_68 : vector<1x768xf32>
      %get3A_87 = arith.constant 0 : index
      %get3A_88 = arith.constant 0 : index
      %get3A_89 = vector.load %arg11[%get3A_87, %get3A_88] : memref<768x10xf32, #tpu.memory_space<vmem>>, vector<768x10xf32>
      %dot_general3A_90 = arith.constant dense<0.000000e+00> : vector<1x10xf32>
      %dot_general3A_91 = tpu.matmul %add3A_86, %get3A_89, %dot_general3A_90 {dimension_numbers = #tpu.dot_dimension_numbers<[1], [0], [0], [1], [0, 0, 1, 1], [], []>, transpose_lhs_hint = false} : vector<1x768xf32>, vector<768x10xf32>, vector<1x10xf32> -> vector<1x10xf32>
      %get3A_92 = arith.constant 0 : index
      %get3A_93 = arith.constant 0 : index
      %get3A_94 = vector.load %arg12[%get3A_92, %get3A_93] : memref<1x10xf32, #tpu.memory_space<vmem>>, vector<1x10xf32>
      %add3A_95 = arith.addf %dot_general3A_91, %get3A_94 : vector<1x10xf32>
      %swap3A_96 = arith.constant 0 : index
      %swap3A_97 = arith.constant 0 : index
      %swap3A_98 = vector.load %arg13[%swap3A_96, %swap3A_97] : memref<1x10xf32, #tpu.memory_space<vmem>>, vector<1x10xf32>
      tpu.vector_store %arg13[%swap3A_96, %swap3A_97], %add3A_95 {strides = array<i32>} : memref<1x10xf32, #tpu.memory_space<vmem>>, vector<1x10xf32>,
    } else {
    }
    return
  }
  func.func @transform_0(%arg0: i32, %arg1: memref<2xi32, #tpu.memory_space<smem>>) -> (i32, i32) {
    %c0_i32 = arith.constant 0 : i32
    %c0_i32_0 = arith.constant 0 : i32
    %c0_i32_1 = arith.constant 0 : i32
    return %c0_i32, %c0_i32_0 : i32, i32
  }
  func.func @transform_1(%arg0: i32, %arg1: memref<2xi32, #tpu.memory_space<smem>>) -> (i32, i32) {
    %c0_i32 = arith.constant 0 : i32
    %c0_i32_0 = arith.constant 0 : i32
    %c0_i32_1 = arith.constant 0 : i32
    return %c0_i32, %c0_i32_0 : i32, i32
  }
  func.func @transform_2(%arg0: i32, %arg1: memref<2xi32, #tpu.memory_space<smem>>) -> (i32, i32) {
    %c0_i32 = arith.constant 0 : i32
    %c0_i32_0 = arith.constant 0 : i32
    %c0_i32_1 = arith.constant 0 : i32
    return %c0_i32, %c0_i32_0 : i32, i32
  }
  func.func @transform_3(%arg0: i32, %arg1: memref<2xi32, #tpu.memory_space<smem>>) -> (i32, i32, i32) {
    %get3A = arith.index_cast %arg0 : i32 to index
    %get3A_0 = memref.load %arg1[%get3A] : memref<2xi32, #tpu.memory_space<smem>>
    %c0_i32 = arith.constant 0 : i32
    %c0_i32_1 = arith.constant 0 : i32
    %c0_i32_2 = arith.constant 0 : i32
    return %get3A_0, %c0_i32, %c0_i32_1 : i32, i32, i32
  }
  func.func @transform_4(%arg0: i32, %arg1: memref<2xi32, #tpu.memory_space<smem>>) -> (i32, i32, i32) {
    %get3A = arith.index_cast %arg0 : i32 to index
    %get3A_0 = memref.load %arg1[%get3A] : memref<2xi32, #tpu.memory_space<smem>>
    %c0_i32 = arith.constant 0 : i32
    %c0_i32_1 = arith.constant 0 : i32
    %c0_i32_2 = arith.constant 0 : i32
    return %get3A_0, %c0_i32, %c0_i32_1 : i32, i32, i32
  }
  func.func @transform_5(%arg0: i32, %arg1: memref<2xi32, #tpu.memory_space<smem>>) -> (i32, i32, i32) {
    %get3A = arith.index_cast %arg0 : i32 to index
    %get3A_0 = memref.load %arg1[%get3A] : memref<2xi32, #tpu.memory_space<smem>>
    %c0_i32 = arith.constant 0 : i32
    %c0_i32_1 = arith.constant 0 : i32
    %c0_i32_2 = arith.constant 0 : i32
    return %get3A_0, %c0_i32, %c0_i32_1 : i32, i32, i32
  }
  func.func @transform_6(%arg0: i32, %arg1: memref<2xi32, #tpu.memory_space<smem>>) -> (i32, i32, i32) {
    %get3A = arith.index_cast %arg0 : i32 to index
    %get3A_0 = memref.load %arg1[%get3A] : memref<2xi32, #tpu.memory_space<smem>>
    %c0_i32 = arith.constant 0 : i32
    %c0_i32_1 = arith.constant 0 : i32
    %c0_i32_2 = arith.constant 0 : i32
    return %get3A_0, %c0_i32, %c0_i32_1 : i32, i32, i32
  }
  func.func @transform_7(%arg0: i32, %arg1: memref<2xi32, #tpu.memory_space<smem>>) -> (i32, i32) {
    %c0_i32 = arith.constant 0 : i32
    %c0_i32_0 = arith.constant 0 : i32
    %c0_i32_1 = arith.constant 0 : i32
    return %c0_i32, %c0_i32_0 : i32, i32
  }
  func.func @transform_8(%arg0: i32, %arg1: memref<2xi32, #tpu.memory_space<smem>>) -> (i32, i32) {
    %c0_i32 = arith.constant 0 : i32
    %c0_i32_0 = arith.constant 0 : i32
    %c0_i32_1 = arith.constant 0 : i32
    return %c0_i32, %c0_i32_0 : i32, i32
  }
  func.func @transform_9(%arg0: i32, %arg1: memref<2xi32, #tpu.memory_space<smem>>) -> (i32, i32) {
    %c0_i32 = arith.constant 0 : i32
    %c0_i32_0 = arith.constant 0 : i32
    %c0_i32_1 = arith.constant 0 : i32
    return %c0_i32, %c0_i32_0 : i32, i32
  }
  func.func @transform_10(%arg0: i32, %arg1: memref<2xi32, #tpu.memory_space<smem>>) -> (i32, i32) {
    %c0_i32 = arith.constant 0 : i32
    %c0_i32_0 = arith.constant 0 : i32
    %c0_i32_1 = arith.constant 0 : i32
    return %c0_i32, %c0_i32_0 : i32, i32
  }
  func.func @transform_11(%arg0: i32, %arg1: memref<2xi32, #tpu.memory_space<smem>>) -> (i32, i32) {
    %c0_i32 = arith.constant 0 : i32
    %c0_i32_0 = arith.constant 0 : i32
    %c0_i32_1 = arith.constant 0 : i32
    return %c0_i32, %c0_i32_0 : i32, i32
  }
}

</mosaic_0001>

<sc_bundles>
// kernel: kernel.12.cloned.1.call-start
scs
__scs_entry_jumppad:
0x0: {  	(pc) =	sbr.rel $0x88, $3  }
0x1: {  	(tag) =	ssettag $0x0;
	lr =	simm.s32 $0x1  }
0x2: {  	[smem:$0x3F8A] =	sst lr;
	_ =	strace $0xD0000000  }
0x3: {  	_ = 	snop  }
0x4: {  	_ = 	snop  }
0x5: {  	_ = 	snop  }
0x6: {  	_ = 	snop  }
0x7: {  	_ = 	snop  }
__scs_overlays_trampoline_lowered:
0x8: {  	[smem:$0x3F99] =	sst s0  }
0x9: {  	[smem:$0x3F9A] =	sst s1  }
0xa: {  	[smem:$0x3F9B] =	sst s2  }
0xb: {  	[smem:$0x3F9C] =	sst s3  }
0xc: {  	[smem:$0x3F9D] =	sst s4  }
0xd: {  	[smem:$0x3F9E] =	sst s5  }
0xe: {  	[smem:$0x3F9F] =	sst s6  }
0xf: {  	[smem:$0x3FA0] =	sst s7  }
0x10: {  	[smem:$0x3FA1] =	sst s8  }
0x11: {  	[smem:$0x3FA2] =	sst s9;
	s0 =	simm.s32 @!p0 $0x0  }
0x12: {  	s1 =	sld [smem:$0x3F88];
	s0 =	simm.s32 @p0 $0x1  }
0x13: {  	[smem:$0x3FA3] =	sst s0;
	s0 =	simm.s32 @!p1 $0x0  }
0x14: {  	s2 =	sld [smem:$0x3F87];
	s0 =	simm.s32 @p1 $0x1  }
0x15: {  	[smem:$0x3FA4] =	sst s0;
	s0 =	simm.s32 @!p2 $0x0  }
0x16: {  	s3 =	sld [smem:$0x3FDB];
	s0 =	simm.s32 @p2 $0x1  }
0x17: {  	s4 =	simm.s32 $0x1BF5;
	[smem:$0x3FA6] =	sst s0  }
0x18: {  	s0 =	sld [smem:$0x3F89];
	_ =	swait.ge [sflag:s4], $0x0  }
0x19: {  	s7 =	sld [smem:$0x3F8A]  }
0x1a: {  	s8 =	sadd.s32 $0xFFFFE003, lr  }
0x1b: {  	s9 =	sadd.s32 $0xFFFFFEF7, lr;
	s5 =	simm.s32 $0xFFFFFFFF;
	p2 =	slt.u32 s8, $0xFFFFF086  }
0x1c: {  	p1 =	slt.u32 s9, $0xF7A;
	s5 =	simm.s32 @!p2 $0x0  }
0x1d: {  	s5 =	simm.s32 @p1 $0x1;
	p0 =	seq.s32 s7, s2  }
0x1e: {  	s7 =	smul.u32 @!p0 $0xF7A, s2;
	p2 =	seq.s32 @!p0 s5, $0x0  }
0x1f: {  	s9 =	smul.u32 $0xF7A, s1;
	s8 =	simm.s32 @!p0 $0x1BF5;
	p2 =	por !p2, p0  }
0x20: {  	[sflag:s8] =	ssyncset.s32 @!p0 $0xFFFFF086;
	s6 =	sadd.s32 @!p0 s3, s7;
	s7 =	simm.s32 @!p0 $0x108  }
0x21: {  	s3 =	sadd.s32 s3, s9;
	s6 =	sadd.s32 @!p0 $0x88, s6;
	s7 =	simm.s32 @p2 $0x1082  }
0x22: {  	[simem:s7], [sflag:s8] =	dma.local @!p0 [hbm:s6], $0xF7A  }
0x23: {  	s9 =	sor.u32 $0xD0000000, s2;
	s6 =	simm.s32 $0x108;
	_ =	swait.ge @!p0 [sflag:s8], $0x0  }
0x24: {  	s3 =	sadd.s32 $0x88, s3;
	s6 =	simm.s32 @!p1 $0x1082;
	[sflag:s4] =	ssyncset.s32 $0xFFFFF086  }
0x25: {  	[simem:s6], [sflag:s4] =	dma.local [hbm:s3], $0xF7A  }
0x26: {  	[smem:$0x3F8A] =	sst s1;
	(tag) =	ssettag s2;
	_ =	strace s9  }
0x27: {  	s1 =	sld [smem:$0x3F9A]  }
0x28: {  	s2 =	sld [smem:$0x3F9B]  }
0x29: {  	s4 =	sld [smem:$0x3F9D]  }
0x2a: {  	p0 =	seq.s32 s5, $0x0;
	s5 =	sld [smem:$0x3F9E]  }
0x2b: {  	s6 =	sld [smem:$0x3F9F]  }
0x2c: {  	s7 =	sld [smem:$0x3FA0]  }
0x2d: {  	s3 =	simm.s32 $0x108;
	s8 =	sld [smem:$0x3FA1]  }
0x2e: {  	s3 =	simm.s32 @!p0 $0x1082;
	s9 =	sld [smem:$0x3FA2]  }
0x2f: {  	lr =	sadd.s32 s0, s3;
	s0 =	sld [smem:$0x3F99]  }
0x30: {  	s3 =	sld [smem:$0x3F9C]  }
0x31: {  	[smem:$0x3FA5] =	sst s10  }
0x32: {  	s10 =	sld [smem:$0x3FA3];
	_ =	sdelay $0x3  }
0x33: {  	p0 =	seq.s32 s10, $0x1;
	s10 =	sld [smem:$0x3FA5];
	_ =	sdelay $0x3  }
0x34: {  	[smem:$0x3FA5] =	sst s10  }
0x35: {  	s10 =	sld [smem:$0x3FA4];
	_ =	sdelay $0x3  }
0x36: {  	p1 =	seq.s32 s10, $0x1;
	s10 =	sld [smem:$0x3FA5];
	_ =	sdelay $0x3  }
0x37: {  	[smem:$0x3FA5] =	sst s10  }
0x38: {  	s10 =	sld [smem:$0x3FA6]  }
0x39: {  	_ = 	snop;
	(pc) =	sbr.ind lr, $3  }
0x3a: {  	_ = 	snop  }
0x3b: {  	_ = 	snop  }
0x3c: {  	p2 =	seq.s32 s10, $0x1;
	s10 =	sld [smem:$0x3FA5]  }
0x3d: {  	_ =	shalt  }
0x3e: {  	_ =	shalt  }
0x3f: {  	_ =	shalt  }
0x40: {  	_ =	shalt  }
0x41: {  	_ =	shalt  }
0x42: {  	_ =	shalt  }
0x43: {  	_ =	shalt  }
0x44: {  	_ =	shalt  }
0x45: {  	_ =	shalt  }
0x46: {  	_ =	shalt  }
0x47: {  	_ =	shalt  }
0x48: {  	_ =	shalt  }
0x49: {  	_ =	shalt  }
0x4a: {  	_ =	shalt  }
0x4b: {  	_ =	shalt  }
0x4c: {  	_ =	shalt  }
0x4d: {  	_ =	shalt  }
0x4e: {  	_ =	shalt  }
0x4f: {  	_ =	shalt  }
0x50: {  	_ =	shalt  }
0x51: {  	_ =	shalt  }
0x52: {  	_ =	shalt  }
0x53: {  	_ =	shalt  }
0x54: {  	_ =	shalt  }
0x55: {  	_ =	shalt  }
0x56: {  	_ =	shalt  }
0x57: {  	_ =	shalt  }
0x58: {  	_ =	shalt  }
0x59: {  	_ =	shalt  }
0x5a: {  	_ =	shalt  }
0x5b: {  	_ =	shalt  }
0x5c: {  	_ =	shalt  }
0x5d: {  	_ =	shalt  }
0x5e: {  	_ =	shalt  }
0x5f: {  	_ =	shalt  }
0x60: {  	_ =	shalt  }
0x61: {  	_ =	shalt  }
0x62: {  	_ =	shalt  }
0x63: {  	_ =	shalt  }
0x64: {  	_ =	shalt  }
0x65: {  	_ =	shalt  }
0x66: {  	_ =	shalt  }
0x67: {  	_ =	shalt  }
0x68: {  	_ =	shalt  }
0x69: {  	_ =	shalt  }
0x6a: {  	_ =	shalt  }
0x6b: {  	_ =	shalt  }
0x6c: {  	_ =	shalt  }
0x6d: {  	_ =	shalt  }
0x6e: {  	_ =	shalt  }
0x6f: {  	_ =	shalt  }
0x70: {  	_ =	shalt  }
0x71: {  	_ =	shalt  }
0x72: {  	_ =	shalt  }
0x73: {  	_ =	shalt  }
0x74: {  	_ =	shalt  }
0x75: {  	_ =	shalt  }
0x76: {  	_ =	shalt  }
0x77: {  	_ =	shalt  }
0x78: {  	_ =	shalt  }
0x79: {  	_ =	shalt  }
0x7a: {  	_ =	shalt  }
0x7b: {  	_ =	shalt  }
0x7c: {  	_ =	shalt  }
0x7d: {  	_ =	shalt  }
0x7e: {  	_ =	shalt  }
0x7f: {  	_ =	shalt  }
0x80: {  	_ =	shalt  }
0x81: {  	_ =	shalt  }
0x82: {  	_ =	shalt  }
0x83: {  	_ =	shalt  }
0x84: {  	_ =	shalt  }
0x85: {  	_ =	shalt  }
0x86: {  	_ =	shalt  }
0x87: {  	_ =	shalt  }
.Lfunc_end0:
.L_simem_size_0:
called_computation_lowered:
.L_overlay_start_0:
0x88: {  	s2 =	sld [smem:$0x3FD9]  }
0x89: {  	s3 =	sld [smem:$0x3FFE];
	_ =	sdelay $0x1  }
0x8a: {  	s1 =	srdreg.scid  }
0x8b: {  	s0 =	sand.u32 $0x1, s1  }
0x8c: {  	s16 =	sshll.u32 s0, $0xA;
	s2 =	sadd.s32 s3, s2  }
0x8d: {  	s2 =	sadd.s32 s2, s16  }
0x8e: {  	[smem:$0x3FB1] =	sst s2  }
0x8f: {  	_ = 	snop  }
0x90: {  	(tm) =	ssettm $0x1  }
0x91: {  	s17 =	sld [smem:$0x3FFB];
	_ =	sdelay $0x3  }
0x92: {  	_ =	strace s17  }
0x93: {  	s2 =	sld [smem:$0x3FFC];
	_ =	sdelay $0x3  }
0x94: {  	_ =	strace s2  }
0x95: {  	s2 =	sld [smem:$0x3FFD];
	_ =	sdelay $0x3  }
0x96: {  	_ =	strace s2  }
0x97: {  	_ =	strace $0x8FFFFFFF  }
0x98: {  	s18 =	sld [smem:$0x3FDB];
	_ =	sdelay $0x1  }
0x99: {  	s19 =	simm.s32 $_scs_section_size  }
0x9a: {  	s4 =	simm.s32 $_size__tile_overlayer_lowered;
	s5 =	simm.s32 $_tile_overlayer_lowered  }
0x9b: {  	s22 =	simm.s32 $0x1BFF;
	s21 =	sshll.u32 s5, $0x1;
	s2 =	sadd.s32 s19, s18  }
0x9c: {  	s6 =	simm.s32 $0x0;
	s20 =	sshll.u32 s4, $0x1;
	s4 =	sadd.s32 s21, s2  }
0x9d: {  	[timem:s6], [sflag:s22] =	dma.local [hbm:s4], s20  }
0x9e: {  	_ =	swait.ge [sflag:s22], s20  }
0x9f: {  	s3 =	ssub.s32 $0x0, s20;
	[sflag:s22] =	ssyncset.done $0x0  }
0xa0: {  	[sflag:s22] =	ssyncadd.s32 s3;
	_ =	sdelay $0x1  }
0xa1: {  	s23 =	simm.s32 $0x1B8B  }
0xa2: {  	_ =	swait.ge [sflag:s23], $0x1  }
0xa3: {  	[sflag:s23] =	ssyncset.done $0x0  }
0xa4: {  	s25 =	simm.s32 $0x1B8E;
	s24 =	sld [smem:$0x3FFE];
	[sflag:s23] =	ssyncadd.s32 $0xFFFFFFFF  }
0xa5: {  	s26 =	simm.s32 $execute0_lowered;
	[smem:$0x3FD2] =	sst s25  }
0xa6: {  	s4 =	sshll.u32 s26, $0x1;
	_ =	strace $0x80000046;
	[dreg:$0x1] =	wrdreg $0xFFFFFFFF  }
0xa7: {  	s28 =	simm.s32 $_size_execute0_lowered;
	s2 =	sadd.s32 s2, s4;
	[dreg:$0x0] =	wrdreg $0x0  }
0xa8: {  	s4 =	sshll.u32 s28, $0x1;
	[dreg:$0x2] =	wrdreg s2  }
0xa9: {  	[dreg:$0x3] =	wrdreg s4  }
0xaa: {  	[dreg:$0x4] =	wrdreg $0xC0  }
0xab: {  	_ =	task [dreg:s6], $0x5FFFF  }
0xac: {  	[dreg:$0x1] =	wrdreg $0xFFFFFFFF  }
0xad: {  	[dreg:$0x0] =	wrdreg $0x60  }
0xae: {  	[dreg:$0x2] =	wrdreg s24  }
0xaf: {  	[dreg:$0x3] =	wrdreg $0x9  }
0xb0: {  	_ =	task.clear_ibuf [dreg:s6], $0x4FFFF;
	_ =	strace $0x90000046  }
0xb1: {  	s29 =	simm.s32 $0x9;
	_ =	strace $0x80000048  }
0xb2: {  	_ =	swait.ge [sflag:s29], $0x1  }
0xb3: {  	[sflag:s29] =	ssyncadd.s32 $0xFFFFFFFF  }
0xb4: {  	_ =	strace $0x90000048  }
0xb5: {  	_ =	sfence  }
0xb6: {  	s30 =	sld [smem:$0x0];
	_ =	sdelay $0x2  }
0xb7: {  	s31 =	sshll.u32 s1, $0xD;
	s1 =	sshrl.u32 s1, $0x2  }
0xb8: {  	s3 =	sand.u32 $0x4000, s31;
	s1 =	sadd.s32 s1, s30  }
0xb9: {  	s0 =	sor.u32 s3, s0;
	s1 =	sshll.u32 s1, $0x11  }
0xba: {  	s0 =	sor.u32 s1, s0  }
0xbb: {  	s0 =	sadd.s32 $0x8F2B, s0  }
0xbc: {  	[sflag:s0] =	ssyncadd.remote.s32 $0x1  }
0xbd: {  	_ =	sfence.sel $0xFFFF  }
0xbe: {  	[dreg:$0x0] =	wrdreg $0xFFFFFFFF;
	(pc) =	sbr.abs _section_cstart, $3  }
0xbf: {  	[dreg:$0x1] =	wrdreg $0xFFFFFFFF  }
0xc0: {  	_ =	task.clear_ibuf [dreg:s6], $0x2FFFF;
	_ =	strace $0x9FFFFFFF  }
0xc1: {  	(tm) =	ssettm $0x7FFFFFFF  }
tec
execute0_lowered:
.L_overlay_start_1:
0x0: {  	(tag) =	ssettag $0x1  }
0x1: {  	s0 =	srdreg.scid;
	s1 =	stileid.u32  }
0x2: {  	s5 =	rddreg [dreg:$0x0];
	s2 =	simm.s32 $0x0;
	s26 =	simm.s32 $0x80  }
0x3: {  	s9 =	simm.s32 $0x100;
	s17 =	simm.s32 $0x1900;
	s18 =	simm.s32 $0x2100  }
0x4: {  	s19 =	simm.s32 $0x2900;
	s20 =	simm.s32 $0x3100;
	s21 =	simm.s32 $0x3900  }
0x5: {  	s22 =	simm.s32 $0x4100;
	s23 =	simm.s32 $0x4900;
	s24 =	simm.s32 $0x5100  }
0x6: {  	s28 =	simm.s32 $0x6900;
	s29 =	simm.s32 $0x7100;
	s30 =	simm.s32 $0x7900  }
0x7: {  	s31 =	simm.s32 $0x8100;
	s10 =	simm.s32 $0x9900;
	s11 =	simm.s32 $0xA100  }
0x8: {  	s12 =	simm.s32 $0xA900;
	s7 =	simm.s32 $0xB100;
	s13 =	simm.s32 $0xB900  }
0x9: {  	s14 =	simm.s32 $0xC100;
	s0 =	sand.u32 $0x1, s0;
	s1 =	sshll.u32 s1, $0x1  }
0xa: {  	s8 =	simm.s32 $0xC900;
	[smem:$0x7FF] =	sst s2;
	s1 =	sor.u32 s0, s1  }
0xb: {  	_ =	strace $0x80000047;
	s0 =	ssub.s32 $0x2, s0;
	s3 =	smul.u32 $0x1B00, s1  }
0xc: {  	[dreg:$0x5] =	wrdreg s26;
	s1 =	smul.u32 $0x9, s1;
	s4 =	sshrl.u32 s0, $0x1  }
0xd: {  	s26 =	simm.s32 $0x6100;
	s0 =	ssub.s32 s0, s4;
	s3 =	sadd.s32 s3, s5  }
0xe: {  	s4 =	sadd.s32 $0xAC700, s5;
	s1 =	sadd.s32 s1, s5;
	s3 =	sadd.s32 $0x2E200, s3  }
0xf: {  	v2 =	vlaneseq.u32;
	s6 =	smax.u32 s0, $0x1;
	s25 =	sadd.s32 $0xAC200, s1;
	[dreg:$0x2] =	wrdreg s3  }
0x10: {  	vm0 =	vmmov $0xffff;
	v1 =	vshrl.u32 v2, $0x3;
	s1 =	sadd.s32 $0xAC400, s1;
	[dreg:$0x3] =	wrdreg s25;
	s3 =	sadd.s32 $0xAC600, s5  }
0x11: {  	v0 =	vand.u32 $0x7, v2;
	v2 =	vor.u32 $0x8, v2;
	v1 =	vmul.u32 $0x8, v1;
	[dreg:$0x4] =	wrdreg s1;
	s5 =	sadd.s32 $0xAC800, s5;
	s25 =	simm.s32 $0x5900  }
.LBB2_1:
0x12: {  	s15 =	rddreg [dreg:$0x2]  }
0x13: {  	[tilespmem:s9], [sflag:$0x1] =	stream.linear.gather [hbm4b:s15+s2], $0xD800, $0x38;
	[tilespmem:$0xD900] =	vst v63  }
0x14: {  	s16 =	rddreg [dreg:$0x3];
	s0 =	simm.s32 $0x4  }
0x15: {  	[tilespmem:s2], [sflag:$0x4] =	stream.linear.gather [hbm4b:s16+s2], $0x48, $0x38;
	[tilespmem:$0xD900] =	vst v63  }
0x16: {  	_ =	swait.ge [sflag:s0], $0x48  }
0x17: {  	s16 =	rddreg [dreg:$0x4];
	[sflag:s0] =	ssyncset.done $0x0  }
0x18: {  	s1 =	rddreg [dreg:$0x5];
	[sflag:s0] =	ssyncadd.s32 $0xFFFFFFB8  }
0x19: {  	[tilespmem:s1], [sflag:$0x4] =	stream.linear.gather [hbm4b:s16+s2], $0x48, $0x38;
	[tilespmem:$0xD900] =	vst v63  }
0x1a: {  	_ =	swait.ge [sflag:s0], $0x48  }
0x1b: {  	[sflag:s0] =	ssyncset.done $0x0  }
0x1c: {  	s15 =	simm.s32 $0x1;
	[sflag:s0] =	ssyncadd.s32 $0xFFFFFFB8  }
0x1d: {  	_ =	swait.ge [sflag:s15], $0xD800  }
0x1e: {  	[sflag:s15] =	ssyncset.done $0x0  }
0x1f: {  	[sflag:s15] =	ssyncadd.s32 $0xFFFF2800  }
0x20: {  	v3 =	vld [tilespmem:$0x0];
	_ =	sdelay $0x4  }
0x21: {  	v4 =	vshrl.u32 v3, $0x3  }
0x22: {  	v4 =	vmul.u32 $0x30, v4  }
0x23: {  	v3 =	vand.u32 $0x7, v3  }
0x24: {  	v3 =	vor.u32 v3, v4  }
0x25: {  	v4 =	vperm.xlane v3, v0;
	_ =	sdelay $0x1  }
0x26: {  	v4 =	vadd.s32 v1, v4;
	_ =	sdelay $0x3  }
0x27: {  	v3 =	vperm.xlane v3, v2  }
0x28: {  	[hbm4b:s3+s2] =	stream.indirect_vreg.scatter [tilespmem:s9], [sflag:$0x2], $0x80, v4, vm0, $0xb8;
	[tilespmem:$0xD900] =	vst v63  }
0x29: {  	s15 =	simm.s32 $0x900;
	v3 =	vadd.s32 v1, v3  }
0x2a: {  	[hbm4b:s4+s2] =	stream.indirect_vreg.scatter [tilespmem:s15], [sflag:$0x2], $0x80, v4, vm0, $0xb8;
	[tilespmem:$0xD900] =	vst v63  }
0x2b: {  	s16 =	simm.s32 $0x1100  }
0x2c: {  	[hbm4b:s5+s2] =	stream.indirect_vreg.scatter [tilespmem:s16], [sflag:$0x2], $0x80, v4, vm0, $0xb8;
	[tilespmem:$0xD900] =	vst v63  }
0x2d: {  	_ = 	snop  }
0x2e: {  	[hbm4b:s3+s2] =	stream.indirect_vreg.scatter [tilespmem:s17], [sflag:$0x2], $0x80, v3, vm0, $0xb8;
	[tilespmem:$0xD900] =	vst v63  }
0x2f: {  	_ = 	snop  }
0x30: {  	[hbm4b:s4+s2] =	stream.indirect_vreg.scatter [tilespmem:s18], [sflag:$0x2], $0x80, v3, vm0, $0xb8;
	[tilespmem:$0xD900] =	vst v63  }
0x31: {  	_ = 	snop  }
0x32: {  	[hbm4b:s5+s2] =	stream.indirect_vreg.scatter [tilespmem:s19], [sflag:$0x2], $0x80, v3, vm0, $0xb8;
	[tilespmem:$0xD900] =	vst v63  }
0x33: {  	v3 =	vld [tilespmem:$0x10];
	_ =	sdelay $0x4  }
0x34: {  	v55 =	vshrl.u32 v3, $0x3  }
0x35: {  	v4 =	vmul.u32 $0x30, v55  }
0x36: {  	v3 =	vand.u32 $0x7, v3  }
0x37: {  	v3 =	vor.u32 v3, v4  }
0x38: {  	v4 =	vperm.xlane v3, v0;
	_ =	sdelay $0x1  }
0x39: {  	v4 =	vadd.s32 v1, v4;
	_ =	sdelay $0x3  }
0x3a: {  	v3 =	vperm.xlane v3, v2  }
0x3b: {  	[hbm4b:s3+s2] =	stream.indirect_vreg.scatter [tilespmem:s20], [sflag:$0x2], $0x80, v4, vm0, $0xb8;
	[tilespmem:$0xD900] =	vst v63  }
0x3c: {  	v3 =	vadd.s32 v1, v3  }
0x3d: {  	[hbm4b:s4+s2] =	stream.indirect_vreg.scatter [tilespmem:s21], [sflag:$0x2], $0x80, v4, vm0, $0xb8;
	[tilespmem:$0xD900] =	vst v63  }
0x3e: {  	_ = 	snop  }
0x3f: {  	[hbm4b:s5+s2] =	stream.indirect_vreg.scatter [tilespmem:s22], [sflag:$0x2], $0x80, v4, vm0, $0xb8;
	[tilespmem:$0xD900] =	vst v63  }
0x40: {  	_ = 	snop  }
0x41: {  	[hbm4b:s3+s2] =	stream.indirect_vreg.scatter [tilespmem:s23], [sflag:$0x2], $0x80, v3, vm0, $0xb8;
	[tilespmem:$0xD900] =	vst v63  }
0x42: {  	_ = 	snop  }
0x43: {  	[hbm4b:s4+s2] =	stream.indirect_vreg.scatter [tilespmem:s24], [sflag:$0x2], $0x80, v3, vm0, $0xb8;
	[tilespmem:$0xD900] =	vst v63  }
0x44: {  	_ = 	snop  }
0x45: {  	[hbm4b:s5+s2] =	stream.indirect_vreg.scatter [tilespmem:s25], [sflag:$0x2], $0x80, v3, vm0, $0xb8;
	[tilespmem:$0xD900] =	vst v63  }
0x46: {  	v3 =	vld [tilespmem:$0x20];
	_ =	sdelay $0x4  }
0x47: {  	v56 =	vshrl.u32 v3, $0x3  }
0x48: {  	v4 =	vmul.u32 $0x30, v56  }
0x49: {  	v3 =	vand.u32 $0x7, v3  }
0x4a: {  	v3 =	vor.u32 v3, v4  }
0x4b: {  	v4 =	vperm.xlane v3, v0;
	_ =	sdelay $0x1  }
0x4c: {  	v4 =	vadd.s32 v1, v4;
	_ =	sdelay $0x3  }
0x4d: {  	v3 =	vperm.xlane v3, v2  }
0x4e: {  	[hbm4b:s3+s2] =	stream.indirect_vreg.scatter [tilespmem:s26], [sflag:$0x2], $0x80, v4, vm0, $0xb8;
	[tilespmem:$0xD900] =	vst v63  }
0x4f: {  	v3 =	vadd.s32 v1, v3  }
0x50: {  	[hbm4b:s4+s2] =	stream.indirect_vreg.scatter [tilespmem:s28], [sflag:$0x2], $0x80, v4, vm0, $0xb8;
	[tilespmem:$0xD900] =	vst v63  }
0x51: {  	_ = 	snop  }
0x52: {  	[hbm4b:s5+s2] =	stream.indirect_vreg.scatter [tilespmem:s29], [sflag:$0x2], $0x80, v4, vm0, $0xb8;
	[tilespmem:$0xD900] =	vst v63  }
0x53: {  	_ = 	snop  }
0x54: {  	[hbm4b:s3+s2] =	stream.indirect_vreg.scatter [tilespmem:s30], [sflag:$0x2], $0x80, v3, vm0, $0xb8;
	[tilespmem:$0xD900] =	vst v63  }
0x55: {  	_ = 	snop  }
0x56: {  	[hbm4b:s4+s2] =	stream.indirect_vreg.scatter [tilespmem:s31], [sflag:$0x2], $0x80, v3, vm0, $0xb8;
	[tilespmem:$0xD900] =	vst v63  }
0x57: {  	s1 =	simm.s32 $0x8900  }
0x58: {  	[hbm4b:s5+s2] =	stream.indirect_vreg.scatter [tilespmem:s1], [sflag:$0x2], $0x80, v3, vm0, $0xb8;
	[tilespmem:$0xD900] =	vst v63  }
0x59: {  	v3 =	vld [tilespmem:$0x30];
	_ =	sdelay $0x4  }
0x5a: {  	v57 =	vshrl.u32 v3, $0x3  }
0x5b: {  	v4 =	vmul.u32 $0x30, v57  }
0x5c: {  	v3 =	vand.u32 $0x7, v3  }
0x5d: {  	v3 =	vor.u32 v3, v4  }
0x5e: {  	v4 =	vperm.xlane v3, v0;
	_ =	sdelay $0x1  }
0x5f: {  	v4 =	vadd.s32 v1, v4;
	_ =	sdelay $0x3  }
0x60: {  	s0 =	simm.s32 $0x9100;
	v3 =	vperm.xlane v3, v2  }
0x61: {  	[hbm4b:s3+s2] =	stream.indirect_vreg.scatter [tilespmem:s0], [sflag:$0x2], $0x80, v4, vm0, $0xb8;
	[tilespmem:$0xD900] =	vst v63  }
0x62: {  	v3 =	vadd.s32 v1, v3  }
0x63: {  	[hbm4b:s4+s2] =	stream.indirect_vreg.scatter [tilespmem:s10], [sflag:$0x2], $0x80, v4, vm0, $0xb8;
	[tilespmem:$0xD900] =	vst v63  }
0x64: {  	_ = 	snop  }
0x65: {  	[hbm4b:s5+s2] =	stream.indirect_vreg.scatter [tilespmem:s11], [sflag:$0x2], $0x80, v4, vm0, $0xb8;
	[tilespmem:$0xD900] =	vst v63  }
0x66: {  	_ = 	snop  }
0x67: {  	[hbm4b:s3+s2] =	stream.indirect_vreg.scatter [tilespmem:s12], [sflag:$0x2], $0x80, v3, vm0, $0xb8;
	[tilespmem:$0xD900] =	vst v63  }
0x68: {  	_ = 	snop  }
0x69: {  	[hbm4b:s4+s2] =	stream.indirect_vreg.scatter [tilespmem:s7], [sflag:$0x2], $0x80, v3, vm0, $0xb8;
	[tilespmem:$0xD900] =	vst v63  }
0x6a: {  	_ = 	snop  }
0x6b: {  	[hbm4b:s5+s2] =	stream.indirect_vreg.scatter [tilespmem:s13], [sflag:$0x2], $0x80, v3, vm0, $0xb8;
	[tilespmem:$0xD900] =	vst v63  }
0x6c: {  	v3 =	vld.msk [tilespmem:$0x40], $0xff;
	_ =	sdelay $0x4  }
0x6d: {  	v58 =	vshrl.u32 v3, $0x3  }
0x6e: {  	v4 =	vmul.u32 $0x30, v58  }
0x6f: {  	v3 =	vand.u32 $0x7, v3  }
0x70: {  	v3 =	vor.u32 v3, v4  }
0x71: {  	v3 =	vperm.xlane v3, v0;
	_ =	sdelay $0x1  }
0x72: {  	v3 =	vadd.s32 v1, v3;
	_ =	sdelay $0x4  }
0x73: {  	[hbm4b:s3+s2] =	stream.indirect_vreg.scatter [tilespmem:s14], [sflag:$0x2], $0x80, v3, vm0, $0xb8;
	[tilespmem:$0xD900] =	vst v63  }
0x74: {  	_ = 	snop  }
0x75: {  	[hbm4b:s4+s2] =	stream.indirect_vreg.scatter [tilespmem:s8], [sflag:$0x2], $0x80, v3, vm0, $0xb8;
	[tilespmem:$0xD900] =	vst v63  }
0x76: {  	s0 =	simm.s32 $0xD100  }
0x77: {  	[hbm4b:s5+s2] =	stream.indirect_vreg.scatter [tilespmem:s0], [sflag:$0x2], $0x80, v3, vm0, $0xb8;
	[tilespmem:$0xD900] =	vst v63  }
0x78: {  	v3 =	vld [tilespmem:$0x80];
	_ =	sdelay $0x4  }
0x79: {  	v59 =	vshrl.u32 v3, $0x3  }
0x7a: {  	v4 =	vmul.u32 $0x30, v59  }
0x7b: {  	v3 =	vand.u32 $0x7, v3  }
0x7c: {  	v3 =	vor.u32 v3, v4  }
0x7d: {  	v4 =	vperm.xlane v3, v0;
	_ =	sdelay $0x1  }
0x7e: {  	v4 =	vadd.s32 v1, v4;
	_ =	sdelay $0x3  }
0x7f: {  	v3 =	vperm.xlane v3, v2  }
0x80: {  	[hbm4b:s3+s2] =	stream.indirect_vreg.scatter [tilespmem:s9], [sflag:$0x3], $0x80, v4, vm0, $0xb8;
	[tilespmem:$0xD900] =	vst v63  }
0x81: {  	v3 =	vadd.s32 v1, v3  }
0x82: {  	[hbm4b:s4+s2] =	stream.indirect_vreg.scatter [tilespmem:s15], [sflag:$0x3], $0x80, v4, vm0, $0xb8;
	[tilespmem:$0xD900] =	vst v63  }
0x83: {  	_ = 	snop  }
0x84: {  	[hbm4b:s5+s2] =	stream.indirect_vreg.scatter [tilespmem:s16], [sflag:$0x3], $0x80, v4, vm0, $0xb8;
	[tilespmem:$0xD900] =	vst v63  }
0x85: {  	_ = 	snop  }
0x86: {  	[hbm4b:s3+s2] =	stream.indirect_vreg.scatter [tilespmem:s17], [sflag:$0x3], $0x80, v3, vm0, $0xb8;
	[tilespmem:$0xD900] =	vst v63  }
0x87: {  	_ = 	snop  }
0x88: {  	[hbm4b:s4+s2] =	stream.indirect_vreg.scatter [tilespmem:s18], [sflag:$0x3], $0x80, v3, vm0, $0xb8;
	[tilespmem:$0xD900] =	vst v63  }
0x89: {  	_ = 	snop  }
0x8a: {  	[hbm4b:s5+s2] =	stream.indirect_vreg.scatter [tilespmem:s19], [sflag:$0x3], $0x80, v3, vm0, $0xb8;
	[tilespmem:$0xD900] =	vst v63  }
0x8b: {  	v3 =	vld [tilespmem:$0x90];
	_ =	sdelay $0x4  }
0x8c: {  	v60 =	vshrl.u32 v3, $0x3  }
0x8d: {  	v4 =	vmul.u32 $0x30, v60  }
0x8e: {  	v3 =	vand.u32 $0x7, v3  }
0x8f: {  	v3 =	vor.u32 v3, v4  }
0x90: {  	v4 =	vperm.xlane v3, v0;
	_ =	sdelay $0x1  }
0x91: {  	v4 =	vadd.s32 v1, v4;
	_ =	sdelay $0x3  }
0x92: {  	v3 =	vperm.xlane v3, v2  }
0x93: {  	[hbm4b:s3+s2] =	stream.indirect_vreg.scatter [tilespmem:s20], [sflag:$0x3], $0x80, v4, vm0, $0xb8;
	[tilespmem:$0xD900] =	vst v63  }
0x94: {  	v3 =	vadd.s32 v1, v3  }
0x95: {  	[hbm4b:s4+s2] =	stream.indirect_vreg.scatter [tilespmem:s21], [sflag:$0x3], $0x80, v4, vm0, $0xb8;
	[tilespmem:$0xD900] =	vst v63  }
0x96: {  	_ = 	snop  }
0x97: {  	[hbm4b:s5+s2] =	stream.indirect_vreg.scatter [tilespmem:s22], [sflag:$0x3], $0x80, v4, vm0, $0xb8;
	[tilespmem:$0xD900] =	vst v63  }
0x98: {  	_ = 	snop  }
0x99: {  	[hbm4b:s3+s2] =	stream.indirect_vreg.scatter [tilespmem:s23], [sflag:$0x3], $0x80, v3, vm0, $0xb8;
	[tilespmem:$0xD900] =	vst v63  }
0x9a: {  	_ = 	snop  }
0x9b: {  	[hbm4b:s4+s2] =	stream.indirect_vreg.scatter [tilespmem:s24], [sflag:$0x3], $0x80, v3, vm0, $0xb8;
	[tilespmem:$0xD900] =	vst v63  }
0x9c: {  	_ = 	snop  }
0x9d: {  	[hbm4b:s5+s2] =	stream.indirect_vreg.scatter [tilespmem:s25], [sflag:$0x3], $0x80, v3, vm0, $0xb8;
	[tilespmem:$0xD900] =	vst v63  }
0x9e: {  	v3 =	vld [tilespmem:$0xA0];
	_ =	sdelay $0x4  }
0x9f: {  	v61 =	vshrl.u32 v3, $0x3  }
0xa0: {  	v4 =	vmul.u32 $0x30, v61  }
0xa1: {  	v3 =	vand.u32 $0x7, v3  }
0xa2: {  	v3 =	vor.u32 v3, v4  }
0xa3: {  	v4 =	vperm.xlane v3, v0;
	_ =	sdelay $0x1  }
0xa4: {  	v4 =	vadd.s32 v1, v4;
	_ =	sdelay $0x3  }
0xa5: {  	v3 =	vperm.xlane v3, v2  }
0xa6: {  	[hbm4b:s3+s2] =	stream.indirect_vreg.scatter [tilespmem:s26], [sflag:$0x3], $0x80, v4, vm0, $0xb8;
	[tilespmem:$0xD900] =	vst v63  }
0xa7: {  	v3 =	vadd.s32 v1, v3  }
0xa8: {  	[hbm4b:s4+s2] =	stream.indirect_vreg.scatter [tilespmem:s28], [sflag:$0x3], $0x80, v4, vm0, $0xb8;
	[tilespmem:$0xD900] =	vst v63  }
0xa9: {  	_ = 	snop  }
0xaa: {  	[hbm4b:s5+s2] =	stream.indirect_vreg.scatter [tilespmem:s29], [sflag:$0x3], $0x80, v4, vm0, $0xb8;
	[tilespmem:$0xD900] =	vst v63  }
0xab: {  	_ = 	snop  }
0xac: {  	[hbm4b:s3+s2] =	stream.indirect_vreg.scatter [tilespmem:s30], [sflag:$0x3], $0x80, v3, vm0, $0xb8;
	[tilespmem:$0xD900] =	vst v63  }
0xad: {  	_ = 	snop  }
0xae: {  	[hbm4b:s4+s2] =	stream.indirect_vreg.scatter [tilespmem:s31], [sflag:$0x3], $0x80, v3, vm0, $0xb8;
	[tilespmem:$0xD900] =	vst v63  }
0xaf: {  	_ = 	snop  }
0xb0: {  	[hbm4b:s5+s2] =	stream.indirect_vreg.scatter [tilespmem:s1], [sflag:$0x3], $0x80, v3, vm0, $0xb8;
	[tilespmem:$0xD900] =	vst v63  }
0xb1: {  	v3 =	vld [tilespmem:$0xB0];
	_ =	sdelay $0x4  }
0xb2: {  	v62 =	vshrl.u32 v3, $0x3  }
0xb3: {  	v4 =	vmul.u32 $0x30, v62  }
0xb4: {  	v3 =	vand.u32 $0x7, v3  }
0xb5: {  	v3 =	vor.u32 v3, v4  }
0xb6: {  	v4 =	vperm.xlane v3, v0;
	_ =	sdelay $0x1  }
0xb7: {  	v4 =	vadd.s32 v1, v4;
	_ =	sdelay $0x3  }
0xb8: {  	s16 =	simm.s32 $0x9100;
	v3 =	vperm.xlane v3, v2  }
0xb9: {  	[hbm4b:s3+s2] =	stream.indirect_vreg.scatter [tilespmem:s16], [sflag:$0x3], $0x80, v4, vm0, $0xb8;
	[tilespmem:$0xD900] =	vst v63  }
0xba: {  	v3 =	vadd.s32 v1, v3  }
0xbb: {  	[hbm4b:s4+s2] =	stream.indirect_vreg.scatter [tilespmem:s10], [sflag:$0x3], $0x80, v4, vm0, $0xb8;
	[tilespmem:$0xD900] =	vst v63  }
0xbc: {  	_ = 	snop  }
0xbd: {  	[hbm4b:s5+s2] =	stream.indirect_vreg.scatter [tilespmem:s11], [sflag:$0x3], $0x80, v4, vm0, $0xb8;
	[tilespmem:$0xD900] =	vst v63  }
0xbe: {  	_ = 	snop  }
0xbf: {  	[hbm4b:s3+s2] =	stream.indirect_vreg.scatter [tilespmem:s12], [sflag:$0x3], $0x80, v3, vm0, $0xb8;
	[tilespmem:$0xD900] =	vst v63  }
0xc0: {  	_ = 	snop  }
0xc1: {  	[hbm4b:s4+s2] =	stream.indirect_vreg.scatter [tilespmem:s7], [sflag:$0x3], $0x80, v3, vm0, $0xb8;
	[tilespmem:$0xD900] =	vst v63  }
0xc2: {  	_ = 	snop  }
0xc3: {  	[hbm4b:s5+s2] =	stream.indirect_vreg.scatter [tilespmem:s13], [sflag:$0x3], $0x80, v3, vm0, $0xb8;
	[tilespmem:$0xD900] =	vst v63  }
0xc4: {  	v3 =	vld.msk [tilespmem:$0xC0], $0xff;
	_ =	sdelay $0x4  }
0xc5: {  	v63 =	vshrl.u32 v3, $0x3  }
0xc6: {  	v4 =	vmul.u32 $0x30, v63  }
0xc7: {  	v3 =	vand.u32 $0x7, v3  }
0xc8: {  	v3 =	vor.u32 v3, v4  }
0xc9: {  	v3 =	vperm.xlane v3, v0;
	_ =	sdelay $0x1  }
0xca: {  	v3 =	vadd.s32 v1, v3;
	_ =	sdelay $0x4  }
0xcb: {  	[hbm4b:s3+s2] =	stream.indirect_vreg.scatter [tilespmem:s14], [sflag:$0x3], $0x80, v3, vm0, $0xb8;
	[tilespmem:$0xD900] =	vst v63  }
0xcc: {  	_ = 	snop  }
0xcd: {  	[hbm4b:s4+s2] =	stream.indirect_vreg.scatter [tilespmem:s8], [sflag:$0x3], $0x80, v3, vm0, $0xb8;
	[tilespmem:$0xD900] =	vst v63  }
0xce: {  	s0 =	simm.s32 $0xD100;
	s15 =	simm.s32 $0x2  }
0xcf: {  	[hbm4b:s5+s2] =	stream.indirect_vreg.scatter [tilespmem:s0], [sflag:$0x3], $0x80, v3, vm0, $0xb8;
	[tilespmem:$0xD900] =	vst v63  }
0xd0: {  	p0 =	sne.s32 s6, $0x1;
	_ =	swait.ge [sflag:s15], $0xD800  }
.Ltmp0:
0xd1: {  	[sflag:s15] =	ssyncset.done $0x0;
	(pc) =	sbr.rel @p0 .LBB2_1-.Ltmp0, $4  }
0xd2: {  	s16 =	simm.s32 $0x3;
	[sflag:s15] =	ssyncadd.s32 $0xFFFF2800  }
0xd3: {  	_ =	swait.ge [sflag:s16], $0xD800  }
0xd4: {  	[sflag:s16] =	ssyncset.done $0x0  }
0xd5: {  	s6 =	sadd.s32 $0xFFFFFFFF, s6;
	[sflag:s16] =	ssyncadd.s32 $0xFFFF2800  }
0xd6: {  	_ =	sfence.sel $0x180000  }
0xd7: {  	[bflag:$0x0] =	sbarrier.arrive $0xFFFF  }
0xd8: {  	_ =	strace $0x90000047  }
0xd9: {  	s0 =	stileid.u32;
	[bflag:$0x2] =	sbarrier.arrive $0xFFFF  }
0xda: {  	p0 =	sne.s32 s0, $0x0;
	s0 =	rddreg [dreg:$0x1]  }
0xdb: {  	s0 =	sadd.s32 @!p0 $0x100000, s0  }
0xdc: {  	[sflag:s0] =	ssyncadd.tile.s32 @!p0 $0x1;
	_ =	shalt  }
.Lfunc_end2:
_tile_overlayer_lowered:
.L_overlay_start_2:
0xdd: {  	(tag) =	ssettag $0x2  }
0xde: {  	s0 =	rddreg [dreg:$0x0];
	s2 =	stileid.u32  }
0xdf: {  	s1 =	rddreg [dreg:$0x1];
	p0 =	sne.s32 s2, $0x0  }
0xe0: {  	s3 =	rddreg [dreg:$0x2];
	[bflag:$0x3] =	sbarrier.arrive $0xFFFF;
	s2 =	simm.s32 @!p0 $0x1C04  }
0xe1: {  	[timem:s3], [sflag:s2] =	dma.local @!p0 [hbm:s0], s1  }
0xe2: {  	s0 =	simm.s32 @!p0 $0x4  }
0xe3: {  	_ =	swait.ge @!p0 [sflag:s0], s1  }
0xe4: {  	s1 =	ssub.s32 @!p0 $0x0, s1;
	[sflag:s0] =	ssyncset.done @!p0 $0x0  }
0xe5: {  	[sflag:s0] =	ssyncadd.s32 @!p0 s1  }
0xe6: {  	[bflag:$0x3] =	sbarrier.arrive $0xFFFF  }
0xe7: {  	_ =	shalt  }

// kernel: kernel.15.cloned.1.call-start
scs
__scs_entry_jumppad:
0x0: {  	(pc) =	sbr.rel $0x88, $3  }
0x1: {  	(tag) =	ssettag $0x0;
	lr =	simm.s32 $0x1  }
0x2: {  	[smem:$0x3F8A] =	sst lr;
	_ =	strace $0xD0000000  }
0x3: {  	_ = 	snop  }
0x4: {  	_ = 	snop  }
0x5: {  	_ = 	snop  }
0x6: {  	_ = 	snop  }
0x7: {  	_ = 	snop  }
__scs_overlays_trampoline_lowered:
0x8: {  	[smem:$0x3F99] =	sst s0  }
0x9: {  	[smem:$0x3F9A] =	sst s1  }
0xa: {  	[smem:$0x3F9B] =	sst s2  }
0xb: {  	[smem:$0x3F9C] =	sst s3  }
0xc: {  	[smem:$0x3F9D] =	sst s4  }
0xd: {  	[smem:$0x3F9E] =	sst s5  }
0xe: {  	[smem:$0x3F9F] =	sst s6  }
0xf: {  	[smem:$0x3FA0] =	sst s7  }
0x10: {  	[smem:$0x3FA1] =	sst s8  }
0x11: {  	[smem:$0x3FA2] =	sst s9;
	s0 =	simm.s32 @!p0 $0x0  }
0x12: {  	s1 =	sld [smem:$0x3F88];
	s0 =	simm.s32 @p0 $0x1  }
0x13: {  	[smem:$0x3FA3] =	sst s0;
	s0 =	simm.s32 @!p1 $0x0  }
0x14: {  	s2 =	sld [smem:$0x3F87];
	s0 =	simm.s32 @p1 $0x1  }
0x15: {  	[smem:$0x3FA4] =	sst s0;
	s0 =	simm.s32 @!p2 $0x0  }
0x16: {  	s3 =	sld [smem:$0x3FDB];
	s0 =	simm.s32 @p2 $0x1  }
0x17: {  	s4 =	simm.s32 $0x1BF5;
	[smem:$0x3FA6] =	sst s0  }
0x18: {  	s0 =	sld [smem:$0x3F89];
	_ =	swait.ge [sflag:s4], $0x0  }
0x19: {  	s7 =	sld [smem:$0x3F8A]  }
0x1a: {  	s8 =	sadd.s32 $0xFFFFE003, lr  }
0x1b: {  	s9 =	sadd.s32 $0xFFFFFEF7, lr;
	s5 =	simm.s32 $0xFFFFFFFF;
	p2 =	slt.u32 s8, $0xFFFFF086  }
0x1c: {  	p1 =	slt.u32 s9, $0xF7A;
	s5 =	simm.s32 @!p2 $0x0  }
0x1d: {  	s5 =	simm.s32 @p1 $0x1;
	p0 =	seq.s32 s7, s2  }
0x1e: {  	s7 =	smul.u32 @!p0 $0xF7A, s2;
	p2 =	seq.s32 @!p0 s5, $0x0  }
0x1f: {  	s9 =	smul.u32 $0xF7A, s1;
	s8 =	simm.s32 @!p0 $0x1BF5;
	p2 =	por !p2, p0  }
0x20: {  	[sflag:s8] =	ssyncset.s32 @!p0 $0xFFFFF086;
	s6 =	sadd.s32 @!p0 s3, s7;
	s7 =	simm.s32 @!p0 $0x108  }
0x21: {  	s3 =	sadd.s32 s3, s9;
	s6 =	sadd.s32 @!p0 $0x88, s6;
	s7 =	simm.s32 @p2 $0x1082  }
0x22: {  	[simem:s7], [sflag:s8] =	dma.local @!p0 [hbm:s6], $0xF7A  }
0x23: {  	s9 =	sor.u32 $0xD0000000, s2;
	s6 =	simm.s32 $0x108;
	_ =	swait.ge @!p0 [sflag:s8], $0x0  }
0x24: {  	s3 =	sadd.s32 $0x88, s3;
	s6 =	simm.s32 @!p1 $0x1082;
	[sflag:s4] =	ssyncset.s32 $0xFFFFF086  }
0x25: {  	[simem:s6], [sflag:s4] =	dma.local [hbm:s3], $0xF7A  }
0x26: {  	[smem:$0x3F8A] =	sst s1;
	(tag) =	ssettag s2;
	_ =	strace s9  }
0x27: {  	s1 =	sld [smem:$0x3F9A]  }
0x28: {  	s2 =	sld [smem:$0x3F9B]  }
0x29: {  	s4 =	sld [smem:$0x3F9D]  }
0x2a: {  	p0 =	seq.s32 s5, $0x0;
	s5 =	sld [smem:$0x3F9E]  }
0x2b: {  	s6 =	sld [smem:$0x3F9F]  }
0x2c: {  	s7 =	sld [smem:$0x3FA0]  }
0x2d: {  	s3 =	simm.s32 $0x108;
	s8 =	sld [smem:$0x3FA1]  }
0x2e: {  	s3 =	simm.s32 @!p0 $0x1082;
	s9 =	sld [smem:$0x3FA2]  }
0x2f: {  	lr =	sadd.s32 s0, s3;
	s0 =	sld [smem:$0x3F99]  }
0x30: {  	s3 =	sld [smem:$0x3F9C]  }
0x31: {  	[smem:$0x3FA5] =	sst s10  }
0x32: {  	s10 =	sld [smem:$0x3FA3];
	_ =	sdelay $0x3  }
0x33: {  	p0 =	seq.s32 s10, $0x1;
	s10 =	sld [smem:$0x3FA5];
	_ =	sdelay $0x3  }
0x34: {  	[smem:$0x3FA5] =	sst s10  }
0x35: {  	s10 =	sld [smem:$0x3FA4];
	_ =	sdelay $0x3  }
0x36: {  	p1 =	seq.s32 s10, $0x1;
	s10 =	sld [smem:$0x3FA5];
	_ =	sdelay $0x3  }
0x37: {  	[smem:$0x3FA5] =	sst s10  }
0x38: {  	s10 =	sld [smem:$0x3FA6]  }
0x39: {  	_ = 	snop;
	(pc) =	sbr.ind lr, $3  }
0x3a: {  	_ = 	snop  }
0x3b: {  	_ = 	snop  }
0x3c: {  	p2 =	seq.s32 s10, $0x1;
	s10 =	sld [smem:$0x3FA5]  }
0x3d: {  	_ =	shalt  }
0x3e: {  	_ =	shalt  }
0x3f: {  	_ =	shalt  }
0x40: {  	_ =	shalt  }
0x41: {  	_ =	shalt  }
0x42: {  	_ =	shalt  }
0x43: {  	_ =	shalt  }
0x44: {  	_ =	shalt  }
0x45: {  	_ =	shalt  }
0x46: {  	_ =	shalt  }
0x47: {  	_ =	shalt  }
0x48: {  	_ =	shalt  }
0x49: {  	_ =	shalt  }
0x4a: {  	_ =	shalt  }
0x4b: {  	_ =	shalt  }
0x4c: {  	_ =	shalt  }
0x4d: {  	_ =	shalt  }
0x4e: {  	_ =	shalt  }
0x4f: {  	_ =	shalt  }
0x50: {  	_ =	shalt  }
0x51: {  	_ =	shalt  }
0x52: {  	_ =	shalt  }
0x53: {  	_ =	shalt  }
0x54: {  	_ =	shalt  }
0x55: {  	_ =	shalt  }
0x56: {  	_ =	shalt  }
0x57: {  	_ =	shalt  }
0x58: {  	_ =	shalt  }
0x59: {  	_ =	shalt  }
0x5a: {  	_ =	shalt  }
0x5b: {  	_ =	shalt  }
0x5c: {  	_ =	shalt  }
0x5d: {  	_ =	shalt  }
0x5e: {  	_ =	shalt  }
0x5f: {  	_ =	shalt  }
0x60: {  	_ =	shalt  }
0x61: {  	_ =	shalt  }
0x62: {  	_ =	shalt  }
0x63: {  	_ =	shalt  }
0x64: {  	_ =	shalt  }
0x65: {  	_ =	shalt  }
0x66: {  	_ =	shalt  }
0x67: {  	_ =	shalt  }
0x68: {  	_ =	shalt  }
0x69: {  	_ =	shalt  }
0x6a: {  	_ =	shalt  }
0x6b: {  	_ =	shalt  }
0x6c: {  	_ =	shalt  }
0x6d: {  	_ =	shalt  }
0x6e: {  	_ =	shalt  }
0x6f: {  	_ =	shalt  }
0x70: {  	_ =	shalt  }
0x71: {  	_ =	shalt  }
0x72: {  	_ =	shalt  }
0x73: {  	_ =	shalt  }
0x74: {  	_ =	shalt  }
0x75: {  	_ =	shalt  }
0x76: {  	_ =	shalt  }
0x77: {  	_ =	shalt  }
0x78: {  	_ =	shalt  }
0x79: {  	_ =	shalt  }
0x7a: {  	_ =	shalt  }
0x7b: {  	_ =	shalt  }
0x7c: {  	_ =	shalt  }
0x7d: {  	_ =	shalt  }
0x7e: {  	_ =	shalt  }
0x7f: {  	_ =	shalt  }
0x80: {  	_ =	shalt  }
0x81: {  	_ =	shalt  }
0x82: {  	_ =	shalt  }
0x83: {  	_ =	shalt  }
0x84: {  	_ =	shalt  }
0x85: {  	_ =	shalt  }
0x86: {  	_ =	shalt  }
0x87: {  	_ =	shalt  }
.Lfunc_end0:
.L_simem_size_0:
called_computation.1_lowered:
.L_overlay_start_0:
0x88: {  	s2 =	sld [smem:$0x3FD9]  }
0x89: {  	s3 =	sld [smem:$0x3FFE];
	_ =	sdelay $0x1  }
0x8a: {  	s1 =	srdreg.scid  }
0x8b: {  	s0 =	sand.u32 $0x1, s1  }
0x8c: {  	s16 =	sshll.u32 s0, $0xA;
	s2 =	sadd.s32 s3, s2  }
0x8d: {  	s2 =	sadd.s32 s2, s16  }
0x8e: {  	[smem:$0x3FB1] =	sst s2  }
0x8f: {  	_ = 	snop  }
0x90: {  	(tm) =	ssettm $0x1  }
0x91: {  	s17 =	sld [smem:$0x3FFB];
	_ =	sdelay $0x3  }
0x92: {  	_ =	strace s17  }
0x93: {  	s2 =	sld [smem:$0x3FFC];
	_ =	sdelay $0x3  }
0x94: {  	_ =	strace s2  }
0x95: {  	s2 =	sld [smem:$0x3FFD];
	_ =	sdelay $0x3  }
0x96: {  	_ =	strace s2  }
0x97: {  	_ =	strace $0x8FFFFFFF  }
0x98: {  	s18 =	sld [smem:$0x3FDB];
	_ =	sdelay $0x1  }
0x99: {  	s19 =	simm.s32 $_scs_section_size  }
0x9a: {  	s4 =	simm.s32 $_size__tile_overlayer_lowered;
	s5 =	simm.s32 $_tile_overlayer_lowered  }
0x9b: {  	s22 =	simm.s32 $0x1BFF;
	s21 =	sshll.u32 s5, $0x1;
	s2 =	sadd.s32 s19, s18  }
0x9c: {  	s6 =	simm.s32 $0x0;
	s20 =	sshll.u32 s4, $0x1;
	s4 =	sadd.s32 s21, s2  }
0x9d: {  	[timem:s6], [sflag:s22] =	dma.local [hbm:s4], s20  }
0x9e: {  	_ =	swait.ge [sflag:s22], s20  }
0x9f: {  	s3 =	ssub.s32 $0x0, s20;
	[sflag:s22] =	ssyncset.done $0x0  }
0xa0: {  	[sflag:s22] =	ssyncadd.s32 s3;
	_ =	sdelay $0x1  }
0xa1: {  	s23 =	simm.s32 $0x1B8B  }
0xa2: {  	_ =	swait.ge [sflag:s23], $0x1  }
0xa3: {  	[sflag:s23] =	ssyncset.done $0x0  }
0xa4: {  	s25 =	simm.s32 $0x1B8E;
	s24 =	sld [smem:$0x3FFE];
	[sflag:s23] =	ssyncadd.s32 $0xFFFFFFFF  }
0xa5: {  	s26 =	simm.s32 $execute0_lowered;
	[smem:$0x3FD2] =	sst s25  }
0xa6: {  	s4 =	sshll.u32 s26, $0x1;
	_ =	strace $0x80000049;
	[dreg:$0x1] =	wrdreg $0xFFFFFFFF  }
0xa7: {  	s28 =	simm.s32 $_size_execute0_lowered;
	s2 =	sadd.s32 s2, s4;
	[dreg:$0x0] =	wrdreg $0x0  }
0xa8: {  	s4 =	sshll.u32 s28, $0x1;
	[dreg:$0x2] =	wrdreg s2  }
0xa9: {  	[dreg:$0x3] =	wrdreg s4  }
0xaa: {  	[dreg:$0x4] =	wrdreg $0xC0  }
0xab: {  	_ =	task [dreg:s6], $0x5FFFF  }
0xac: {  	[dreg:$0x1] =	wrdreg $0xFFFFFFFF  }
0xad: {  	[dreg:$0x0] =	wrdreg $0x60  }
0xae: {  	[dreg:$0x2] =	wrdreg s24  }
0xaf: {  	[dreg:$0x3] =	wrdreg $0x9  }
0xb0: {  	_ =	task.clear_ibuf [dreg:s6], $0x4FFFF;
	_ =	strace $0x90000049  }
0xb1: {  	s29 =	simm.s32 $0x9;
	_ =	strace $0x8000004B  }
0xb2: {  	_ =	swait.ge [sflag:s29], $0x1  }
0xb3: {  	[sflag:s29] =	ssyncadd.s32 $0xFFFFFFFF  }
0xb4: {  	_ =	strace $0x9000004B  }
0xb5: {  	_ =	sfence  }
0xb6: {  	s30 =	sld [smem:$0x0];
	_ =	sdelay $0x2  }
0xb7: {  	s31 =	sshll.u32 s1, $0xD;
	s1 =	sshrl.u32 s1, $0x2  }
0xb8: {  	s3 =	sand.u32 $0x4000, s31;
	s1 =	sadd.s32 s1, s30  }
0xb9: {  	s0 =	sor.u32 s3, s0;
	s1 =	sshll.u32 s1, $0x11  }
0xba: {  	s0 =	sor.u32 s1, s0  }
0xbb: {  	s0 =	sadd.s32 $0x8F2B, s0  }
0xbc: {  	[sflag:s0] =	ssyncadd.remote.s32 $0x1  }
0xbd: {  	_ =	sfence.sel $0xFFFF  }
0xbe: {  	[dreg:$0x0] =	wrdreg $0xFFFFFFFF;
	(pc) =	sbr.abs _section_cstart, $3  }
0xbf: {  	[dreg:$0x1] =	wrdreg $0xFFFFFFFF  }
0xc0: {  	_ =	task.clear_ibuf [dreg:s6], $0x2FFFF;
	_ =	strace $0x9FFFFFFF  }
0xc1: {  	(tm) =	ssettm $0x7FFFFFFF  }
tec
execute0_lowered:
.L_overlay_start_1:
0x0: {  	(tag) =	ssettag $0x1  }
0x1: {  	s1 =	srdreg.scid  }
0x2: {  	s2 =	simm.s32 $0x0;
	s4 =	sand.u32 $0x1, s1;
	s1 =	rddreg [dreg:$0x0]  }
0x3: {  	s15 =	simm.s32 $0x80;
	[smem:$0x7FF] =	sst s2  }
0x4: {  	s16 =	simm.s32 $0x900;
	_ =	strace $0x8000004A;
	[dreg:$0x6] =	wrdreg s15  }
0x5: {  	s17 =	simm.s32 $0x1100;
	[dreg:$0x7] =	wrdreg s16  }
0x6: {  	s18 =	simm.s32 $0x1900;
	[dreg:$0x8] =	wrdreg s17  }
0x7: {  	s19 =	simm.s32 $0x2100;
	[dreg:$0x9] =	wrdreg s18  }
0x8: {  	s20 =	simm.s32 $0x2900;
	[dreg:$0xa] =	wrdreg s19  }
0x9: {  	s21 =	simm.s32 $0x3100;
	[dreg:$0xb] =	wrdreg s20  }
0xa: {  	s22 =	simm.s32 $0x3900;
	[dreg:$0xc] =	wrdreg s21  }
0xb: {  	s23 =	simm.s32 $0x4100;
	[dreg:$0xd] =	wrdreg s22  }
0xc: {  	s24 =	simm.s32 $0x4900;
	[dreg:$0xe] =	wrdreg s23  }
0xd: {  	s25 =	simm.s32 $0x5100;
	[dreg:$0xf] =	wrdreg s24  }
0xe: {  	s0 =	stileid.u32;
	s26 =	simm.s32 $0x5900;
	[dreg:$0x10] =	wrdreg s25  }
0xf: {  	s13 =	sshll.u32 s0, $0x1;
	s0 =	simm.s32 $0x6100;
	[dreg:$0x11] =	wrdreg s26  }
0x10: {  	s7 =	simm.s32 $0x7900;
	[dreg:$0x12] =	wrdreg s0  }
0x11: {  	s8 =	simm.s32 $0x8100;
	[dreg:$0x15] =	wrdreg s7  }
0x12: {  	s9 =	simm.s32 $0x8900;
	[dreg:$0x16] =	wrdreg s8  }
0x13: {  	s10 =	simm.s32 $0x9100;
	[dreg:$0x17] =	wrdreg s9  }
0x14: {  	s11 =	simm.s32 $0x9900;
	[dreg:$0x18] =	wrdreg s10  }
0x15: {  	s12 =	simm.s32 $0xA100;
	[dreg:$0x19] =	wrdreg s11  }
0x16: {  	s3 =	sor.u32 s4, s13;
	[dreg:$0x1a] =	wrdreg s12;
	s13 =	simm.s32 $0xA900  }
0x17: {  	s15 =	simm.s32 $0xB900;
	[dreg:$0x1b] =	wrdreg s13  }
0x18: {  	s28 =	simm.s32 $0x1A900;
	s16 =	simm.s32 $0xC100;
	[dreg:$0x1d] =	wrdreg s15  }
0x19: {  	s29 =	simm.s32 $0x1;
	s17 =	simm.s32 $0xC900;
	[dreg:$0x1e] =	wrdreg s16  }
0x1a: {  	s30 =	simm.s32 $0x2;
	s18 =	simm.s32 $0xD100;
	[dreg:$0x1f] =	wrdreg s17  }
0x1b: {  	s31 =	simm.s32 $0x3;
	s19 =	simm.s32 $0xE100;
	[smem:$0x7F5] =	sst s18  }
0x1c: {  	s4 =	ssub.s32 $0x2, s4;
	s21 =	simm.s32 $0xE900;
	[smem:$0x7F6] =	sst s19  }
0x1d: {  	s22 =	simm.s32 $0xF100;
	s7 =	simm.s32 $0xF900;
	[smem:$0x7F7] =	sst s21  }
0x1e: {  	s23 =	simm.s32 $0x10100;
	s24 =	simm.s32 $0x10900;
	[smem:$0x7F8] =	sst s22  }
0x1f: {  	s25 =	simm.s32 $0x11100;
	s8 =	simm.s32 $0x100;
	[smem:$0x7F9] =	sst s7  }
0x20: {  	s26 =	simm.s32 $0x11900;
	s9 =	simm.s32 $0xD900;
	[smem:$0x7FA] =	sst s23  }
0x21: {  	s11 =	simm.s32 $0x12900;
	s5 =	smul.u32 $0x9, s3;
	[smem:$0x7FB] =	sst s24  }
0x22: {  	s12 =	simm.s32 $0x13100;
	s3 =	smul.u32 $0x1B00, s3;
	[smem:$0x7FC] =	sst s25  }
0x23: {  	s20 =	sshrl.u32 s4, $0x1;
	s7 =	simm.s32 $0x5;
	[smem:$0x7FD] =	sst s26  }
0x24: {  	s13 =	simm.s32 $0x13900;
	s15 =	simm.s32 $0x14900;
	s16 =	simm.s32 $0x15100  }
0x25: {  	s17 =	simm.s32 $0x15900;
	s18 =	simm.s32 $0x16100;
	s5 =	sadd.s32 s5, s1  }
0x26: {  	s19 =	simm.s32 $0x16900;
	s21 =	simm.s32 $0x17900;
	s6 =	sadd.s32 $0xAC200, s5  }
0x27: {  	s3 =	sadd.s32 s3, s1;
	s5 =	sadd.s32 $0xAC400, s5;
	[dreg:$0x2] =	wrdreg s6  }
0x28: {  	s22 =	simm.s32 $0x18100;
	s14 =	sadd.s32 $0x2E200, s3;
	[dreg:$0x3] =	wrdreg s5  }
0x29: {  	s23 =	simm.s32 $0x18900;
	s3 =	sadd.s32 $0x124A00, s3;
	[dreg:$0x4] =	wrdreg s14  }
0x2a: {  	s24 =	simm.s32 $0x19100;
	[dreg:$0x5] =	wrdreg s3;
	s5 =	simm.s32 $0x6900  }
0x2b: {  	s25 =	simm.s32 $0x19900;
	s6 =	simm.s32 $0x7100;
	[dreg:$0x13] =	wrdreg s5  }
0x2c: {  	s26 =	simm.s32 $0x1A100;
	s14 =	simm.s32 $0xB100;
	[dreg:$0x14] =	wrdreg s6  }
0x2d: {  	v2 =	vlaneseq.u32;
	s3 =	sadd.s32 $0xAC600, s1;
	[dreg:$0x1c] =	wrdreg s14;
	s6 =	ssub.s32 s4, s20  }
0x2e: {  	vm0 =	vmmov $0xffff;
	v1 =	vshrl.u32 v2, $0x3;
	s4 =	sadd.s32 $0xAC700, s1;
	s5 =	sadd.s32 $0xAC800, s1;
	s14 =	simm.s32 $0x14100  }
0x2f: {  	v0 =	vand.u32 $0x7, v2;
	v2 =	vor.u32 $0x8, v2;
	v1 =	vmul.u32 $0x8, v1;
	s20 =	simm.s32 $0x17100;
	s1 =	simm.s32 $0x4;
	s6 =	smax.u32 s6, $0x1  }
.LBB2_1:
0x30: {  	s0 =	rddreg [dreg:$0x2]  }
0x31: {  	[tilespmem:s2], [sflag:$0x5] =	stream.linear.gather [hbm4b:s0+s2], $0x48, $0x38;
	[tilespmem:$0x1B100] =	vst v63  }
0x32: {  	_ =	swait.ge [sflag:s7], $0x48  }
0x33: {  	s0 =	rddreg [dreg:$0x3];
	[sflag:s7] =	ssyncset.done $0x0  }
0x34: {  	s10 =	rddreg [dreg:$0x6];
	[sflag:s7] =	ssyncadd.s32 $0xFFFFFFB8  }
0x35: {  	[tilespmem:s10], [sflag:$0x5] =	stream.linear.gather [hbm4b:s0+s2], $0x48, $0x38;
	[tilespmem:$0x1B100] =	vst v63  }
0x36: {  	_ =	swait.ge [sflag:s7], $0x48  }
0x37: {  	[sflag:s7] =	ssyncset.done $0x0  }
0x38: {  	[sflag:s7] =	ssyncadd.s32 $0xFFFFFFB8  }
0x39: {  	v3 =	vld [tilespmem:$0x0];
	_ =	sdelay $0x4  }
0x3a: {  	v4 =	vshrl.u32 v3, $0x3  }
0x3b: {  	v4 =	vmul.u32 $0x30, v4  }
0x3c: {  	v3 =	vand.u32 $0x7, v3  }
0x3d: {  	v3 =	vor.u32 v3, v4  }
0x3e: {  	v4 =	vperm.xlane v3, v0;
	_ =	sdelay $0x1  }
0x3f: {  	v4 =	vadd.s32 v1, v4;
	_ =	sdelay $0x3  }
0x40: {  	v3 =	vperm.xlane v3, v2  }
0x41: {  	[tilespmem:s8], [sflag:$0x1] =	stream.indirect_vreg.gather [hbm4b:s3+s2], $0x80, v4, vm0, $0xb8;
	[tilespmem:$0x1B100] =	vst v63  }
0x42: {  	s0 =	rddreg [dreg:$0x7];
	v3 =	vadd.s32 v1, v3  }
0x43: {  	[tilespmem:s0], [sflag:$0x1] =	stream.indirect_vreg.gather [hbm4b:s4+s2], $0x80, v4, vm0, $0xb8;
	[tilespmem:$0x1B100] =	vst v63  }
0x44: {  	s10 =	rddreg [dreg:$0x8]  }
0x45: {  	[tilespmem:s10], [sflag:$0x1] =	stream.indirect_vreg.gather [hbm4b:s5+s2], $0x80, v4, vm0, $0xb8;
	[tilespmem:$0x1B100] =	vst v63  }
0x46: {  	s0 =	rddreg [dreg:$0x9]  }
0x47: {  	[tilespmem:s0], [sflag:$0x1] =	stream.indirect_vreg.gather [hbm4b:s3+s2], $0x80, v3, vm0, $0xb8;
	[tilespmem:$0x1B100] =	vst v63  }
0x48: {  	s10 =	rddreg [dreg:$0xa]  }
0x49: {  	[tilespmem:s10], [sflag:$0x1] =	stream.indirect_vreg.gather [hbm4b:s4+s2], $0x80, v3, vm0, $0xb8;
	[tilespmem:$0x1B100] =	vst v63  }
0x4a: {  	s0 =	rddreg [dreg:$0xb]  }
0x4b: {  	[tilespmem:s0], [sflag:$0x1] =	stream.indirect_vreg.gather [hbm4b:s5+s2], $0x80, v3, vm0, $0xb8;
	[tilespmem:$0x1B100] =	vst v63  }
0x4c: {  	v3 =	vld [tilespmem:$0x10];
	_ =	sdelay $0x4  }
0x4d: {  	v55 =	vshrl.u32 v3, $0x3  }
0x4e: {  	v4 =	vmul.u32 $0x30, v55  }
0x4f: {  	v3 =	vand.u32 $0x7, v3  }
0x50: {  	v3 =	vor.u32 v3, v4  }
0x51: {  	v4 =	vperm.xlane v3, v0;
	_ =	sdelay $0x1  }
0x52: {  	v4 =	vadd.s32 v1, v4;
	_ =	sdelay $0x3  }
0x53: {  	s0 =	rddreg [dreg:$0xc];
	v3 =	vperm.xlane v3, v2  }
0x54: {  	[tilespmem:s0], [sflag:$0x1] =	stream.indirect_vreg.gather [hbm4b:s3+s2], $0x80, v4, vm0, $0xb8;
	[tilespmem:$0x1B100] =	vst v63  }
0x55: {  	s10 =	rddreg [dreg:$0xd];
	v3 =	vadd.s32 v1, v3  }
0x56: {  	[tilespmem:s10], [sflag:$0x1] =	stream.indirect_vreg.gather [hbm4b:s4+s2], $0x80, v4, vm0, $0xb8;
	[tilespmem:$0x1B100] =	vst v63  }
0x57: {  	s0 =	rddreg [dreg:$0xe]  }
0x58: {  	[tilespmem:s0], [sflag:$0x1] =	stream.indirect_vreg.gather [hbm4b:s5+s2], $0x80, v4, vm0, $0xb8;
	[tilespmem:$0x1B100] =	vst v63  }
0x59: {  	s10 =	rddreg [dreg:$0xf]  }
0x5a: {  	[tilespmem:s10], [sflag:$0x1] =	stream.indirect_vreg.gather [hbm4b:s3+s2], $0x80, v3, vm0, $0xb8;
	[tilespmem:$0x1B100] =	vst v63  }
0x5b: {  	s0 =	rddreg [dreg:$0x10]  }
0x5c: {  	[tilespmem:s0], [sflag:$0x1] =	stream.indirect_vreg.gather [hbm4b:s4+s2], $0x80, v3, vm0, $0xb8;
	[tilespmem:$0x1B100] =	vst v63  }
0x5d: {  	s10 =	rddreg [dreg:$0x11]  }
0x5e: {  	[tilespmem:s10], [sflag:$0x1] =	stream.indirect_vreg.gather [hbm4b:s5+s2], $0x80, v3, vm0, $0xb8;
	[tilespmem:$0x1B100] =	vst v63  }
0x5f: {  	v3 =	vld [tilespmem:$0x20];
	_ =	sdelay $0x4  }
0x60: {  	v56 =	vshrl.u32 v3, $0x3  }
0x61: {  	v4 =	vmul.u32 $0x30, v56  }
0x62: {  	v3 =	vand.u32 $0x7, v3  }
0x63: {  	v3 =	vor.u32 v3, v4  }
0x64: {  	v4 =	vperm.xlane v3, v0;
	_ =	sdelay $0x1  }
0x65: {  	v4 =	vadd.s32 v1, v4;
	_ =	sdelay $0x3  }
0x66: {  	s0 =	rddreg [dreg:$0x12];
	v3 =	vperm.xlane v3, v2  }
0x67: {  	[tilespmem:s0], [sflag:$0x1] =	stream.indirect_vreg.gather [hbm4b:s3+s2], $0x80, v4, vm0, $0xb8;
	[tilespmem:$0x1B100] =	vst v63  }
0x68: {  	s10 =	rddreg [dreg:$0x13];
	v3 =	vadd.s32 v1, v3  }
0x69: {  	[tilespmem:s10], [sflag:$0x1] =	stream.indirect_vreg.gather [hbm4b:s4+s2], $0x80, v4, vm0, $0xb8;
	[tilespmem:$0x1B100] =	vst v63  }
0x6a: {  	s0 =	rddreg [dreg:$0x14]  }
0x6b: {  	[tilespmem:s0], [sflag:$0x1] =	stream.indirect_vreg.gather [hbm4b:s5+s2], $0x80, v4, vm0, $0xb8;
	[tilespmem:$0x1B100] =	vst v63  }
0x6c: {  	s10 =	rddreg [dreg:$0x15]  }
0x6d: {  	[tilespmem:s10], [sflag:$0x1] =	stream.indirect_vreg.gather [hbm4b:s3+s2], $0x80, v3, vm0, $0xb8;
	[tilespmem:$0x1B100] =	vst v63  }
0x6e: {  	s0 =	rddreg [dreg:$0x16]  }
0x6f: {  	[tilespmem:s0], [sflag:$0x1] =	stream.indirect_vreg.gather [hbm4b:s4+s2], $0x80, v3, vm0, $0xb8;
	[tilespmem:$0x1B100] =	vst v63  }
0x70: {  	s10 =	rddreg [dreg:$0x17]  }
0x71: {  	[tilespmem:s10], [sflag:$0x1] =	stream.indirect_vreg.gather [hbm4b:s5+s2], $0x80, v3, vm0, $0xb8;
	[tilespmem:$0x1B100] =	vst v63  }
0x72: {  	v3 =	vld [tilespmem:$0x30];
	_ =	sdelay $0x4  }
0x73: {  	v57 =	vshrl.u32 v3, $0x3  }
0x74: {  	v4 =	vmul.u32 $0x30, v57  }
0x75: {  	v3 =	vand.u32 $0x7, v3  }
0x76: {  	v3 =	vor.u32 v3, v4  }
0x77: {  	v4 =	vperm.xlane v3, v0;
	_ =	sdelay $0x1  }
0x78: {  	v4 =	vadd.s32 v1, v4;
	_ =	sdelay $0x3  }
0x79: {  	s0 =	rddreg [dreg:$0x18];
	v3 =	vperm.xlane v3, v2  }
0x7a: {  	[tilespmem:s0], [sflag:$0x1] =	stream.indirect_vreg.gather [hbm4b:s3+s2], $0x80, v4, vm0, $0xb8;
	[tilespmem:$0x1B100] =	vst v63  }
0x7b: {  	s10 =	rddreg [dreg:$0x19];
	v3 =	vadd.s32 v1, v3  }
0x7c: {  	[tilespmem:s10], [sflag:$0x1] =	stream.indirect_vreg.gather [hbm4b:s4+s2], $0x80, v4, vm0, $0xb8;
	[tilespmem:$0x1B100] =	vst v63  }
0x7d: {  	s0 =	rddreg [dreg:$0x1a]  }
0x7e: {  	[tilespmem:s0], [sflag:$0x1] =	stream.indirect_vreg.gather [hbm4b:s5+s2], $0x80, v4, vm0, $0xb8;
	[tilespmem:$0x1B100] =	vst v63  }
0x7f: {  	s10 =	rddreg [dreg:$0x1b]  }
0x80: {  	[tilespmem:s10], [sflag:$0x1] =	stream.indirect_vreg.gather [hbm4b:s3+s2], $0x80, v3, vm0, $0xb8;
	[tilespmem:$0x1B100] =	vst v63  }
0x81: {  	s0 =	rddreg [dreg:$0x1c]  }
0x82: {  	[tilespmem:s0], [sflag:$0x1] =	stream.indirect_vreg.gather [hbm4b:s4+s2], $0x80, v3, vm0, $0xb8;
	[tilespmem:$0x1B100] =	vst v63  }
0x83: {  	s10 =	rddreg [dreg:$0x1d]  }
0x84: {  	[tilespmem:s10], [sflag:$0x1] =	stream.indirect_vreg.gather [hbm4b:s5+s2], $0x80, v3, vm0, $0xb8;
	[tilespmem:$0x1B100] =	vst v63  }
0x85: {  	v3 =	vld.msk [tilespmem:$0x40], $0xff;
	_ =	sdelay $0x4  }
0x86: {  	v58 =	vshrl.u32 v3, $0x3  }
0x87: {  	v4 =	vmul.u32 $0x30, v58  }
0x88: {  	v3 =	vand.u32 $0x7, v3  }
0x89: {  	v3 =	vor.u32 v3, v4  }
0x8a: {  	v3 =	vperm.xlane v3, v0;
	_ =	sdelay $0x1  }
0x8b: {  	v3 =	vadd.s32 v1, v3;
	_ =	sdelay $0x2  }
0x8c: {  	s0 =	rddreg [dreg:$0x1e]  }
0x8d: {  	s10 =	rddreg [dreg:$0x1f]  }
0x8e: {  	[tilespmem:s0], [sflag:$0x1] =	stream.indirect_vreg.gather [hbm4b:s3+s2], $0x80, v3, vm0, $0xb8;
	[tilespmem:$0x1B100] =	vst v63  }
0x8f: {  	s0 =	sld [smem:$0x7F5]  }
0x90: {  	[tilespmem:s10], [sflag:$0x1] =	stream.indirect_vreg.gather [hbm4b:s4+s2], $0x80, v3, vm0, $0xb8;
	[tilespmem:$0x1B100] =	vst v63  }
0x91: {  	_ = 	snop  }
0x92: {  	[tilespmem:s0], [sflag:$0x1] =	stream.indirect_vreg.gather [hbm4b:s5+s2], $0x80, v3, vm0, $0xb8;
	[tilespmem:$0x1B100] =	vst v63  }
0x93: {  	v3 =	vld [tilespmem:$0x80];
	_ =	sdelay $0x4  }
0x94: {  	v59 =	vshrl.u32 v3, $0x3  }
0x95: {  	v4 =	vmul.u32 $0x30, v59  }
0x96: {  	v3 =	vand.u32 $0x7, v3  }
0x97: {  	v3 =	vor.u32 v3, v4  }
0x98: {  	v4 =	vperm.xlane v3, v0;
	_ =	sdelay $0x1  }
0x99: {  	v4 =	vadd.s32 v1, v4;
	_ =	sdelay $0x3  }
0x9a: {  	s0 =	sld [smem:$0x7F6];
	v3 =	vperm.xlane v3, v2  }
0x9b: {  	[tilespmem:s9], [sflag:$0x2] =	stream.indirect_vreg.gather [hbm4b:s3+s2], $0x80, v4, vm0, $0xb8;
	[tilespmem:$0x1B100] =	vst v63  }
0x9c: {  	s10 =	sld [smem:$0x7F7];
	v3 =	vadd.s32 v1, v3  }
0x9d: {  	[tilespmem:s0], [sflag:$0x2] =	stream.indirect_vreg.gather [hbm4b:s4+s2], $0x80, v4, vm0, $0xb8;
	[tilespmem:$0x1B100] =	vst v63  }
0x9e: {  	s0 =	sld [smem:$0x7F8]  }
0x9f: {  	[tilespmem:s10], [sflag:$0x2] =	stream.indirect_vreg.gather [hbm4b:s5+s2], $0x80, v4, vm0, $0xb8;
	[tilespmem:$0x1B100] =	vst v63  }
0xa0: {  	s10 =	sld [smem:$0x7F9]  }
0xa1: {  	[tilespmem:s0], [sflag:$0x2] =	stream.indirect_vreg.gather [hbm4b:s3+s2], $0x80, v3, vm0, $0xb8;
	[tilespmem:$0x1B100] =	vst v63  }
0xa2: {  	s0 =	sld [smem:$0x7FA]  }
0xa3: {  	[tilespmem:s10], [sflag:$0x2] =	stream.indirect_vreg.gather [hbm4b:s4+s2], $0x80, v3, vm0, $0xb8;
	[tilespmem:$0x1B100] =	vst v63  }
0xa4: {  	_ = 	snop  }
0xa5: {  	[tilespmem:s0], [sflag:$0x2] =	stream.indirect_vreg.gather [hbm4b:s5+s2], $0x80, v3, vm0, $0xb8;
	[tilespmem:$0x1B100] =	vst v63  }
0xa6: {  	v3 =	vld [tilespmem:$0x90];
	_ =	sdelay $0x4  }
0xa7: {  	v60 =	vshrl.u32 v3, $0x3  }
0xa8: {  	v4 =	vmul.u32 $0x30, v60  }
0xa9: {  	v3 =	vand.u32 $0x7, v3  }
0xaa: {  	v3 =	vor.u32 v3, v4  }
0xab: {  	v4 =	vperm.xlane v3, v0;
	_ =	sdelay $0x1  }
0xac: {  	v4 =	vadd.s32 v1, v4;
	_ =	sdelay $0x1  }
0xad: {  	s0 =	sld [smem:$0x7FB];
	_ =	sdelay $0x1  }
0xae: {  	s10 =	sld [smem:$0x7FC];
	v3 =	vperm.xlane v3, v2  }
0xaf: {  	[tilespmem:s0], [sflag:$0x2] =	stream.indirect_vreg.gather [hbm4b:s3+s2], $0x80, v4, vm0, $0xb8;
	[tilespmem:$0x1B100] =	vst v63  }
0xb0: {  	v3 =	vadd.s32 v1, v3;
	s0 =	sld [smem:$0x7FD]  }
0xb1: {  	[tilespmem:s10], [sflag:$0x2] =	stream.indirect_vreg.gather [hbm4b:s4+s2], $0x80, v4, vm0, $0xb8;
	[tilespmem:$0x1B100] =	vst v63  }
0xb2: {  	_ = 	snop  }
0xb3: {  	[tilespmem:s0], [sflag:$0x2] =	stream.indirect_vreg.gather [hbm4b:s5+s2], $0x80, v4, vm0, $0xb8;
	[tilespmem:$0x1B100] =	vst v63  }
0xb4: {  	s10 =	simm.s32 $0x12100  }
0xb5: {  	[tilespmem:s10], [sflag:$0x2] =	stream.indirect_vreg.gather [hbm4b:s3+s2], $0x80, v3, vm0, $0xb8;
	[tilespmem:$0x1B100] =	vst v63  }
0xb6: {  	_ = 	snop  }
0xb7: {  	[tilespmem:s11], [sflag:$0x2] =	stream.indirect_vreg.gather [hbm4b:s4+s2], $0x80, v3, vm0, $0xb8;
	[tilespmem:$0x1B100] =	vst v63  }
0xb8: {  	_ = 	snop  }
0xb9: {  	[tilespmem:s12], [sflag:$0x2] =	stream.indirect_vreg.gather [hbm4b:s5+s2], $0x80, v3, vm0, $0xb8;
	[tilespmem:$0x1B100] =	vst v63  }
0xba: {  	v3 =	vld [tilespmem:$0xA0];
	_ =	sdelay $0x4  }
0xbb: {  	v61 =	vshrl.u32 v3, $0x3  }
0xbc: {  	v4 =	vmul.u32 $0x30, v61  }
0xbd: {  	v3 =	vand.u32 $0x7, v3  }
0xbe: {  	v3 =	vor.u32 v3, v4  }
0xbf: {  	v4 =	vperm.xlane v3, v0;
	_ =	sdelay $0x1  }
0xc0: {  	v4 =	vadd.s32 v1, v4;
	_ =	sdelay $0x3  }
0xc1: {  	v3 =	vperm.xlane v3, v2  }
0xc2: {  	[tilespmem:s13], [sflag:$0x2] =	stream.indirect_vreg.gather [hbm4b:s3+s2], $0x80, v4, vm0, $0xb8;
	[tilespmem:$0x1B100] =	vst v63  }
0xc3: {  	v3 =	vadd.s32 v1, v3  }
0xc4: {  	[tilespmem:s14], [sflag:$0x2] =	stream.indirect_vreg.gather [hbm4b:s4+s2], $0x80, v4, vm0, $0xb8;
	[tilespmem:$0x1B100] =	vst v63  }
0xc5: {  	_ = 	snop  }
0xc6: {  	[tilespmem:s15], [sflag:$0x2] =	stream.indirect_vreg.gather [hbm4b:s5+s2], $0x80, v4, vm0, $0xb8;
	[tilespmem:$0x1B100] =	vst v63  }
0xc7: {  	_ = 	snop  }
0xc8: {  	[tilespmem:s16], [sflag:$0x2] =	stream.indirect_vreg.gather [hbm4b:s3+s2], $0x80, v3, vm0, $0xb8;
	[tilespmem:$0x1B100] =	vst v63  }
0xc9: {  	_ = 	snop  }
0xca: {  	[tilespmem:s17], [sflag:$0x2] =	stream.indirect_vreg.gather [hbm4b:s4+s2], $0x80, v3, vm0, $0xb8;
	[tilespmem:$0x1B100] =	vst v63  }
0xcb: {  	_ = 	snop  }
0xcc: {  	[tilespmem:s18], [sflag:$0x2] =	stream.indirect_vreg.gather [hbm4b:s5+s2], $0x80, v3, vm0, $0xb8;
	[tilespmem:$0x1B100] =	vst v63  }
0xcd: {  	v3 =	vld [tilespmem:$0xB0];
	_ =	sdelay $0x4  }
0xce: {  	v62 =	vshrl.u32 v3, $0x3  }
0xcf: {  	v4 =	vmul.u32 $0x30, v62  }
0xd0: {  	v3 =	vand.u32 $0x7, v3  }
0xd1: {  	v3 =	vor.u32 v3, v4  }
0xd2: {  	v4 =	vperm.xlane v3, v0;
	_ =	sdelay $0x1  }
0xd3: {  	v4 =	vadd.s32 v1, v4;
	_ =	sdelay $0x3  }
0xd4: {  	v3 =	vperm.xlane v3, v2  }
0xd5: {  	[tilespmem:s19], [sflag:$0x2] =	stream.indirect_vreg.gather [hbm4b:s3+s2], $0x80, v4, vm0, $0xb8;
	[tilespmem:$0x1B100] =	vst v63  }
0xd6: {  	v3 =	vadd.s32 v1, v3  }
0xd7: {  	[tilespmem:s20], [sflag:$0x2] =	stream.indirect_vreg.gather [hbm4b:s4+s2], $0x80, v4, vm0, $0xb8;
	[tilespmem:$0x1B100] =	vst v63  }
0xd8: {  	_ = 	snop  }
0xd9: {  	[tilespmem:s21], [sflag:$0x2] =	stream.indirect_vreg.gather [hbm4b:s5+s2], $0x80, v4, vm0, $0xb8;
	[tilespmem:$0x1B100] =	vst v63  }
0xda: {  	_ = 	snop  }
0xdb: {  	[tilespmem:s22], [sflag:$0x2] =	stream.indirect_vreg.gather [hbm4b:s3+s2], $0x80, v3, vm0, $0xb8;
	[tilespmem:$0x1B100] =	vst v63  }
0xdc: {  	_ = 	snop  }
0xdd: {  	[tilespmem:s23], [sflag:$0x2] =	stream.indirect_vreg.gather [hbm4b:s4+s2], $0x80, v3, vm0, $0xb8;
	[tilespmem:$0x1B100] =	vst v63  }
0xde: {  	_ = 	snop  }
0xdf: {  	[tilespmem:s24], [sflag:$0x2] =	stream.indirect_vreg.gather [hbm4b:s5+s2], $0x80, v3, vm0, $0xb8;
	[tilespmem:$0x1B100] =	vst v63  }
0xe0: {  	v3 =	vld.msk [tilespmem:$0xC0], $0xff;
	_ =	sdelay $0x4  }
0xe1: {  	v63 =	vshrl.u32 v3, $0x3  }
0xe2: {  	v4 =	vmul.u32 $0x30, v63  }
0xe3: {  	v3 =	vand.u32 $0x7, v3  }
0xe4: {  	v3 =	vor.u32 v3, v4  }
0xe5: {  	v3 =	vperm.xlane v3, v0;
	_ =	sdelay $0x1  }
0xe6: {  	v3 =	vadd.s32 v1, v3;
	_ =	sdelay $0x4  }
0xe7: {  	[tilespmem:s25], [sflag:$0x2] =	stream.indirect_vreg.gather [hbm4b:s3+s2], $0x80, v3, vm0, $0xb8;
	[tilespmem:$0x1B100] =	vst v63  }
0xe8: {  	_ = 	snop  }
0xe9: {  	[tilespmem:s26], [sflag:$0x2] =	stream.indirect_vreg.gather [hbm4b:s4+s2], $0x80, v3, vm0, $0xb8;
	[tilespmem:$0x1B100] =	vst v63  }
0xea: {  	_ = 	snop  }
0xeb: {  	[tilespmem:s28], [sflag:$0x2] =	stream.indirect_vreg.gather [hbm4b:s5+s2], $0x80, v3, vm0, $0xb8;
	[tilespmem:$0x1B100] =	vst v63  }
0xec: {  	_ =	swait.ge [sflag:s29], $0xD800  }
0xed: {  	[sflag:s29] =	ssyncset.done $0x0  }
0xee: {  	s10 =	rddreg [dreg:$0x4];
	[sflag:s29] =	ssyncadd.s32 $0xFFFF2800  }
0xef: {  	[hbm4b:s10+s2] =	stream.linear.scatter [tilespmem:s8], [sflag:$0x3], $0xD800, $0x38;
	[tilespmem:$0x1B100] =	vst v63  }
0xf0: {  	_ =	swait.ge [sflag:s30], $0xD800  }
0xf1: {  	[sflag:s30] =	ssyncset.done $0x0  }
0xf2: {  	s10 =	rddreg [dreg:$0x5];
	[sflag:s30] =	ssyncadd.s32 $0xFFFF2800  }
0xf3: {  	[hbm4b:s10+s2] =	stream.linear.scatter [tilespmem:s9], [sflag:$0x4], $0xD800, $0x38;
	[tilespmem:$0x1B100] =	vst v63  }
0xf4: {  	p0 =	sne.s32 s6, $0x1;
	_ =	swait.ge [sflag:s31], $0xD800  }
.Ltmp0:
0xf5: {  	[sflag:s31] =	ssyncset.done $0x0;
	(pc) =	sbr.rel @p0 .LBB2_1-.Ltmp0, $4  }
0xf6: {  	[sflag:s31] =	ssyncadd.s32 $0xFFFF2800  }
0xf7: {  	_ =	swait.ge [sflag:s1], $0xD800  }
0xf8: {  	[sflag:s1] =	ssyncset.done $0x0  }
0xf9: {  	s6 =	sadd.s32 $0xFFFFFFFF, s6;
	[sflag:s1] =	ssyncadd.s32 $0xFFFF2800  }
0xfa: {  	_ =	sfence.sel $0x180000  }
0xfb: {  	[bflag:$0x0] =	sbarrier.arrive $0xFFFF  }
0xfc: {  	_ =	strace $0x9000004A  }
0xfd: {  	s0 =	stileid.u32;
	[bflag:$0x2] =	sbarrier.arrive $0xFFFF  }
0xfe: {  	p0 =	sne.s32 s0, $0x0;
	s0 =	rddreg [dreg:$0x1]  }
0xff: {  	s0 =	sadd.s32 @!p0 $0x100000, s0  }
0x100: {  	[sflag:s0] =	ssyncadd.tile.s32 @!p0 $0x1;
	_ =	shalt  }
.Lfunc_end2:
_tile_overlayer_lowered:
.L_overlay_start_2:
0x101: {  	(tag) =	ssettag $0x2  }
0x102: {  	s0 =	rddreg [dreg:$0x0];
	s2 =	stileid.u32  }
0x103: {  	s1 =	rddreg [dreg:$0x1];
	p0 =	sne.s32 s2, $0x0  }
0x104: {  	s3 =	rddreg [dreg:$0x2];
	[bflag:$0x3] =	sbarrier.arrive $0xFFFF;
	s2 =	simm.s32 @!p0 $0x1C05  }
0x105: {  	[timem:s3], [sflag:s2] =	dma.local @!p0 [hbm:s0], s1  }
0x106: {  	s0 =	simm.s32 @!p0 $0x5  }
0x107: {  	_ =	swait.ge @!p0 [sflag:s0], s1  }
0x108: {  	s1 =	ssub.s32 @!p0 $0x0, s1;
	[sflag:s0] =	ssyncset.done @!p0 $0x0  }
0x109: {  	[sflag:s0] =	ssyncadd.s32 @!p0 s1  }
0x10a: {  	[bflag:$0x3] =	sbarrier.arrive $0xFFFF  }
0x10b: {  	_ =	shalt  }

</sc_bundles>
